<compile_context>
chip_gen: v7x
topology: tpu7x:2x2x1
jax: 0.10.2.dev20260603
libtpu: 0.0.44.dev20260713+nightly
codegen_flags: <defaults>
</compile_context>

<pallas_src>
import functools

import jax
import jax.numpy as jnp
from jax import lax
from jax.experimental import pallas as pl
from jax.experimental.pallas import tpu as pltpu
from jax.experimental.pallas import tpu_sc as plsc

N_NODES = 10000
D_FEAT = 256
NSEG = 64
NCLS = 10
NCLS_PAD = 16

ACC_W = 272
CH = 16
BR = 80
NBLK = N_NODES // BR
NSUBCH = BR // CH
NCORES = 2
NSUB = 16
NW = NCORES * NSUB
BPW = -(-NBLK // NW)
LANES = 16

_mesh = plsc.VectorSubcoreMesh(core_axis_name="c", subcore_axis_name="s")


@functools.partial(
    pl.kernel,
    out_type=(
        jax.ShapeDtypeStruct((NSUB, NSEG, ACC_W), jnp.float32),
        jax.ShapeDtypeStruct((NSUB, NSEG, ACC_W), jnp.float32),
    ),
    mesh=_mesh,
    scratch_types=[
        pltpu.VMEM((2, BR, D_FEAT), jnp.float32),
        pltpu.VMEM((2, BR), jnp.int32),
        pltpu.VMEM((NSEG, ACC_W), jnp.float32),
        pltpu.SemaphoreType.DMA,
        pltpu.SemaphoreType.DMA,
        pltpu.SemaphoreType.DMA,
        pltpu.SemaphoreType.DMA,
    ],
)
def _segsum_sc(x_hbm, batch_hbm, out0_hbm, out1_hbm, xbuf, bbuf, acc,
               sx0, sx1, sb0, sb1):
    cid = lax.axis_index("c")
    sid = lax.axis_index("s")
    w = cid * NSUB + sid
    sx = (sx0, sx1)
    sb = (sb0, sb1)

    def _zrow(s, carry):
        for t in range(ACC_W // LANES):
            acc[s, pl.ds(t * LANES, LANES)] = jnp.zeros((LANES,), jnp.float32)
        return carry
    lax.fori_loop(0, NSEG, _zrow, 0)

    def _start(j, b):
        bk = w + NW * j

        @pl.when(bk < NBLK)
        def _():
            pltpu.async_copy(x_hbm.at[pl.ds(bk * BR, BR)], xbuf.at[b], sx[b])
            pltpu.async_copy(batch_hbm.at[pl.ds(bk * BR, BR)], bbuf.at[b], sb[b])

    def _wait(b):
        pltpu.make_async_copy(x_hbm.at[pl.ds(0, BR)], xbuf.at[b], sx[b]).wait()
        pltpu.make_async_copy(batch_hbm.at[pl.ds(0, BR)], bbuf.at[b], sb[b]).wait()

    _start(0, 0)
    _start(1, 1)

    def _group(g, carry):
        for b in range(2):
            j = g * 2 + b
            bk = w + NW * j

            @pl.when(bk < NBLK)
            def _():
                _wait(b)
                e0 = jnp.clip(
                    1.0 - lax.iota(jnp.int32, 16).astype(jnp.float32), 0.0, 1.0)

                def _sub(s, carry2):
                    r0 = s * CH
                    bvec = bbuf[b, pl.ds(r0, CH)]
                    uniform = bvec[0] == bvec[CH - 1]

                    @pl.when(uniform)
                    def _():
                        seg = bvec[0]

                        @plsc.parallel_loop(0, D_FEAT // LANES, step=1,
                                            unroll=2)
                        def _t(t):
                            sl = pl.ds(t * LANES, LANES)
                            p0 = xbuf[b, r0 + 0, sl] + xbuf[b, r0 + 1, sl]
                            p1 = xbuf[b, r0 + 2, sl] + xbuf[b, r0 + 3, sl]
                            p2 = xbuf[b, r0 + 4, sl] + xbuf[b, r0 + 5, sl]
                            p3 = xbuf[b, r0 + 6, sl] + xbuf[b, r0 + 7, sl]
                            p4 = xbuf[b, r0 + 8, sl] + xbuf[b, r0 + 9, sl]
                            p5 = xbuf[b, r0 + 10, sl] + xbuf[b, r0 + 11, sl]
                            p6 = xbuf[b, r0 + 12, sl] + xbuf[b, r0 + 13, sl]
                            p7 = xbuf[b, r0 + 14, sl] + xbuf[b, r0 + 15, sl]
                            s16 = (((p0 + p1) + (p2 + p3))
                                   + ((p4 + p5) + (p6 + p7)))
                            plsc.addupdate(acc.at[seg, sl], s16)
                        plsc.addupdate(acc.at[seg, pl.ds(D_FEAT, LANES)],
                                       e0 * float(CH))

                    @pl.when(jnp.logical_not(uniform))
                    def _():
                        for i in range(CH):
                            seg = bvec[i]

                            @plsc.parallel_loop(0, D_FEAT // LANES, step=1,
                                                unroll=2)
                            def _col(t, seg=seg, i=i):
                                plsc.addupdate(
                                    acc.at[seg, pl.ds(t * LANES, LANES)],
                                    xbuf[b, r0 + i, pl.ds(t * LANES, LANES)],
                                )
                            plsc.addupdate(
                                acc.at[seg, pl.ds(D_FEAT, LANES)], e0)
                    return carry2
                lax.fori_loop(0, NSUBCH, _sub, 0)
            _start(j + 2, b)
        return carry
    lax.fori_loop(0, BPW // 2, _group, 0)

    @pl.when(cid == 0)
    def _():
        pltpu.sync_copy(acc, out0_hbm.at[sid])

    @pl.when(cid == 1)
    def _():
        pltpu.sync_copy(acc, out1_hbm.at[sid])


def _pool_linear_tc(p0_ref, p1_ref, w_ref, b_ref, o_ref):
    p = jnp.sum(p0_ref[...], axis=0) + jnp.sum(p1_ref[...], axis=0)
    cnt = jnp.clip(p[:, D_FEAT:D_FEAT + 1], 1.0, None)
    pooled = p[:, :D_FEAT] / cnt
    res = lax.dot_general(
        w_ref[...], pooled, (((1,), (1,)), ((), ())),
        preferred_element_type=jnp.float32,
    ) + b_ref[...]
    o_ref[...] = res[:NCLS, :]


@jax.jit
def kernel(x, edge_index, batch, W, b):
    del edge_index
    p0, p1 = _segsum_sc(x, batch)
    w_pad = jnp.zeros((NCLS_PAD, D_FEAT), jnp.float32).at[:NCLS].set(W)
    b_pad = jnp.zeros((NCLS_PAD, 1), jnp.float32).at[:NCLS, 0].set(b)
    out_t = pl.pallas_call(
        _pool_linear_tc,
        out_shape=jax.ShapeDtypeStruct((NCLS, NSEG), jnp.float32),
    )(p0, p1, w_pad, b_pad)
    return out_t.T

# --- scband reference (transcript-rebuilt; emitter-appended) ---
"""Pipeline reference for scband-linear-baseline-84052509983289 (READ-ONLY COPY).

The authoritative reference and input builder live on the scoring server;
editing this copy changes nothing except your own understanding.
"""

import jax, jax.numpy as jnp
import numpy as np

N_NODES = 10000
D_FEAT = 256
N_EDGES = 320000
NUM_SEGMENTS = 64
NUM_CLASSES = 10


def setup_inputs(seed: int = 0) -> dict:
    key = jax.random.key(seed)
    k1, k2, k3, k4, k5 = jax.random.split(key, 5)
    x = jax.random.normal(k1, (N_NODES, D_FEAT), dtype=jnp.float32)
    edge_index = jax.random.randint(k2, (2, N_EDGES), 0, N_NODES, dtype=jnp.int32)
    batch = jnp.sort(jax.random.randint(k3, (N_NODES,), 0, NUM_SEGMENTS, dtype=jnp.int32))
    # Linear classifier params: weight [num_classes, num_features], bias [num_classes]
    W = jax.random.normal(k4, (NUM_CLASSES, D_FEAT), dtype=jnp.float32) * (1.0 / np.sqrt(D_FEAT))
    b = jax.random.normal(k5, (NUM_CLASSES,), dtype=jnp.float32) * (1.0 / np.sqrt(D_FEAT))
    return {"x": x, "edge_index": edge_index, "batch": batch, "W": W, "b": b}


def reference(x, edge_index, batch, W, b):
    # global_mean_pool: segment-mean of node features over graph ids
    sums = jax.ops.segment_sum(x, batch, num_segments=NUM_SEGMENTS)
    counts = jax.ops.segment_sum(jnp.ones((x.shape[0],), dtype=x.dtype), batch, num_segments=NUM_SEGMENTS)
    counts = jnp.clip(counts, 1.0, None)
    pooled = sums / counts[:, None]
    # Linear classifier
    out = pooled @ W.T + b
    return out

if __name__ == "__main__":
    import jax
    _d = setup_inputs()
    print(jax.jit(kernel)(*tuple(_d.values())))

</pallas_src>

<mosaic_0001>
#map = affine_map<(d0, d1) -> (0, 0)>
#map1 = affine_map<(d0, d1) -> (0)>
#map2 = affine_map<(d0, d1) -> (0, 0, 0)>
module attributes {stable_mosaic.version = 14 : i64} {
  func.func @_segsum_sc(%arg0: i32, %arg1: i32, %arg2: memref<10000x256xf32, #tpu.memory_space<hbm>>, %arg3: memref<10000xi32, #tpu.memory_space<hbm>>, %arg4: memref<16x64x272xf32, #tpu.memory_space<hbm>>, %arg5: memref<16x64x272xf32, #tpu.memory_space<hbm>>, %arg6: memref<2x80x256xf32, #tpu.memory_space<vmem>>, %arg7: memref<2x80xi32, #tpu.memory_space<vmem>>, %arg8: memref<64x272xf32, #tpu.memory_space<vmem>>, %arg9: memref<!tpu.dma_semaphore, #tpu.memory_space<semaphore_mem>>, %arg10: memref<!tpu.dma_semaphore, #tpu.memory_space<semaphore_mem>>, %arg11: memref<!tpu.dma_semaphore, #tpu.memory_space<semaphore_mem>>, %arg12: memref<!tpu.dma_semaphore, #tpu.memory_space<semaphore_mem>>) attributes {dimension_semantics = [#tpu.dimension_semantics<core_parallel>, #tpu.dimension_semantics<subcore_parallel>], iteration_bounds = array<i64: 2, 16>, scalar_prefetch = 0 : i64, scratch_operands = 7 : i64, tpu.core_type = #tpu.core_type<sc_vector_subcore>, window_params = [{transform_indices = #map}, {transform_indices = #map1}, {transform_indices = #map2}, {transform_indices = #map2}]} {
    %mul3A = arith.constant 16 : i32
    %mul3A_0 = arith.muli %arg0, %mul3A : i32
    %add3A = arith.addi %mul3A_0, %arg1 : i32
    %scan3A = arith.constant 0 : i32
    %scan3A_1 = arith.constant 0 : i32
    %scan3A_2 = arith.constant 64 : i32
    %scan3A_3 = arith.addi %scan3A_1, %scan3A_2 : i32
    %scan3A_4 = arith.constant 1 : i32
    scf.for %scan3A_32 = %scan3A_1 to %scan3A_3 step %scan3A_4  : i32 {
      %broadcast_in_dim3A = arith.constant 0.000000e+00 : f32
      %broadcast_in_dim3A_33 = vector.broadcast %broadcast_in_dim3A : f32 to vector<16xf32>
      %swap3A = arith.index_cast %scan3A_32 : i32 to index
      %swap3A_34 = arith.constant 0 : index
      %swap3A_35 = tpu.vector_load %arg8[%swap3A, %swap3A_34] {strides = array<i32>} : memref<64x272xf32, #tpu.memory_space<vmem>>, vector<1x16xf32>,
      %swap3A_36 = vector.shape_cast %swap3A_35 : vector<1x16xf32> to vector<16xf32>
      %swap3A_37 = vector.shape_cast %broadcast_in_dim3A_33 : vector<16xf32> to vector<1x16xf32>
      tpu.vector_store %arg8[%swap3A, %swap3A_34], %swap3A_37 {strides = array<i32>} : memref<64x272xf32, #tpu.memory_space<vmem>>, vector<1x16xf32>,
      %broadcast_in_dim3A_38 = arith.constant 0.000000e+00 : f32
      %broadcast_in_dim3A_39 = vector.broadcast %broadcast_in_dim3A_38 : f32 to vector<16xf32>
      %swap3A_40 = arith.index_cast %scan3A_32 : i32 to index
      %swap3A_41 = arith.constant 16 : index
      %swap3A_42 = tpu.vector_load %arg8[%swap3A_40, %swap3A_41] {strides = array<i32>} : memref<64x272xf32, #tpu.memory_space<vmem>>, vector<1x16xf32>,
      %swap3A_43 = vector.shape_cast %swap3A_42 : vector<1x16xf32> to vector<16xf32>
      %swap3A_44 = vector.shape_cast %broadcast_in_dim3A_39 : vector<16xf32> to vector<1x16xf32>
      tpu.vector_store %arg8[%swap3A_40, %swap3A_41], %swap3A_44 {strides = array<i32>} : memref<64x272xf32, #tpu.memory_space<vmem>>, vector<1x16xf32>,
      %broadcast_in_dim3A_45 = arith.constant 0.000000e+00 : f32
      %broadcast_in_dim3A_46 = vector.broadcast %broadcast_in_dim3A_45 : f32 to vector<16xf32>
      %swap3A_47 = arith.index_cast %scan3A_32 : i32 to index
      %swap3A_48 = arith.constant 32 : index
      %swap3A_49 = tpu.vector_load %arg8[%swap3A_47, %swap3A_48] {strides = array<i32>} : memref<64x272xf32, #tpu.memory_space<vmem>>, vector<1x16xf32>,
      %swap3A_50 = vector.shape_cast %swap3A_49 : vector<1x16xf32> to vector<16xf32>
      %swap3A_51 = vector.shape_cast %broadcast_in_dim3A_46 : vector<16xf32> to vector<1x16xf32>
      tpu.vector_store %arg8[%swap3A_47, %swap3A_48], %swap3A_51 {strides = array<i32>} : memref<64x272xf32, #tpu.memory_space<vmem>>, vector<1x16xf32>,
      %broadcast_in_dim3A_52 = arith.constant 0.000000e+00 : f32
      %broadcast_in_dim3A_53 = vector.broadcast %broadcast_in_dim3A_52 : f32 to vector<16xf32>
      %swap3A_54 = arith.index_cast %scan3A_32 : i32 to index
      %swap3A_55 = arith.constant 48 : index
      %swap3A_56 = tpu.vector_load %arg8[%swap3A_54, %swap3A_55] {strides = array<i32>} : memref<64x272xf32, #tpu.memory_space<vmem>>, vector<1x16xf32>,
      %swap3A_57 = vector.shape_cast %swap3A_56 : vector<1x16xf32> to vector<16xf32>
      %swap3A_58 = vector.shape_cast %broadcast_in_dim3A_53 : vector<16xf32> to vector<1x16xf32>
      tpu.vector_store %arg8[%swap3A_54, %swap3A_55], %swap3A_58 {strides = array<i32>} : memref<64x272xf32, #tpu.memory_space<vmem>>, vector<1x16xf32>,
      %broadcast_in_dim3A_59 = arith.constant 0.000000e+00 : f32
      %broadcast_in_dim3A_60 = vector.broadcast %broadcast_in_dim3A_59 : f32 to vector<16xf32>
      %swap3A_61 = arith.index_cast %scan3A_32 : i32 to index
      %swap3A_62 = arith.constant 64 : index
      %swap3A_63 = tpu.vector_load %arg8[%swap3A_61, %swap3A_62] {strides = array<i32>} : memref<64x272xf32, #tpu.memory_space<vmem>>, vector<1x16xf32>,
      %swap3A_64 = vector.shape_cast %swap3A_63 : vector<1x16xf32> to vector<16xf32>
      %swap3A_65 = vector.shape_cast %broadcast_in_dim3A_60 : vector<16xf32> to vector<1x16xf32>
      tpu.vector_store %arg8[%swap3A_61, %swap3A_62], %swap3A_65 {strides = array<i32>} : memref<64x272xf32, #tpu.memory_space<vmem>>, vector<1x16xf32>,
      %broadcast_in_dim3A_66 = arith.constant 0.000000e+00 : f32
      %broadcast_in_dim3A_67 = vector.broadcast %broadcast_in_dim3A_66 : f32 to vector<16xf32>
      %swap3A_68 = arith.index_cast %scan3A_32 : i32 to index
      %swap3A_69 = arith.constant 80 : index
      %swap3A_70 = tpu.vector_load %arg8[%swap3A_68, %swap3A_69] {strides = array<i32>} : memref<64x272xf32, #tpu.memory_space<vmem>>, vector<1x16xf32>,
      %swap3A_71 = vector.shape_cast %swap3A_70 : vector<1x16xf32> to vector<16xf32>
      %swap3A_72 = vector.shape_cast %broadcast_in_dim3A_67 : vector<16xf32> to vector<1x16xf32>
      tpu.vector_store %arg8[%swap3A_68, %swap3A_69], %swap3A_72 {strides = array<i32>} : memref<64x272xf32, #tpu.memory_space<vmem>>, vector<1x16xf32>,
      %broadcast_in_dim3A_73 = arith.constant 0.000000e+00 : f32
      %broadcast_in_dim3A_74 = vector.broadcast %broadcast_in_dim3A_73 : f32 to vector<16xf32>
      %swap3A_75 = arith.index_cast %scan3A_32 : i32 to index
      %swap3A_76 = arith.constant 96 : index
      %swap3A_77 = tpu.vector_load %arg8[%swap3A_75, %swap3A_76] {strides = array<i32>} : memref<64x272xf32, #tpu.memory_space<vmem>>, vector<1x16xf32>,
      %swap3A_78 = vector.shape_cast %swap3A_77 : vector<1x16xf32> to vector<16xf32>
      %swap3A_79 = vector.shape_cast %broadcast_in_dim3A_74 : vector<16xf32> to vector<1x16xf32>
      tpu.vector_store %arg8[%swap3A_75, %swap3A_76], %swap3A_79 {strides = array<i32>} : memref<64x272xf32, #tpu.memory_space<vmem>>, vector<1x16xf32>,
      %broadcast_in_dim3A_80 = arith.constant 0.000000e+00 : f32
      %broadcast_in_dim3A_81 = vector.broadcast %broadcast_in_dim3A_80 : f32 to vector<16xf32>
      %swap3A_82 = arith.index_cast %scan3A_32 : i32 to index
      %swap3A_83 = arith.constant 112 : index
      %swap3A_84 = tpu.vector_load %arg8[%swap3A_82, %swap3A_83] {strides = array<i32>} : memref<64x272xf32, #tpu.memory_space<vmem>>, vector<1x16xf32>,
      %swap3A_85 = vector.shape_cast %swap3A_84 : vector<1x16xf32> to vector<16xf32>
      %swap3A_86 = vector.shape_cast %broadcast_in_dim3A_81 : vector<16xf32> to vector<1x16xf32>
      tpu.vector_store %arg8[%swap3A_82, %swap3A_83], %swap3A_86 {strides = array<i32>} : memref<64x272xf32, #tpu.memory_space<vmem>>, vector<1x16xf32>,
      %broadcast_in_dim3A_87 = arith.constant 0.000000e+00 : f32
      %broadcast_in_dim3A_88 = vector.broadcast %broadcast_in_dim3A_87 : f32 to vector<16xf32>
      %swap3A_89 = arith.index_cast %scan3A_32 : i32 to index
      %swap3A_90 = arith.constant 128 : index
      %swap3A_91 = tpu.vector_load %arg8[%swap3A_89, %swap3A_90] {strides = array<i32>} : memref<64x272xf32, #tpu.memory_space<vmem>>, vector<1x16xf32>,
      %swap3A_92 = vector.shape_cast %swap3A_91 : vector<1x16xf32> to vector<16xf32>
      %swap3A_93 = vector.shape_cast %broadcast_in_dim3A_88 : vector<16xf32> to vector<1x16xf32>
      tpu.vector_store %arg8[%swap3A_89, %swap3A_90], %swap3A_93 {strides = array<i32>} : memref<64x272xf32, #tpu.memory_space<vmem>>, vector<1x16xf32>,
      %broadcast_in_dim3A_94 = arith.constant 0.000000e+00 : f32
      %broadcast_in_dim3A_95 = vector.broadcast %broadcast_in_dim3A_94 : f32 to vector<16xf32>
      %swap3A_96 = arith.index_cast %scan3A_32 : i32 to index
      %swap3A_97 = arith.constant 144 : index
      %swap3A_98 = tpu.vector_load %arg8[%swap3A_96, %swap3A_97] {strides = array<i32>} : memref<64x272xf32, #tpu.memory_space<vmem>>, vector<1x16xf32>,
      %swap3A_99 = vector.shape_cast %swap3A_98 : vector<1x16xf32> to vector<16xf32>
      %swap3A_100 = vector.shape_cast %broadcast_in_dim3A_95 : vector<16xf32> to vector<1x16xf32>
      tpu.vector_store %arg8[%swap3A_96, %swap3A_97], %swap3A_100 {strides = array<i32>} : memref<64x272xf32, #tpu.memory_space<vmem>>, vector<1x16xf32>,
      %broadcast_in_dim3A_101 = arith.constant 0.000000e+00 : f32
      %broadcast_in_dim3A_102 = vector.broadcast %broadcast_in_dim3A_101 : f32 to vector<16xf32>
      %swap3A_103 = arith.index_cast %scan3A_32 : i32 to index
      %swap3A_104 = arith.constant 160 : index
      %swap3A_105 = tpu.vector_load %arg8[%swap3A_103, %swap3A_104] {strides = array<i32>} : memref<64x272xf32, #tpu.memory_space<vmem>>, vector<1x16xf32>,
      %swap3A_106 = vector.shape_cast %swap3A_105 : vector<1x16xf32> to vector<16xf32>
      %swap3A_107 = vector.shape_cast %broadcast_in_dim3A_102 : vector<16xf32> to vector<1x16xf32>
      tpu.vector_store %arg8[%swap3A_103, %swap3A_104], %swap3A_107 {strides = array<i32>} : memref<64x272xf32, #tpu.memory_space<vmem>>, vector<1x16xf32>,
      %broadcast_in_dim3A_108 = arith.constant 0.000000e+00 : f32
      %broadcast_in_dim3A_109 = vector.broadcast %broadcast_in_dim3A_108 : f32 to vector<16xf32>
      %swap3A_110 = arith.index_cast %scan3A_32 : i32 to index
      %swap3A_111 = arith.constant 176 : index
      %swap3A_112 = tpu.vector_load %arg8[%swap3A_110, %swap3A_111] {strides = array<i32>} : memref<64x272xf32, #tpu.memory_space<vmem>>, vector<1x16xf32>,
      %swap3A_113 = vector.shape_cast %swap3A_112 : vector<1x16xf32> to vector<16xf32>
      %swap3A_114 = vector.shape_cast %broadcast_in_dim3A_109 : vector<16xf32> to vector<1x16xf32>
      tpu.vector_store %arg8[%swap3A_110, %swap3A_111], %swap3A_114 {strides = array<i32>} : memref<64x272xf32, #tpu.memory_space<vmem>>, vector<1x16xf32>,
      %broadcast_in_dim3A_115 = arith.constant 0.000000e+00 : f32
      %broadcast_in_dim3A_116 = vector.broadcast %broadcast_in_dim3A_115 : f32 to vector<16xf32>
      %swap3A_117 = arith.index_cast %scan3A_32 : i32 to index
      %swap3A_118 = arith.constant 192 : index
      %swap3A_119 = tpu.vector_load %arg8[%swap3A_117, %swap3A_118] {strides = array<i32>} : memref<64x272xf32, #tpu.memory_space<vmem>>, vector<1x16xf32>,
      %swap3A_120 = vector.shape_cast %swap3A_119 : vector<1x16xf32> to vector<16xf32>
      %swap3A_121 = vector.shape_cast %broadcast_in_dim3A_116 : vector<16xf32> to vector<1x16xf32>
      tpu.vector_store %arg8[%swap3A_117, %swap3A_118], %swap3A_121 {strides = array<i32>} : memref<64x272xf32, #tpu.memory_space<vmem>>, vector<1x16xf32>,
      %broadcast_in_dim3A_122 = arith.constant 0.000000e+00 : f32
      %broadcast_in_dim3A_123 = vector.broadcast %broadcast_in_dim3A_122 : f32 to vector<16xf32>
      %swap3A_124 = arith.index_cast %scan3A_32 : i32 to index
      %swap3A_125 = arith.constant 208 : index
      %swap3A_126 = tpu.vector_load %arg8[%swap3A_124, %swap3A_125] {strides = array<i32>} : memref<64x272xf32, #tpu.memory_space<vmem>>, vector<1x16xf32>,
      %swap3A_127 = vector.shape_cast %swap3A_126 : vector<1x16xf32> to vector<16xf32>
      %swap3A_128 = vector.shape_cast %broadcast_in_dim3A_123 : vector<16xf32> to vector<1x16xf32>
      tpu.vector_store %arg8[%swap3A_124, %swap3A_125], %swap3A_128 {strides = array<i32>} : memref<64x272xf32, #tpu.memory_space<vmem>>, vector<1x16xf32>,
      %broadcast_in_dim3A_129 = arith.constant 0.000000e+00 : f32
      %broadcast_in_dim3A_130 = vector.broadcast %broadcast_in_dim3A_129 : f32 to vector<16xf32>
      %swap3A_131 = arith.index_cast %scan3A_32 : i32 to index
      %swap3A_132 = arith.constant 224 : index
      %swap3A_133 = tpu.vector_load %arg8[%swap3A_131, %swap3A_132] {strides = array<i32>} : memref<64x272xf32, #tpu.memory_space<vmem>>, vector<1x16xf32>,
      %swap3A_134 = vector.shape_cast %swap3A_133 : vector<1x16xf32> to vector<16xf32>
      %swap3A_135 = vector.shape_cast %broadcast_in_dim3A_130 : vector<16xf32> to vector<1x16xf32>
      tpu.vector_store %arg8[%swap3A_131, %swap3A_132], %swap3A_135 {strides = array<i32>} : memref<64x272xf32, #tpu.memory_space<vmem>>, vector<1x16xf32>,
      %broadcast_in_dim3A_136 = arith.constant 0.000000e+00 : f32
      %broadcast_in_dim3A_137 = vector.broadcast %broadcast_in_dim3A_136 : f32 to vector<16xf32>
      %swap3A_138 = arith.index_cast %scan3A_32 : i32 to index
      %swap3A_139 = arith.constant 240 : index
      %swap3A_140 = tpu.vector_load %arg8[%swap3A_138, %swap3A_139] {strides = array<i32>} : memref<64x272xf32, #tpu.memory_space<vmem>>, vector<1x16xf32>,
      %swap3A_141 = vector.shape_cast %swap3A_140 : vector<1x16xf32> to vector<16xf32>
      %swap3A_142 = vector.shape_cast %broadcast_in_dim3A_137 : vector<16xf32> to vector<1x16xf32>
      tpu.vector_store %arg8[%swap3A_138, %swap3A_139], %swap3A_142 {strides = array<i32>} : memref<64x272xf32, #tpu.memory_space<vmem>>, vector<1x16xf32>,
      %broadcast_in_dim3A_143 = arith.constant 0.000000e+00 : f32
      %broadcast_in_dim3A_144 = vector.broadcast %broadcast_in_dim3A_143 : f32 to vector<16xf32>
      %swap3A_145 = arith.index_cast %scan3A_32 : i32 to index
      %swap3A_146 = arith.constant 256 : index
      %swap3A_147 = tpu.vector_load %arg8[%swap3A_145, %swap3A_146] {strides = array<i32>} : memref<64x272xf32, #tpu.memory_space<vmem>>, vector<1x16xf32>,
      %swap3A_148 = vector.shape_cast %swap3A_147 : vector<1x16xf32> to vector<16xf32>
      %swap3A_149 = vector.shape_cast %broadcast_in_dim3A_144 : vector<16xf32> to vector<1x16xf32>
      tpu.vector_store %arg8[%swap3A_145, %swap3A_146], %swap3A_149 {strides = array<i32>} : memref<64x272xf32, #tpu.memory_space<vmem>>, vector<1x16xf32>,
    }
    %scan3A_5 = arith.constant 64 : i32
    %add3A_6 = arith.constant 0 : i32
    %add3A_7 = arith.addi %add3A, %add3A_6 : i32
    %lt3A = arith.constant 125 : i32
    %lt3A_8 = arith.cmpi slt, %add3A_7, %lt3A : i32
    %convert_element_type3A = arith.extui %lt3A_8 : i1 to i32
    %cond3A = arith.constant 0 : i32
    %cond3A_9 = arith.cmpi ne, %convert_element_type3A, %cond3A : i32
    scf.if %cond3A_9 {
      %mul3A_32 = arith.constant 80 : i32
      %mul3A_33 = arith.muli %add3A_7, %mul3A_32 : i32
      %dma_start3A = arith.constant 0 : i32
      %dma_start3A_34 = arith.constant 0 : i32
      %dma_start3A_35 = arith.constant 0 : i32
      %dma_start3A_36 = tpu.memref_slice %arg6[%dma_start3A, %dma_start3A_34, %dma_start3A_35] : memref<2x80x256xf32, #tpu.memory_space<vmem>> -> memref<1x80x256xf32, #tpu.memory_space<vmem>>
      %dma_start3A_37 = tpu.memref_squeeze %dma_start3A_36 : memref<1x80x256xf32, #tpu.memory_space<vmem>> -> memref<80x256xf32, #tpu.memory_space<vmem>>
      %dma_start3A_38 = arith.constant 0 : i32
      %dma_start3A_39 = tpu.memref_slice %arg2[%mul3A_33, %dma_start3A_38] : memref<10000x256xf32, #tpu.memory_space<hbm>> -> memref<80x256xf32, #tpu.memory_space<hbm>>
      %dma_start3A_40 = arith.constant 0 : i32
      %dma_start3A_41 = arith.constant 0 : i32
      %dma_start3A_42 = tpu.memref_slice %arg6[%dma_start3A, %dma_start3A_40, %dma_start3A_41] : memref<2x80x256xf32, #tpu.memory_space<vmem>> -> memref<1x80x256xf32, #tpu.memory_space<vmem>>
      %dma_start3A_43 = tpu.memref_squeeze %dma_start3A_42 : memref<1x80x256xf32, #tpu.memory_space<vmem>> -> memref<80x256xf32, #tpu.memory_space<vmem>>
      %dma_start3A_44 = arith.constant 0 : i32
      %dma_start3A_45 = tpu.memref_slice %arg2[%mul3A_33, %dma_start3A_44] : memref<10000x256xf32, #tpu.memory_space<hbm>> -> memref<80x256xf32, #tpu.memory_space<hbm>>
      tpu.enqueue_dma source(%dma_start3A_45 : memref<80x256xf32, #tpu.memory_space<hbm>>) target(%dma_start3A_43 : memref<80x256xf32, #tpu.memory_space<vmem>>) target_semaphore(%arg9 : memref<!tpu.dma_semaphore, #tpu.memory_space<semaphore_mem>>)
      %mul3A_46 = arith.constant 80 : i32
      %mul3A_47 = arith.muli %add3A_7, %mul3A_46 : i32
      %dma_start3A_48 = arith.constant 0 : i32
      %dma_start3A_49 = arith.constant 0 : i32
      %dma_start3A_50 = tpu.memref_slice %arg7[%dma_start3A_48, %dma_start3A_49] : memref<2x80xi32, #tpu.memory_space<vmem>> -> memref<1x80xi32, #tpu.memory_space<vmem>>
      %dma_start3A_51 = tpu.memref_squeeze %dma_start3A_50 : memref<1x80xi32, #tpu.memory_space<vmem>> -> memref<80xi32, #tpu.memory_space<vmem>>
      %dma_start3A_52 = tpu.memref_slice %arg3[%mul3A_47] : memref<10000xi32, #tpu.memory_space<hbm>> -> memref<80xi32, #tpu.memory_space<hbm>>
      %dma_start3A_53 = arith.constant 0 : i32
      %dma_start3A_54 = tpu.memref_slice %arg7[%dma_start3A_48, %dma_start3A_53] : memref<2x80xi32, #tpu.memory_space<vmem>> -> memref<1x80xi32, #tpu.memory_space<vmem>>
      %dma_start3A_55 = tpu.memref_squeeze %dma_start3A_54 : memref<1x80xi32, #tpu.memory_space<vmem>> -> memref<80xi32, #tpu.memory_space<vmem>>
      %dma_start3A_56 = tpu.memref_slice %arg3[%mul3A_47] : memref<10000xi32, #tpu.memory_space<hbm>> -> memref<80xi32, #tpu.memory_space<hbm>>
      tpu.enqueue_dma source(%dma_start3A_56 : memref<80xi32, #tpu.memory_space<hbm>>) target(%dma_start3A_55 : memref<80xi32, #tpu.memory_space<vmem>>) target_semaphore(%arg11 : memref<!tpu.dma_semaphore, #tpu.memory_space<semaphore_mem>>)
    } else {
    }
    %add3A_10 = arith.constant 32 : i32
    %add3A_11 = arith.addi %add3A, %add3A_10 : i32
    %lt3A_12 = arith.constant 125 : i32
    %lt3A_13 = arith.cmpi slt, %add3A_11, %lt3A_12 : i32
    %convert_element_type3A_14 = arith.extui %lt3A_13 : i1 to i32
    %cond3A_15 = arith.constant 0 : i32
    %cond3A_16 = arith.cmpi ne, %convert_element_type3A_14, %cond3A_15 : i32
    scf.if %cond3A_16 {
      %mul3A_32 = arith.constant 80 : i32
      %mul3A_33 = arith.muli %add3A_11, %mul3A_32 : i32
      %dma_start3A = arith.constant 1 : i32
      %dma_start3A_34 = arith.constant 0 : i32
      %dma_start3A_35 = arith.constant 0 : i32
      %dma_start3A_36 = tpu.memref_slice %arg6[%dma_start3A, %dma_start3A_34, %dma_start3A_35] : memref<2x80x256xf32, #tpu.memory_space<vmem>> -> memref<1x80x256xf32, #tpu.memory_space<vmem>>
      %dma_start3A_37 = tpu.memref_squeeze %dma_start3A_36 : memref<1x80x256xf32, #tpu.memory_space<vmem>> -> memref<80x256xf32, #tpu.memory_space<vmem>>
      %dma_start3A_38 = arith.constant 0 : i32
      %dma_start3A_39 = tpu.memref_slice %arg2[%mul3A_33, %dma_start3A_38] : memref<10000x256xf32, #tpu.memory_space<hbm>> -> memref<80x256xf32, #tpu.memory_space<hbm>>
      %dma_start3A_40 = arith.constant 0 : i32
      %dma_start3A_41 = arith.constant 0 : i32
      %dma_start3A_42 = tpu.memref_slice %arg6[%dma_start3A, %dma_start3A_40, %dma_start3A_41] : memref<2x80x256xf32, #tpu.memory_space<vmem>> -> memref<1x80x256xf32, #tpu.memory_space<vmem>>
      %dma_start3A_43 = tpu.memref_squeeze %dma_start3A_42 : memref<1x80x256xf32, #tpu.memory_space<vmem>> -> memref<80x256xf32, #tpu.memory_space<vmem>>
      %dma_start3A_44 = arith.constant 0 : i32
      %dma_start3A_45 = tpu.memref_slice %arg2[%mul3A_33, %dma_start3A_44] : memref<10000x256xf32, #tpu.memory_space<hbm>> -> memref<80x256xf32, #tpu.memory_space<hbm>>
      tpu.enqueue_dma source(%dma_start3A_45 : memref<80x256xf32, #tpu.memory_space<hbm>>) target(%dma_start3A_43 : memref<80x256xf32, #tpu.memory_space<vmem>>) target_semaphore(%arg10 : memref<!tpu.dma_semaphore, #tpu.memory_space<semaphore_mem>>)
      %mul3A_46 = arith.constant 80 : i32
      %mul3A_47 = arith.muli %add3A_11, %mul3A_46 : i32
      %dma_start3A_48 = arith.constant 1 : i32
      %dma_start3A_49 = arith.constant 0 : i32
      %dma_start3A_50 = tpu.memref_slice %arg7[%dma_start3A_48, %dma_start3A_49] : memref<2x80xi32, #tpu.memory_space<vmem>> -> memref<1x80xi32, #tpu.memory_space<vmem>>
      %dma_start3A_51 = tpu.memref_squeeze %dma_start3A_50 : memref<1x80xi32, #tpu.memory_space<vmem>> -> memref<80xi32, #tpu.memory_space<vmem>>
      %dma_start3A_52 = tpu.memref_slice %arg3[%mul3A_47] : memref<10000xi32, #tpu.memory_space<hbm>> -> memref<80xi32, #tpu.memory_space<hbm>>
      %dma_start3A_53 = arith.constant 0 : i32
      %dma_start3A_54 = tpu.memref_slice %arg7[%dma_start3A_48, %dma_start3A_53] : memref<2x80xi32, #tpu.memory_space<vmem>> -> memref<1x80xi32, #tpu.memory_space<vmem>>
      %dma_start3A_55 = tpu.memref_squeeze %dma_start3A_54 : memref<1x80xi32, #tpu.memory_space<vmem>> -> memref<80xi32, #tpu.memory_space<vmem>>
      %dma_start3A_56 = tpu.memref_slice %arg3[%mul3A_47] : memref<10000xi32, #tpu.memory_space<hbm>> -> memref<80xi32, #tpu.memory_space<hbm>>
      tpu.enqueue_dma source(%dma_start3A_56 : memref<80xi32, #tpu.memory_space<hbm>>) target(%dma_start3A_55 : memref<80xi32, #tpu.memory_space<vmem>>) target_semaphore(%arg12 : memref<!tpu.dma_semaphore, #tpu.memory_space<semaphore_mem>>)
    } else {
    }
    %scan3A_17 = arith.constant 0 : i32
    %scan3A_18 = arith.constant 0 : i32
    %scan3A_19 = arith.constant 2 : i32
    %scan3A_20 = arith.addi %scan3A_18, %scan3A_19 : i32
    %scan3A_21 = arith.constant 1 : i32
    scf.for %scan3A_32 = %scan3A_18 to %scan3A_20 step %scan3A_21  : i32 {
      %mul3A_33 = arith.constant 2 : i32
      %mul3A_34 = arith.muli %scan3A_32, %mul3A_33 : i32
      %add3A_35 = arith.constant 0 : i32
      %add3A_36 = arith.addi %mul3A_34, %add3A_35 : i32
      %mul3A_37 = arith.constant 32 : i32
      %mul3A_38 = arith.muli %mul3A_37, %add3A_36 : i32
      %add3A_39 = arith.addi %add3A, %mul3A_38 : i32
      %lt3A_40 = arith.constant 125 : i32
      %lt3A_41 = arith.cmpi slt, %add3A_39, %lt3A_40 : i32
      %convert_element_type3A_42 = arith.extui %lt3A_41 : i1 to i32
      %cond3A_43 = arith.constant 0 : i32
      %cond3A_44 = arith.cmpi ne, %convert_element_type3A_42, %cond3A_43 : i32
      scf.if %cond3A_44 {
        %dma_wait3A = arith.constant 0 : i32
        %dma_wait3A_77 = arith.constant 0 : i32
        %dma_wait3A_78 = arith.constant 0 : i32
        %dma_wait3A_79 = tpu.memref_slice %arg6[%dma_wait3A, %dma_wait3A_77, %dma_wait3A_78] : memref<2x80x256xf32, #tpu.memory_space<vmem>> -> memref<1x80x256xf32, #tpu.memory_space<vmem>>
        %dma_wait3A_80 = tpu.memref_squeeze %dma_wait3A_79 : memref<1x80x256xf32, #tpu.memory_space<vmem>> -> memref<80x256xf32, #tpu.memory_space<vmem>>
        %dma_wait3A_81 = arith.constant 0 : i32
        %dma_wait3A_82 = arith.constant 0 : i32
        %dma_wait3A_83 = tpu.memref_slice %arg2[%dma_wait3A_81, %dma_wait3A_82] : memref<10000x256xf32, #tpu.memory_space<hbm>> -> memref<80x256xf32, #tpu.memory_space<hbm>>
        %dma_wait3A_84 = arith.constant 0 : i32
        %dma_wait3A_85 = arith.constant 0 : i32
        %dma_wait3A_86 = tpu.memref_slice %arg6[%dma_wait3A, %dma_wait3A_84, %dma_wait3A_85] : memref<2x80x256xf32, #tpu.memory_space<vmem>> -> memref<1x80x256xf32, #tpu.memory_space<vmem>>
        %dma_wait3A_87 = tpu.memref_squeeze %dma_wait3A_86 : memref<1x80x256xf32, #tpu.memory_space<vmem>> -> memref<80x256xf32, #tpu.memory_space<vmem>>
        %dma_wait3A_88 = arith.constant 0 : i32
        %dma_wait3A_89 = arith.constant 0 : i32
        %dma_wait3A_90 = tpu.memref_slice %arg2[%dma_wait3A_88, %dma_wait3A_89] : memref<10000x256xf32, #tpu.memory_space<hbm>> -> memref<80x256xf32, #tpu.memory_space<hbm>>
        tpu.wait_dma2 semaphore(%arg9 : memref<!tpu.dma_semaphore, #tpu.memory_space<semaphore_mem>>) src(%dma_wait3A_90 : memref<80x256xf32, #tpu.memory_space<hbm>>) dst(%dma_wait3A_87 : memref<80x256xf32, #tpu.memory_space<vmem>>)
        %dma_wait3A_91 = arith.constant 0 : i32
        %dma_wait3A_92 = arith.constant 0 : i32
        %dma_wait3A_93 = tpu.memref_slice %arg7[%dma_wait3A_91, %dma_wait3A_92] : memref<2x80xi32, #tpu.memory_space<vmem>> -> memref<1x80xi32, #tpu.memory_space<vmem>>
        %dma_wait3A_94 = tpu.memref_squeeze %dma_wait3A_93 : memref<1x80xi32, #tpu.memory_space<vmem>> -> memref<80xi32, #tpu.memory_space<vmem>>
        %dma_wait3A_95 = arith.constant 0 : i32
        %dma_wait3A_96 = tpu.memref_slice %arg3[%dma_wait3A_95] : memref<10000xi32, #tpu.memory_space<hbm>> -> memref<80xi32, #tpu.memory_space<hbm>>
        %dma_wait3A_97 = arith.constant 0 : i32
        %dma_wait3A_98 = tpu.memref_slice %arg7[%dma_wait3A_91, %dma_wait3A_97] : memref<2x80xi32, #tpu.memory_space<vmem>> -> memref<1x80xi32, #tpu.memory_space<vmem>>
        %dma_wait3A_99 = tpu.memref_squeeze %dma_wait3A_98 : memref<1x80xi32, #tpu.memory_space<vmem>> -> memref<80xi32, #tpu.memory_space<vmem>>
        %dma_wait3A_100 = arith.constant 0 : i32
        %dma_wait3A_101 = tpu.memref_slice %arg3[%dma_wait3A_100] : memref<10000xi32, #tpu.memory_space<hbm>> -> memref<80xi32, #tpu.memory_space<hbm>>
        tpu.wait_dma2 semaphore(%arg11 : memref<!tpu.dma_semaphore, #tpu.memory_space<semaphore_mem>>) src(%dma_wait3A_101 : memref<80xi32, #tpu.memory_space<hbm>>) dst(%dma_wait3A_99 : memref<80xi32, #tpu.memory_space<vmem>>)
        %iota3A = tpu.iota {dimensions = array<i32: 0>} : vector<16xi32>
        %convert_element_type3A_102 = arith.sitofp %iota3A : vector<16xi32> to vector<16xf32>
        %sub3A = arith.constant 1.000000e+00 : f32
        %sub3A_103 = vector.broadcast %sub3A : f32 to vector<16xf32>
        %sub3A_104 = arith.subf %sub3A_103, %convert_element_type3A_102 : vector<16xf32>
        %jit3A = arith.constant 0.000000e+00 : f32
        %jit3A_105 = arith.constant 1.000000e+00 : f32
        %max3A = vector.broadcast %jit3A : f32 to vector<16xf32>
        %max3A_106 = arith.maximumf %max3A, %sub3A_104 : vector<16xf32>
        %min3A = vector.broadcast %jit3A_105 : f32 to vector<16xf32>
        %min3A_107 = arith.minimumf %min3A, %max3A_106 : vector<16xf32>
        %scan3A_108 = arith.constant 0 : i32
        %scan3A_109 = arith.constant 0 : i32
        %scan3A_110 = arith.constant 5 : i32
        %scan3A_111 = arith.addi %scan3A_109, %scan3A_110 : i32
        %scan3A_112 = arith.constant 1 : i32
        scf.for %scan3A_114 = %scan3A_109 to %scan3A_111 step %scan3A_112  : i32 {
          %mul3A_115 = arith.constant 16 : i32
          %mul3A_116 = arith.muli %scan3A_114, %mul3A_115 : i32
          %get3A = arith.constant 0 : i32
          %get3A_117 = arith.index_cast %get3A : i32 to index
          %get3A_118 = arith.index_cast %mul3A_116 : i32 to index
          %get3A_119 = tpu.vector_load %arg7[%get3A_117, %get3A_118] {strides = array<i32>} : memref<2x80xi32, #tpu.memory_space<vmem>>, vector<1x16xi32>,
          %get3A_120 = vector.shape_cast %get3A_119 : vector<1x16xi32> to vector<16xi32>
          %slice3A = vector.extract_strided_slice %get3A_120 {offsets = [0], sizes = [1], strides = [1]} : vector<16xi32> to vector<1xi32>
          %squeeze3A = vector.extract %slice3A[0] : i32 from vector<1xi32>
          %slice3A_121 = vector.extract_strided_slice %get3A_120 {offsets = [15], sizes = [1], strides = [1]} : vector<16xi32> to vector<1xi32>
          %squeeze3A_122 = vector.extract %slice3A_121[0] : i32 from vector<1xi32>
          %eq3A_123 = arith.cmpi eq, %squeeze3A, %squeeze3A_122 : i32
          %convert_element_type3A_124 = arith.extui %eq3A_123 : i1 to i32
          %cond3A_125 = arith.constant 0 : i32
          %cond3A_126 = arith.cmpi ne, %convert_element_type3A_124, %cond3A_125 : i32
          scf.if %cond3A_126 {
            %slice3A_131 = vector.extract_strided_slice %get3A_120 {offsets = [0], sizes = [1], strides = [1]} : vector<16xi32> to vector<1xi32>
            %squeeze3A_132 = vector.extract %slice3A_131[0] : i32 from vector<1xi32>
            %parallel_loop3A = arith.constant 0 : i32
            %parallel_loop3A_133 = arith.constant 16 : i32
            %parallel_loop3A_134 = arith.constant 1 : i32
            scf.for %parallel_loop3A_142 = %parallel_loop3A to %parallel_loop3A_133 step %parallel_loop3A_134  : i32 {
              %parallel_loop3A_143 = arith.constant 16 : i32
              %parallel_loop3A_144 = arith.muli %parallel_loop3A_142, %parallel_loop3A_143 : i32
              %parallel_loop3A_145 = arith.constant 0 : i32
              %parallel_loop3A_146 = arith.addi %mul3A_116, %parallel_loop3A_145 : i32
              %parallel_loop3A_147 = arith.constant 0 : i32
              %parallel_loop3A_148 = arith.index_cast %parallel_loop3A_147 : i32 to index
              %parallel_loop3A_149 = arith.index_cast %parallel_loop3A_146 : i32 to index
              %parallel_loop3A_150 = arith.index_cast %parallel_loop3A_144 : i32 to index
              %parallel_loop3A_151 = tpu.vector_load %arg6[%parallel_loop3A_148, %parallel_loop3A_149, %parallel_loop3A_150] {strides = array<i32>} : memref<2x80x256xf32, #tpu.memory_space<vmem>>, vector<1x1x16xf32>,
              %parallel_loop3A_152 = vector.shape_cast %parallel_loop3A_151 : vector<1x1x16xf32> to vector<16xf32>
              %parallel_loop3A_153 = arith.constant 1 : i32
              %parallel_loop3A_154 = arith.addi %mul3A_116, %parallel_loop3A_153 : i32
              %parallel_loop3A_155 = arith.constant 0 : i32
              %parallel_loop3A_156 = arith.index_cast %parallel_loop3A_155 : i32 to index
              %parallel_loop3A_157 = arith.index_cast %parallel_loop3A_154 : i32 to index
              %parallel_loop3A_158 = arith.index_cast %parallel_loop3A_144 : i32 to index
              %parallel_loop3A_159 = tpu.vector_load %arg6[%parallel_loop3A_156, %parallel_loop3A_157, %parallel_loop3A_158] {strides = array<i32>} : memref<2x80x256xf32, #tpu.memory_space<vmem>>, vector<1x1x16xf32>,
              %parallel_loop3A_160 = vector.shape_cast %parallel_loop3A_159 : vector<1x1x16xf32> to vector<16xf32>
              %parallel_loop3A_161 = arith.addf %parallel_loop3A_152, %parallel_loop3A_160 : vector<16xf32>
              %parallel_loop3A_162 = arith.constant 2 : i32
              %parallel_loop3A_163 = arith.addi %mul3A_116, %parallel_loop3A_162 : i32
              %parallel_loop3A_164 = arith.constant 0 : i32
              %parallel_loop3A_165 = arith.index_cast %parallel_loop3A_164 : i32 to index
              %parallel_loop3A_166 = arith.index_cast %parallel_loop3A_163 : i32 to index
              %parallel_loop3A_167 = arith.index_cast %parallel_loop3A_144 : i32 to index
              %parallel_loop3A_168 = tpu.vector_load %arg6[%parallel_loop3A_165, %parallel_loop3A_166, %parallel_loop3A_167] {strides = array<i32>} : memref<2x80x256xf32, #tpu.memory_space<vmem>>, vector<1x1x16xf32>,
              %parallel_loop3A_169 = vector.shape_cast %parallel_loop3A_168 : vector<1x1x16xf32> to vector<16xf32>
              %parallel_loop3A_170 = arith.constant 3 : i32
              %parallel_loop3A_171 = arith.addi %mul3A_116, %parallel_loop3A_170 : i32
              %parallel_loop3A_172 = arith.constant 0 : i32
              %parallel_loop3A_173 = arith.index_cast %parallel_loop3A_172 : i32 to index
              %parallel_loop3A_174 = arith.index_cast %parallel_loop3A_171 : i32 to index
              %parallel_loop3A_175 = arith.index_cast %parallel_loop3A_144 : i32 to index
              %parallel_loop3A_176 = tpu.vector_load %arg6[%parallel_loop3A_173, %parallel_loop3A_174, %parallel_loop3A_175] {strides = array<i32>} : memref<2x80x256xf32, #tpu.memory_space<vmem>>, vector<1x1x16xf32>,
              %parallel_loop3A_177 = vector.shape_cast %parallel_loop3A_176 : vector<1x1x16xf32> to vector<16xf32>
              %parallel_loop3A_178 = arith.addf %parallel_loop3A_169, %parallel_loop3A_177 : vector<16xf32>
              %parallel_loop3A_179 = arith.constant 4 : i32
              %parallel_loop3A_180 = arith.addi %mul3A_116, %parallel_loop3A_179 : i32
              %parallel_loop3A_181 = arith.constant 0 : i32
              %parallel_loop3A_182 = arith.index_cast %parallel_loop3A_181 : i32 to index
              %parallel_loop3A_183 = arith.index_cast %parallel_loop3A_180 : i32 to index
              %parallel_loop3A_184 = arith.index_cast %parallel_loop3A_144 : i32 to index
              %parallel_loop3A_185 = tpu.vector_load %arg6[%parallel_loop3A_182, %parallel_loop3A_183, %parallel_loop3A_184] {strides = array<i32>} : memref<2x80x256xf32, #tpu.memory_space<vmem>>, vector<1x1x16xf32>,
              %parallel_loop3A_186 = vector.shape_cast %parallel_loop3A_185 : vector<1x1x16xf32> to vector<16xf32>
              %parallel_loop3A_187 = arith.constant 5 : i32
              %parallel_loop3A_188 = arith.addi %mul3A_116, %parallel_loop3A_187 : i32
              %parallel_loop3A_189 = arith.constant 0 : i32
              %parallel_loop3A_190 = arith.index_cast %parallel_loop3A_189 : i32 to index
              %parallel_loop3A_191 = arith.index_cast %parallel_loop3A_188 : i32 to index
              %parallel_loop3A_192 = arith.index_cast %parallel_loop3A_144 : i32 to index
              %parallel_loop3A_193 = tpu.vector_load %arg6[%parallel_loop3A_190, %parallel_loop3A_191, %parallel_loop3A_192] {strides = array<i32>} : memref<2x80x256xf32, #tpu.memory_space<vmem>>, vector<1x1x16xf32>,
              %parallel_loop3A_194 = vector.shape_cast %parallel_loop3A_193 : vector<1x1x16xf32> to vector<16xf32>
              %parallel_loop3A_195 = arith.addf %parallel_loop3A_186, %parallel_loop3A_194 : vector<16xf32>
              %parallel_loop3A_196 = arith.constant 6 : i32
              %parallel_loop3A_197 = arith.addi %mul3A_116, %parallel_loop3A_196 : i32
              %parallel_loop3A_198 = arith.constant 0 : i32
              %parallel_loop3A_199 = arith.index_cast %parallel_loop3A_198 : i32 to index
              %parallel_loop3A_200 = arith.index_cast %parallel_loop3A_197 : i32 to index
              %parallel_loop3A_201 = arith.index_cast %parallel_loop3A_144 : i32 to index
              %parallel_loop3A_202 = tpu.vector_load %arg6[%parallel_loop3A_199, %parallel_loop3A_200, %parallel_loop3A_201] {strides = array<i32>} : memref<2x80x256xf32, #tpu.memory_space<vmem>>, vector<1x1x16xf32>,
              %parallel_loop3A_203 = vector.shape_cast %parallel_loop3A_202 : vector<1x1x16xf32> to vector<16xf32>
              %parallel_loop3A_204 = arith.constant 7 : i32
              %parallel_loop3A_205 = arith.addi %mul3A_116, %parallel_loop3A_204 : i32
              %parallel_loop3A_206 = arith.constant 0 : i32
              %parallel_loop3A_207 = arith.index_cast %parallel_loop3A_206 : i32 to index
              %parallel_loop3A_208 = arith.index_cast %parallel_loop3A_205 : i32 to index
              %parallel_loop3A_209 = arith.index_cast %parallel_loop3A_144 : i32 to index
              %parallel_loop3A_210 = tpu.vector_load %arg6[%parallel_loop3A_207, %parallel_loop3A_208, %parallel_loop3A_209] {strides = array<i32>} : memref<2x80x256xf32, #tpu.memory_space<vmem>>, vector<1x1x16xf32>,
              %parallel_loop3A_211 = vector.shape_cast %parallel_loop3A_210 : vector<1x1x16xf32> to vector<16xf32>
              %parallel_loop3A_212 = arith.addf %parallel_loop3A_203, %parallel_loop3A_211 : vector<16xf32>
              %parallel_loop3A_213 = arith.constant 8 : i32
              %parallel_loop3A_214 = arith.addi %mul3A_116, %parallel_loop3A_213 : i32
              %parallel_loop3A_215 = arith.constant 0 : i32
              %parallel_loop3A_216 = arith.index_cast %parallel_loop3A_215 : i32 to index
              %parallel_loop3A_217 = arith.index_cast %parallel_loop3A_214 : i32 to index
              %parallel_loop3A_218 = arith.index_cast %parallel_loop3A_144 : i32 to index
              %parallel_loop3A_219 = tpu.vector_load %arg6[%parallel_loop3A_216, %parallel_loop3A_217, %parallel_loop3A_218] {strides = array<i32>} : memref<2x80x256xf32, #tpu.memory_space<vmem>>, vector<1x1x16xf32>,
              %parallel_loop3A_220 = vector.shape_cast %parallel_loop3A_219 : vector<1x1x16xf32> to vector<16xf32>
              %parallel_loop3A_221 = arith.constant 9 : i32
              %parallel_loop3A_222 = arith.addi %mul3A_116, %parallel_loop3A_221 : i32
              %parallel_loop3A_223 = arith.constant 0 : i32
              %parallel_loop3A_224 = arith.index_cast %parallel_loop3A_223 : i32 to index
              %parallel_loop3A_225 = arith.index_cast %parallel_loop3A_222 : i32 to index
              %parallel_loop3A_226 = arith.index_cast %parallel_loop3A_144 : i32 to index
              %parallel_loop3A_227 = tpu.vector_load %arg6[%parallel_loop3A_224, %parallel_loop3A_225, %parallel_loop3A_226] {strides = array<i32>} : memref<2x80x256xf32, #tpu.memory_space<vmem>>, vector<1x1x16xf32>,
              %parallel_loop3A_228 = vector.shape_cast %parallel_loop3A_227 : vector<1x1x16xf32> to vector<16xf32>
              %parallel_loop3A_229 = arith.addf %parallel_loop3A_220, %parallel_loop3A_228 : vector<16xf32>
              %parallel_loop3A_230 = arith.constant 10 : i32
              %parallel_loop3A_231 = arith.addi %mul3A_116, %parallel_loop3A_230 : i32
              %parallel_loop3A_232 = arith.constant 0 : i32
              %parallel_loop3A_233 = arith.index_cast %parallel_loop3A_232 : i32 to index
              %parallel_loop3A_234 = arith.index_cast %parallel_loop3A_231 : i32 to index
              %parallel_loop3A_235 = arith.index_cast %parallel_loop3A_144 : i32 to index
              %parallel_loop3A_236 = tpu.vector_load %arg6[%parallel_loop3A_233, %parallel_loop3A_234, %parallel_loop3A_235] {strides = array<i32>} : memref<2x80x256xf32, #tpu.memory_space<vmem>>, vector<1x1x16xf32>,
              %parallel_loop3A_237 = vector.shape_cast %parallel_loop3A_236 : vector<1x1x16xf32> to vector<16xf32>
              %parallel_loop3A_238 = arith.constant 11 : i32
              %parallel_loop3A_239 = arith.addi %mul3A_116, %parallel_loop3A_238 : i32
              %parallel_loop3A_240 = arith.constant 0 : i32
              %parallel_loop3A_241 = arith.index_cast %parallel_loop3A_240 : i32 to index
              %parallel_loop3A_242 = arith.index_cast %parallel_loop3A_239 : i32 to index
              %parallel_loop3A_243 = arith.index_cast %parallel_loop3A_144 : i32 to index
              %parallel_loop3A_244 = tpu.vector_load %arg6[%parallel_loop3A_241, %parallel_loop3A_242, %parallel_loop3A_243] {strides = array<i32>} : memref<2x80x256xf32, #tpu.memory_space<vmem>>, vector<1x1x16xf32>,
              %parallel_loop3A_245 = vector.shape_cast %parallel_loop3A_244 : vector<1x1x16xf32> to vector<16xf32>
              %parallel_loop3A_246 = arith.addf %parallel_loop3A_237, %parallel_loop3A_245 : vector<16xf32>
              %parallel_loop3A_247 = arith.constant 12 : i32
              %parallel_loop3A_248 = arith.addi %mul3A_116, %parallel_loop3A_247 : i32
              %parallel_loop3A_249 = arith.constant 0 : i32
              %parallel_loop3A_250 = arith.index_cast %parallel_loop3A_249 : i32 to index
              %parallel_loop3A_251 = arith.index_cast %parallel_loop3A_248 : i32 to index
              %parallel_loop3A_252 = arith.index_cast %parallel_loop3A_144 : i32 to index
              %parallel_loop3A_253 = tpu.vector_load %arg6[%parallel_loop3A_250, %parallel_loop3A_251, %parallel_loop3A_252] {strides = array<i32>} : memref<2x80x256xf32, #tpu.memory_space<vmem>>, vector<1x1x16xf32>,
              %parallel_loop3A_254 = vector.shape_cast %parallel_loop3A_253 : vector<1x1x16xf32> to vector<16xf32>
              %parallel_loop3A_255 = arith.constant 13 : i32
              %parallel_loop3A_256 = arith.addi %mul3A_116, %parallel_loop3A_255 : i32
              %parallel_loop3A_257 = arith.constant 0 : i32
              %parallel_loop3A_258 = arith.index_cast %parallel_loop3A_257 : i32 to index
              %parallel_loop3A_259 = arith.index_cast %parallel_loop3A_256 : i32 to index
              %parallel_loop3A_260 = arith.index_cast %parallel_loop3A_144 : i32 to index
              %parallel_loop3A_261 = tpu.vector_load %arg6[%parallel_loop3A_258, %parallel_loop3A_259, %parallel_loop3A_260] {strides = array<i32>} : memref<2x80x256xf32, #tpu.memory_space<vmem>>, vector<1x1x16xf32>,
              %parallel_loop3A_262 = vector.shape_cast %parallel_loop3A_261 : vector<1x1x16xf32> to vector<16xf32>
              %parallel_loop3A_263 = arith.addf %parallel_loop3A_254, %parallel_loop3A_262 : vector<16xf32>
              %parallel_loop3A_264 = arith.constant 14 : i32
              %parallel_loop3A_265 = arith.addi %mul3A_116, %parallel_loop3A_264 : i32
              %parallel_loop3A_266 = arith.constant 0 : i32
              %parallel_loop3A_267 = arith.index_cast %parallel_loop3A_266 : i32 to index
              %parallel_loop3A_268 = arith.index_cast %parallel_loop3A_265 : i32 to index
              %parallel_loop3A_269 = arith.index_cast %parallel_loop3A_144 : i32 to index
              %parallel_loop3A_270 = tpu.vector_load %arg6[%parallel_loop3A_267, %parallel_loop3A_268, %parallel_loop3A_269] {strides = array<i32>} : memref<2x80x256xf32, #tpu.memory_space<vmem>>, vector<1x1x16xf32>,
              %parallel_loop3A_271 = vector.shape_cast %parallel_loop3A_270 : vector<1x1x16xf32> to vector<16xf32>
              %parallel_loop3A_272 = arith.constant 15 : i32
              %parallel_loop3A_273 = arith.addi %mul3A_116, %parallel_loop3A_272 : i32
              %parallel_loop3A_274 = arith.constant 0 : i32
              %parallel_loop3A_275 = arith.index_cast %parallel_loop3A_274 : i32 to index
              %parallel_loop3A_276 = arith.index_cast %parallel_loop3A_273 : i32 to index
              %parallel_loop3A_277 = arith.index_cast %parallel_loop3A_144 : i32 to index
              %parallel_loop3A_278 = tpu.vector_load %arg6[%parallel_loop3A_275, %parallel_loop3A_276, %parallel_loop3A_277] {strides = array<i32>} : memref<2x80x256xf32, #tpu.memory_space<vmem>>, vector<1x1x16xf32>,
              %parallel_loop3A_279 = vector.shape_cast %parallel_loop3A_278 : vector<1x1x16xf32> to vector<16xf32>
              %parallel_loop3A_280 = arith.addf %parallel_loop3A_271, %parallel_loop3A_279 : vector<16xf32>
              %parallel_loop3A_281 = arith.addf %parallel_loop3A_161, %parallel_loop3A_178 : vector<16xf32>
              %parallel_loop3A_282 = arith.addf %parallel_loop3A_195, %parallel_loop3A_212 : vector<16xf32>
              %parallel_loop3A_283 = arith.addf %parallel_loop3A_281, %parallel_loop3A_282 : vector<16xf32>
              %parallel_loop3A_284 = arith.addf %parallel_loop3A_229, %parallel_loop3A_246 : vector<16xf32>
              %parallel_loop3A_285 = arith.addf %parallel_loop3A_263, %parallel_loop3A_280 : vector<16xf32>
              %parallel_loop3A_286 = arith.addf %parallel_loop3A_284, %parallel_loop3A_285 : vector<16xf32>
              %parallel_loop3A_287 = arith.addf %parallel_loop3A_283, %parallel_loop3A_286 : vector<16xf32>
              %parallel_loop3A_288 = arith.index_cast %squeeze3A_132 : i32 to index
              %parallel_loop3A_289 = arith.index_cast %parallel_loop3A_144 : i32 to index
              %parallel_loop3A_290 = tpu.vector_load %arg8[%parallel_loop3A_288, %parallel_loop3A_289] {strides = array<i32>} : memref<64x272xf32, #tpu.memory_space<vmem>>, vector<1x16xf32>,
              %parallel_loop3A_291 = vector.shape_cast %parallel_loop3A_290 : vector<1x16xf32> to vector<16xf32>
              %parallel_loop3A_292 = vector.shape_cast %parallel_loop3A_287 : vector<16xf32> to vector<1x16xf32>
              tpu.vector_store %arg8[%parallel_loop3A_288, %parallel_loop3A_289], %parallel_loop3A_292 {add = true, strides = array<i32>} : memref<64x272xf32, #tpu.memory_space<vmem>>, vector<1x16xf32>,
            } {sc.loop_unroll_factor = 2 : i64, sc.parallel_access}
            %mul3A_135 = arith.constant 1.600000e+01 : f32
            %mul3A_136 = vector.broadcast %mul3A_135 : f32 to vector<16xf32>
            %mul3A_137 = arith.mulf %min3A_107, %mul3A_136 : vector<16xf32>
            %swap3A = arith.index_cast %squeeze3A_132 : i32 to index
            %swap3A_138 = arith.constant 256 : index
            %swap3A_139 = tpu.vector_load %arg8[%swap3A, %swap3A_138] {strides = array<i32>} : memref<64x272xf32, #tpu.memory_space<vmem>>, vector<1x16xf32>,
            %swap3A_140 = vector.shape_cast %swap3A_139 : vector<1x16xf32> to vector<16xf32>
            %swap3A_141 = vector.shape_cast %mul3A_137 : vector<16xf32> to vector<1x16xf32>
            tpu.vector_store %arg8[%swap3A, %swap3A_138], %swap3A_141 {add = true, strides = array<i32>} : memref<64x272xf32, #tpu.memory_space<vmem>>, vector<1x16xf32>,
          } else {
          }
          %not3A = arith.constant true
          %not3A_127 = arith.xori %eq3A_123, %not3A : i1
          %convert_element_type3A_128 = arith.extui %not3A_127 : i1 to i32
          %cond3A_129 = arith.constant 0 : i32
          %cond3A_130 = arith.cmpi ne, %convert_element_type3A_128, %cond3A_129 : i32
          scf.if %cond3A_130 {
            %slice3A_131 = vector.extract_strided_slice %get3A_120 {offsets = [0], sizes = [1], strides = [1]} : vector<16xi32> to vector<1xi32>
            %squeeze3A_132 = vector.extract %slice3A_131[0] : i32 from vector<1xi32>
            %parallel_loop3A = arith.constant 0 : i32
            %parallel_loop3A_133 = arith.constant 16 : i32
            %parallel_loop3A_134 = arith.constant 1 : i32
            scf.for %parallel_loop3A_289 = %parallel_loop3A to %parallel_loop3A_133 step %parallel_loop3A_134  : i32 {
              %parallel_loop3A_290 = arith.constant 16 : i32
              %parallel_loop3A_291 = arith.muli %parallel_loop3A_289, %parallel_loop3A_290 : i32
              %parallel_loop3A_292 = arith.constant 0 : i32
              %parallel_loop3A_293 = arith.addi %mul3A_116, %parallel_loop3A_292 : i32
              %parallel_loop3A_294 = arith.constant 16 : i32
              %parallel_loop3A_295 = arith.muli %parallel_loop3A_289, %parallel_loop3A_294 : i32
              %parallel_loop3A_296 = arith.constant 0 : i32
              %parallel_loop3A_297 = arith.index_cast %parallel_loop3A_296 : i32 to index
              %parallel_loop3A_298 = arith.index_cast %parallel_loop3A_293 : i32 to index
              %parallel_loop3A_299 = arith.index_cast %parallel_loop3A_295 : i32 to index
              %parallel_loop3A_300 = tpu.vector_load %arg6[%parallel_loop3A_297, %parallel_loop3A_298, %parallel_loop3A_299] {strides = array<i32>} : memref<2x80x256xf32, #tpu.memory_space<vmem>>, vector<1x1x16xf32>,
              %parallel_loop3A_301 = vector.shape_cast %parallel_loop3A_300 : vector<1x1x16xf32> to vector<16xf32>
              %parallel_loop3A_302 = arith.index_cast %squeeze3A_132 : i32 to index
              %parallel_loop3A_303 = arith.index_cast %parallel_loop3A_291 : i32 to index
              %parallel_loop3A_304 = tpu.vector_load %arg8[%parallel_loop3A_302, %parallel_loop3A_303] {strides = array<i32>} : memref<64x272xf32, #tpu.memory_space<vmem>>, vector<1x16xf32>,
              %parallel_loop3A_305 = vector.shape_cast %parallel_loop3A_304 : vector<1x16xf32> to vector<16xf32>
              %parallel_loop3A_306 = vector.shape_cast %parallel_loop3A_301 : vector<16xf32> to vector<1x16xf32>
              tpu.vector_store %arg8[%parallel_loop3A_302, %parallel_loop3A_303], %parallel_loop3A_306 {add = true, strides = array<i32>} : memref<64x272xf32, #tpu.memory_space<vmem>>, vector<1x16xf32>,
            } {sc.loop_unroll_factor = 2 : i64, sc.parallel_access}
            %swap3A = arith.index_cast %squeeze3A_132 : i32 to index
            %swap3A_135 = arith.constant 256 : index
            %swap3A_136 = tpu.vector_load %arg8[%swap3A, %swap3A_135] {strides = array<i32>} : memref<64x272xf32, #tpu.memory_space<vmem>>, vector<1x16xf32>,
            %swap3A_137 = vector.shape_cast %swap3A_136 : vector<1x16xf32> to vector<16xf32>
            %swap3A_138 = vector.shape_cast %min3A_107 : vector<16xf32> to vector<1x16xf32>
            tpu.vector_store %arg8[%swap3A, %swap3A_135], %swap3A_138 {add = true, strides = array<i32>} : memref<64x272xf32, #tpu.memory_space<vmem>>, vector<1x16xf32>,
            %slice3A_139 = vector.extract_strided_slice %get3A_120 {offsets = [1], sizes = [1], strides = [1]} : vector<16xi32> to vector<1xi32>
            %squeeze3A_140 = vector.extract %slice3A_139[0] : i32 from vector<1xi32>
            %parallel_loop3A_141 = arith.constant 0 : i32
            %parallel_loop3A_142 = arith.constant 16 : i32
            %parallel_loop3A_143 = arith.constant 1 : i32
            scf.for %parallel_loop3A_289 = %parallel_loop3A_141 to %parallel_loop3A_142 step %parallel_loop3A_143  : i32 {
              %parallel_loop3A_290 = arith.constant 16 : i32
              %parallel_loop3A_291 = arith.muli %parallel_loop3A_289, %parallel_loop3A_290 : i32
              %parallel_loop3A_292 = arith.constant 1 : i32
              %parallel_loop3A_293 = arith.addi %mul3A_116, %parallel_loop3A_292 : i32
              %parallel_loop3A_294 = arith.constant 16 : i32
              %parallel_loop3A_295 = arith.muli %parallel_loop3A_289, %parallel_loop3A_294 : i32
              %parallel_loop3A_296 = arith.constant 0 : i32
              %parallel_loop3A_297 = arith.index_cast %parallel_loop3A_296 : i32 to index
              %parallel_loop3A_298 = arith.index_cast %parallel_loop3A_293 : i32 to index
              %parallel_loop3A_299 = arith.index_cast %parallel_loop3A_295 : i32 to index
              %parallel_loop3A_300 = tpu.vector_load %arg6[%parallel_loop3A_297, %parallel_loop3A_298, %parallel_loop3A_299] {strides = array<i32>} : memref<2x80x256xf32, #tpu.memory_space<vmem>>, vector<1x1x16xf32>,
              %parallel_loop3A_301 = vector.shape_cast %parallel_loop3A_300 : vector<1x1x16xf32> to vector<16xf32>
              %parallel_loop3A_302 = arith.index_cast %squeeze3A_140 : i32 to index
              %parallel_loop3A_303 = arith.index_cast %parallel_loop3A_291 : i32 to index
              %parallel_loop3A_304 = tpu.vector_load %arg8[%parallel_loop3A_302, %parallel_loop3A_303] {strides = array<i32>} : memref<64x272xf32, #tpu.memory_space<vmem>>, vector<1x16xf32>,
              %parallel_loop3A_305 = vector.shape_cast %parallel_loop3A_304 : vector<1x16xf32> to vector<16xf32>
              %parallel_loop3A_306 = vector.shape_cast %parallel_loop3A_301 : vector<16xf32> to vector<1x16xf32>
              tpu.vector_store %arg8[%parallel_loop3A_302, %parallel_loop3A_303], %parallel_loop3A_306 {add = true, strides = array<i32>} : memref<64x272xf32, #tpu.memory_space<vmem>>, vector<1x16xf32>,
            } {sc.loop_unroll_factor = 2 : i64, sc.parallel_access}
            %swap3A_144 = arith.index_cast %squeeze3A_140 : i32 to index
            %swap3A_145 = arith.constant 256 : index
            %swap3A_146 = tpu.vector_load %arg8[%swap3A_144, %swap3A_145] {strides = array<i32>} : memref<64x272xf32, #tpu.memory_space<vmem>>, vector<1x16xf32>,
            %swap3A_147 = vector.shape_cast %swap3A_146 : vector<1x16xf32> to vector<16xf32>
            %swap3A_148 = vector.shape_cast %min3A_107 : vector<16xf32> to vector<1x16xf32>
            tpu.vector_store %arg8[%swap3A_144, %swap3A_145], %swap3A_148 {add = true, strides = array<i32>} : memref<64x272xf32, #tpu.memory_space<vmem>>, vector<1x16xf32>,
            %slice3A_149 = vector.extract_strided_slice %get3A_120 {offsets = [2], sizes = [1], strides = [1]} : vector<16xi32> to vector<1xi32>
            %squeeze3A_150 = vector.extract %slice3A_149[0] : i32 from vector<1xi32>
            %parallel_loop3A_151 = arith.constant 0 : i32
            %parallel_loop3A_152 = arith.constant 16 : i32
            %parallel_loop3A_153 = arith.constant 1 : i32
            scf.for %parallel_loop3A_289 = %parallel_loop3A_151 to %parallel_loop3A_152 step %parallel_loop3A_153  : i32 {
              %parallel_loop3A_290 = arith.constant 16 : i32
              %parallel_loop3A_291 = arith.muli %parallel_loop3A_289, %parallel_loop3A_290 : i32
              %parallel_loop3A_292 = arith.constant 2 : i32
              %parallel_loop3A_293 = arith.addi %mul3A_116, %parallel_loop3A_292 : i32
              %parallel_loop3A_294 = arith.constant 16 : i32
              %parallel_loop3A_295 = arith.muli %parallel_loop3A_289, %parallel_loop3A_294 : i32
              %parallel_loop3A_296 = arith.constant 0 : i32
              %parallel_loop3A_297 = arith.index_cast %parallel_loop3A_296 : i32 to index
              %parallel_loop3A_298 = arith.index_cast %parallel_loop3A_293 : i32 to index
              %parallel_loop3A_299 = arith.index_cast %parallel_loop3A_295 : i32 to index
              %parallel_loop3A_300 = tpu.vector_load %arg6[%parallel_loop3A_297, %parallel_loop3A_298, %parallel_loop3A_299] {strides = array<i32>} : memref<2x80x256xf32, #tpu.memory_space<vmem>>, vector<1x1x16xf32>,
              %parallel_loop3A_301 = vector.shape_cast %parallel_loop3A_300 : vector<1x1x16xf32> to vector<16xf32>
              %parallel_loop3A_302 = arith.index_cast %squeeze3A_150 : i32 to index
              %parallel_loop3A_303 = arith.index_cast %parallel_loop3A_291 : i32 to index
              %parallel_loop3A_304 = tpu.vector_load %arg8[%parallel_loop3A_302, %parallel_loop3A_303] {strides = array<i32>} : memref<64x272xf32, #tpu.memory_space<vmem>>, vector<1x16xf32>,
              %parallel_loop3A_305 = vector.shape_cast %parallel_loop3A_304 : vector<1x16xf32> to vector<16xf32>
              %parallel_loop3A_306 = vector.shape_cast %parallel_loop3A_301 : vector<16xf32> to vector<1x16xf32>
              tpu.vector_store %arg8[%parallel_loop3A_302, %parallel_loop3A_303], %parallel_loop3A_306 {add = true, strides = array<i32>} : memref<64x272xf32, #tpu.memory_space<vmem>>, vector<1x16xf32>,
            } {sc.loop_unroll_factor = 2 : i64, sc.parallel_access}
            %swap3A_154 = arith.index_cast %squeeze3A_150 : i32 to index
            %swap3A_155 = arith.constant 256 : index
            %swap3A_156 = tpu.vector_load %arg8[%swap3A_154, %swap3A_155] {strides = array<i32>} : memref<64x272xf32, #tpu.memory_space<vmem>>, vector<1x16xf32>,
            %swap3A_157 = vector.shape_cast %swap3A_156 : vector<1x16xf32> to vector<16xf32>
            %swap3A_158 = vector.shape_cast %min3A_107 : vector<16xf32> to vector<1x16xf32>
            tpu.vector_store %arg8[%swap3A_154, %swap3A_155], %swap3A_158 {add = true, strides = array<i32>} : memref<64x272xf32, #tpu.memory_space<vmem>>, vector<1x16xf32>,
            %slice3A_159 = vector.extract_strided_slice %get3A_120 {offsets = [3], sizes = [1], strides = [1]} : vector<16xi32> to vector<1xi32>
            %squeeze3A_160 = vector.extract %slice3A_159[0] : i32 from vector<1xi32>
            %parallel_loop3A_161 = arith.constant 0 : i32
            %parallel_loop3A_162 = arith.constant 16 : i32
            %parallel_loop3A_163 = arith.constant 1 : i32
            scf.for %parallel_loop3A_289 = %parallel_loop3A_161 to %parallel_loop3A_162 step %parallel_loop3A_163  : i32 {
              %parallel_loop3A_290 = arith.constant 16 : i32
              %parallel_loop3A_291 = arith.muli %parallel_loop3A_289, %parallel_loop3A_290 : i32
              %parallel_loop3A_292 = arith.constant 3 : i32
              %parallel_loop3A_293 = arith.addi %mul3A_116, %parallel_loop3A_292 : i32
              %parallel_loop3A_294 = arith.constant 16 : i32
              %parallel_loop3A_295 = arith.muli %parallel_loop3A_289, %parallel_loop3A_294 : i32
              %parallel_loop3A_296 = arith.constant 0 : i32
              %parallel_loop3A_297 = arith.index_cast %parallel_loop3A_296 : i32 to index
              %parallel_loop3A_298 = arith.index_cast %parallel_loop3A_293 : i32 to index
              %parallel_loop3A_299 = arith.index_cast %parallel_loop3A_295 : i32 to index
              %parallel_loop3A_300 = tpu.vector_load %arg6[%parallel_loop3A_297, %parallel_loop3A_298, %parallel_loop3A_299] {strides = array<i32>} : memref<2x80x256xf32, #tpu.memory_space<vmem>>, vector<1x1x16xf32>,
              %parallel_loop3A_301 = vector.shape_cast %parallel_loop3A_300 : vector<1x1x16xf32> to vector<16xf32>
              %parallel_loop3A_302 = arith.index_cast %squeeze3A_160 : i32 to index
              %parallel_loop3A_303 = arith.index_cast %parallel_loop3A_291 : i32 to index
              %parallel_loop3A_304 = tpu.vector_load %arg8[%parallel_loop3A_302, %parallel_loop3A_303] {strides = array<i32>} : memref<64x272xf32, #tpu.memory_space<vmem>>, vector<1x16xf32>,
              %parallel_loop3A_305 = vector.shape_cast %parallel_loop3A_304 : vector<1x16xf32> to vector<16xf32>
              %parallel_loop3A_306 = vector.shape_cast %parallel_loop3A_301 : vector<16xf32> to vector<1x16xf32>
              tpu.vector_store %arg8[%parallel_loop3A_302, %parallel_loop3A_303], %parallel_loop3A_306 {add = true, strides = array<i32>} : memref<64x272xf32, #tpu.memory_space<vmem>>, vector<1x16xf32>,
            } {sc.loop_unroll_factor = 2 : i64, sc.parallel_access}
            %swap3A_164 = arith.index_cast %squeeze3A_160 : i32 to index
            %swap3A_165 = arith.constant 256 : index
            %swap3A_166 = tpu.vector_load %arg8[%swap3A_164, %swap3A_165] {strides = array<i32>} : memref<64x272xf32, #tpu.memory_space<vmem>>, vector<1x16xf32>,
            %swap3A_167 = vector.shape_cast %swap3A_166 : vector<1x16xf32> to vector<16xf32>
            %swap3A_168 = vector.shape_cast %min3A_107 : vector<16xf32> to vector<1x16xf32>
            tpu.vector_store %arg8[%swap3A_164, %swap3A_165], %swap3A_168 {add = true, strides = array<i32>} : memref<64x272xf32, #tpu.memory_space<vmem>>, vector<1x16xf32>,
            %slice3A_169 = vector.extract_strided_slice %get3A_120 {offsets = [4], sizes = [1], strides = [1]} : vector<16xi32> to vector<1xi32>
            %squeeze3A_170 = vector.extract %slice3A_169[0] : i32 from vector<1xi32>
            %parallel_loop3A_171 = arith.constant 0 : i32
            %parallel_loop3A_172 = arith.constant 16 : i32
            %parallel_loop3A_173 = arith.constant 1 : i32
            scf.for %parallel_loop3A_289 = %parallel_loop3A_171 to %parallel_loop3A_172 step %parallel_loop3A_173  : i32 {
              %parallel_loop3A_290 = arith.constant 16 : i32
              %parallel_loop3A_291 = arith.muli %parallel_loop3A_289, %parallel_loop3A_290 : i32
              %parallel_loop3A_292 = arith.constant 4 : i32
              %parallel_loop3A_293 = arith.addi %mul3A_116, %parallel_loop3A_292 : i32
              %parallel_loop3A_294 = arith.constant 16 : i32
              %parallel_loop3A_295 = arith.muli %parallel_loop3A_289, %parallel_loop3A_294 : i32
              %parallel_loop3A_296 = arith.constant 0 : i32
              %parallel_loop3A_297 = arith.index_cast %parallel_loop3A_296 : i32 to index
              %parallel_loop3A_298 = arith.index_cast %parallel_loop3A_293 : i32 to index
              %parallel_loop3A_299 = arith.index_cast %parallel_loop3A_295 : i32 to index
              %parallel_loop3A_300 = tpu.vector_load %arg6[%parallel_loop3A_297, %parallel_loop3A_298, %parallel_loop3A_299] {strides = array<i32>} : memref<2x80x256xf32, #tpu.memory_space<vmem>>, vector<1x1x16xf32>,
              %parallel_loop3A_301 = vector.shape_cast %parallel_loop3A_300 : vector<1x1x16xf32> to vector<16xf32>
              %parallel_loop3A_302 = arith.index_cast %squeeze3A_170 : i32 to index
              %parallel_loop3A_303 = arith.index_cast %parallel_loop3A_291 : i32 to index
              %parallel_loop3A_304 = tpu.vector_load %arg8[%parallel_loop3A_302, %parallel_loop3A_303] {strides = array<i32>} : memref<64x272xf32, #tpu.memory_space<vmem>>, vector<1x16xf32>,
              %parallel_loop3A_305 = vector.shape_cast %parallel_loop3A_304 : vector<1x16xf32> to vector<16xf32>
              %parallel_loop3A_306 = vector.shape_cast %parallel_loop3A_301 : vector<16xf32> to vector<1x16xf32>
              tpu.vector_store %arg8[%parallel_loop3A_302, %parallel_loop3A_303], %parallel_loop3A_306 {add = true, strides = array<i32>} : memref<64x272xf32, #tpu.memory_space<vmem>>, vector<1x16xf32>,
            } {sc.loop_unroll_factor = 2 : i64, sc.parallel_access}
            %swap3A_174 = arith.index_cast %squeeze3A_170 : i32 to index
            %swap3A_175 = arith.constant 256 : index
            %swap3A_176 = tpu.vector_load %arg8[%swap3A_174, %swap3A_175] {strides = array<i32>} : memref<64x272xf32, #tpu.memory_space<vmem>>, vector<1x16xf32>,
            %swap3A_177 = vector.shape_cast %swap3A_176 : vector<1x16xf32> to vector<16xf32>
            %swap3A_178 = vector.shape_cast %min3A_107 : vector<16xf32> to vector<1x16xf32>
            tpu.vector_store %arg8[%swap3A_174, %swap3A_175], %swap3A_178 {add = true, strides = array<i32>} : memref<64x272xf32, #tpu.memory_space<vmem>>, vector<1x16xf32>,
            %slice3A_179 = vector.extract_strided_slice %get3A_120 {offsets = [5], sizes = [1], strides = [1]} : vector<16xi32> to vector<1xi32>
            %squeeze3A_180 = vector.extract %slice3A_179[0] : i32 from vector<1xi32>
            %parallel_loop3A_181 = arith.constant 0 : i32
            %parallel_loop3A_182 = arith.constant 16 : i32
            %parallel_loop3A_183 = arith.constant 1 : i32
            scf.for %parallel_loop3A_289 = %parallel_loop3A_181 to %parallel_loop3A_182 step %parallel_loop3A_183  : i32 {
              %parallel_loop3A_290 = arith.constant 16 : i32
              %parallel_loop3A_291 = arith.muli %parallel_loop3A_289, %parallel_loop3A_290 : i32
              %parallel_loop3A_292 = arith.constant 5 : i32
              %parallel_loop3A_293 = arith.addi %mul3A_116, %parallel_loop3A_292 : i32
              %parallel_loop3A_294 = arith.constant 16 : i32
              %parallel_loop3A_295 = arith.muli %parallel_loop3A_289, %parallel_loop3A_294 : i32
              %parallel_loop3A_296 = arith.constant 0 : i32
              %parallel_loop3A_297 = arith.index_cast %parallel_loop3A_296 : i32 to index
              %parallel_loop3A_298 = arith.index_cast %parallel_loop3A_293 : i32 to index
              %parallel_loop3A_299 = arith.index_cast %parallel_loop3A_295 : i32 to index
              %parallel_loop3A_300 = tpu.vector_load %arg6[%parallel_loop3A_297, %parallel_loop3A_298, %parallel_loop3A_299] {strides = array<i32>} : memref<2x80x256xf32, #tpu.memory_space<vmem>>, vector<1x1x16xf32>,
              %parallel_loop3A_301 = vector.shape_cast %parallel_loop3A_300 : vector<1x1x16xf32> to vector<16xf32>
              %parallel_loop3A_302 = arith.index_cast %squeeze3A_180 : i32 to index
              %parallel_loop3A_303 = arith.index_cast %parallel_loop3A_291 : i32 to index
              %parallel_loop3A_304 = tpu.vector_load %arg8[%parallel_loop3A_302, %parallel_loop3A_303] {strides = array<i32>} : memref<64x272xf32, #tpu.memory_space<vmem>>, vector<1x16xf32>,
              %parallel_loop3A_305 = vector.shape_cast %parallel_loop3A_304 : vector<1x16xf32> to vector<16xf32>
              %parallel_loop3A_306 = vector.shape_cast %parallel_loop3A_301 : vector<16xf32> to vector<1x16xf32>
              tpu.vector_store %arg8[%parallel_loop3A_302, %parallel_loop3A_303], %parallel_loop3A_306 {add = true, strides = array<i32>} : memref<64x272xf32, #tpu.memory_space<vmem>>, vector<1x16xf32>,
            } {sc.loop_unroll_factor = 2 : i64, sc.parallel_access}
            %swap3A_184 = arith.index_cast %squeeze3A_180 : i32 to index
            %swap3A_185 = arith.constant 256 : index
            %swap3A_186 = tpu.vector_load %arg8[%swap3A_184, %swap3A_185] {strides = array<i32>} : memref<64x272xf32, #tpu.memory_space<vmem>>, vector<1x16xf32>,
            %swap3A_187 = vector.shape_cast %swap3A_186 : vector<1x16xf32> to vector<16xf32>
            %swap3A_188 = vector.shape_cast %min3A_107 : vector<16xf32> to vector<1x16xf32>
            tpu.vector_store %arg8[%swap3A_184, %swap3A_185], %swap3A_188 {add = true, strides = array<i32>} : memref<64x272xf32, #tpu.memory_space<vmem>>, vector<1x16xf32>,
            %slice3A_189 = vector.extract_strided_slice %get3A_120 {offsets = [6], sizes = [1], strides = [1]} : vector<16xi32> to vector<1xi32>
            %squeeze3A_190 = vector.extract %slice3A_189[0] : i32 from vector<1xi32>
            %parallel_loop3A_191 = arith.constant 0 : i32
            %parallel_loop3A_192 = arith.constant 16 : i32
            %parallel_loop3A_193 = arith.constant 1 : i32
            scf.for %parallel_loop3A_289 = %parallel_loop3A_191 to %parallel_loop3A_192 step %parallel_loop3A_193  : i32 {
              %parallel_loop3A_290 = arith.constant 16 : i32
              %parallel_loop3A_291 = arith.muli %parallel_loop3A_289, %parallel_loop3A_290 : i32
              %parallel_loop3A_292 = arith.constant 6 : i32
              %parallel_loop3A_293 = arith.addi %mul3A_116, %parallel_loop3A_292 : i32
              %parallel_loop3A_294 = arith.constant 16 : i32
              %parallel_loop3A_295 = arith.muli %parallel_loop3A_289, %parallel_loop3A_294 : i32
              %parallel_loop3A_296 = arith.constant 0 : i32
              %parallel_loop3A_297 = arith.index_cast %parallel_loop3A_296 : i32 to index
              %parallel_loop3A_298 = arith.index_cast %parallel_loop3A_293 : i32 to index
              %parallel_loop3A_299 = arith.index_cast %parallel_loop3A_295 : i32 to index
              %parallel_loop3A_300 = tpu.vector_load %arg6[%parallel_loop3A_297, %parallel_loop3A_298, %parallel_loop3A_299] {strides = array<i32>} : memref<2x80x256xf32, #tpu.memory_space<vmem>>, vector<1x1x16xf32>,
              %parallel_loop3A_301 = vector.shape_cast %parallel_loop3A_300 : vector<1x1x16xf32> to vector<16xf32>
              %parallel_loop3A_302 = arith.index_cast %squeeze3A_190 : i32 to index
              %parallel_loop3A_303 = arith.index_cast %parallel_loop3A_291 : i32 to index
              %parallel_loop3A_304 = tpu.vector_load %arg8[%parallel_loop3A_302, %parallel_loop3A_303] {strides = array<i32>} : memref<64x272xf32, #tpu.memory_space<vmem>>, vector<1x16xf32>,
              %parallel_loop3A_305 = vector.shape_cast %parallel_loop3A_304 : vector<1x16xf32> to vector<16xf32>
              %parallel_loop3A_306 = vector.shape_cast %parallel_loop3A_301 : vector<16xf32> to vector<1x16xf32>
              tpu.vector_store %arg8[%parallel_loop3A_302, %parallel_loop3A_303], %parallel_loop3A_306 {add = true, strides = array<i32>} : memref<64x272xf32, #tpu.memory_space<vmem>>, vector<1x16xf32>,
            } {sc.loop_unroll_factor = 2 : i64, sc.parallel_access}
            %swap3A_194 = arith.index_cast %squeeze3A_190 : i32 to index
            %swap3A_195 = arith.constant 256 : index
            %swap3A_196 = tpu.vector_load %arg8[%swap3A_194, %swap3A_195] {strides = array<i32>} : memref<64x272xf32, #tpu.memory_space<vmem>>, vector<1x16xf32>,
            %swap3A_197 = vector.shape_cast %swap3A_196 : vector<1x16xf32> to vector<16xf32>
            %swap3A_198 = vector.shape_cast %min3A_107 : vector<16xf32> to vector<1x16xf32>
            tpu.vector_store %arg8[%swap3A_194, %swap3A_195], %swap3A_198 {add = true, strides = array<i32>} : memref<64x272xf32, #tpu.memory_space<vmem>>, vector<1x16xf32>,
            %slice3A_199 = vector.extract_strided_slice %get3A_120 {offsets = [7], sizes = [1], strides = [1]} : vector<16xi32> to vector<1xi32>
            %squeeze3A_200 = vector.extract %slice3A_199[0] : i32 from vector<1xi32>
            %parallel_loop3A_201 = arith.constant 0 : i32
            %parallel_loop3A_202 = arith.constant 16 : i32
            %parallel_loop3A_203 = arith.constant 1 : i32
            scf.for %parallel_loop3A_289 = %parallel_loop3A_201 to %parallel_loop3A_202 step %parallel_loop3A_203  : i32 {
              %parallel_loop3A_290 = arith.constant 16 : i32
              %parallel_loop3A_291 = arith.muli %parallel_loop3A_289, %parallel_loop3A_290 : i32
              %parallel_loop3A_292 = arith.constant 7 : i32
              %parallel_loop3A_293 = arith.addi %mul3A_116, %parallel_loop3A_292 : i32
              %parallel_loop3A_294 = arith.constant 16 : i32
              %parallel_loop3A_295 = arith.muli %parallel_loop3A_289, %parallel_loop3A_294 : i32
              %parallel_loop3A_296 = arith.constant 0 : i32
              %parallel_loop3A_297 = arith.index_cast %parallel_loop3A_296 : i32 to index
              %parallel_loop3A_298 = arith.index_cast %parallel_loop3A_293 : i32 to index
              %parallel_loop3A_299 = arith.index_cast %parallel_loop3A_295 : i32 to index
              %parallel_loop3A_300 = tpu.vector_load %arg6[%parallel_loop3A_297, %parallel_loop3A_298, %parallel_loop3A_299] {strides = array<i32>} : memref<2x80x256xf32, #tpu.memory_space<vmem>>, vector<1x1x16xf32>,
              %parallel_loop3A_301 = vector.shape_cast %parallel_loop3A_300 : vector<1x1x16xf32> to vector<16xf32>
              %parallel_loop3A_302 = arith.index_cast %squeeze3A_200 : i32 to index
              %parallel_loop3A_303 = arith.index_cast %parallel_loop3A_291 : i32 to index
              %parallel_loop3A_304 = tpu.vector_load %arg8[%parallel_loop3A_302, %parallel_loop3A_303] {strides = array<i32>} : memref<64x272xf32, #tpu.memory_space<vmem>>, vector<1x16xf32>,
              %parallel_loop3A_305 = vector.shape_cast %parallel_loop3A_304 : vector<1x16xf32> to vector<16xf32>
              %parallel_loop3A_306 = vector.shape_cast %parallel_loop3A_301 : vector<16xf32> to vector<1x16xf32>
              tpu.vector_store %arg8[%parallel_loop3A_302, %parallel_loop3A_303], %parallel_loop3A_306 {add = true, strides = array<i32>} : memref<64x272xf32, #tpu.memory_space<vmem>>, vector<1x16xf32>,
            } {sc.loop_unroll_factor = 2 : i64, sc.parallel_access}
            %swap3A_204 = arith.index_cast %squeeze3A_200 : i32 to index
            %swap3A_205 = arith.constant 256 : index
            %swap3A_206 = tpu.vector_load %arg8[%swap3A_204, %swap3A_205] {strides = array<i32>} : memref<64x272xf32, #tpu.memory_space<vmem>>, vector<1x16xf32>,
            %swap3A_207 = vector.shape_cast %swap3A_206 : vector<1x16xf32> to vector<16xf32>
            %swap3A_208 = vector.shape_cast %min3A_107 : vector<16xf32> to vector<1x16xf32>
            tpu.vector_store %arg8[%swap3A_204, %swap3A_205], %swap3A_208 {add = true, strides = array<i32>} : memref<64x272xf32, #tpu.memory_space<vmem>>, vector<1x16xf32>,
            %slice3A_209 = vector.extract_strided_slice %get3A_120 {offsets = [8], sizes = [1], strides = [1]} : vector<16xi32> to vector<1xi32>
            %squeeze3A_210 = vector.extract %slice3A_209[0] : i32 from vector<1xi32>
            %parallel_loop3A_211 = arith.constant 0 : i32
            %parallel_loop3A_212 = arith.constant 16 : i32
            %parallel_loop3A_213 = arith.constant 1 : i32
            scf.for %parallel_loop3A_289 = %parallel_loop3A_211 to %parallel_loop3A_212 step %parallel_loop3A_213  : i32 {
              %parallel_loop3A_290 = arith.constant 16 : i32
              %parallel_loop3A_291 = arith.muli %parallel_loop3A_289, %parallel_loop3A_290 : i32
              %parallel_loop3A_292 = arith.constant 8 : i32
              %parallel_loop3A_293 = arith.addi %mul3A_116, %parallel_loop3A_292 : i32
              %parallel_loop3A_294 = arith.constant 16 : i32
              %parallel_loop3A_295 = arith.muli %parallel_loop3A_289, %parallel_loop3A_294 : i32
              %parallel_loop3A_296 = arith.constant 0 : i32
              %parallel_loop3A_297 = arith.index_cast %parallel_loop3A_296 : i32 to index
              %parallel_loop3A_298 = arith.index_cast %parallel_loop3A_293 : i32 to index
              %parallel_loop3A_299 = arith.index_cast %parallel_loop3A_295 : i32 to index
              %parallel_loop3A_300 = tpu.vector_load %arg6[%parallel_loop3A_297, %parallel_loop3A_298, %parallel_loop3A_299] {strides = array<i32>} : memref<2x80x256xf32, #tpu.memory_space<vmem>>, vector<1x1x16xf32>,
              %parallel_loop3A_301 = vector.shape_cast %parallel_loop3A_300 : vector<1x1x16xf32> to vector<16xf32>
              %parallel_loop3A_302 = arith.index_cast %squeeze3A_210 : i32 to index
              %parallel_loop3A_303 = arith.index_cast %parallel_loop3A_291 : i32 to index
              %parallel_loop3A_304 = tpu.vector_load %arg8[%parallel_loop3A_302, %parallel_loop3A_303] {strides = array<i32>} : memref<64x272xf32, #tpu.memory_space<vmem>>, vector<1x16xf32>,
              %parallel_loop3A_305 = vector.shape_cast %parallel_loop3A_304 : vector<1x16xf32> to vector<16xf32>
              %parallel_loop3A_306 = vector.shape_cast %parallel_loop3A_301 : vector<16xf32> to vector<1x16xf32>
              tpu.vector_store %arg8[%parallel_loop3A_302, %parallel_loop3A_303], %parallel_loop3A_306 {add = true, strides = array<i32>} : memref<64x272xf32, #tpu.memory_space<vmem>>, vector<1x16xf32>,
            } {sc.loop_unroll_factor = 2 : i64, sc.parallel_access}
            %swap3A_214 = arith.index_cast %squeeze3A_210 : i32 to index
            %swap3A_215 = arith.constant 256 : index
            %swap3A_216 = tpu.vector_load %arg8[%swap3A_214, %swap3A_215] {strides = array<i32>} : memref<64x272xf32, #tpu.memory_space<vmem>>, vector<1x16xf32>,
            %swap3A_217 = vector.shape_cast %swap3A_216 : vector<1x16xf32> to vector<16xf32>
            %swap3A_218 = vector.shape_cast %min3A_107 : vector<16xf32> to vector<1x16xf32>
            tpu.vector_store %arg8[%swap3A_214, %swap3A_215], %swap3A_218 {add = true, strides = array<i32>} : memref<64x272xf32, #tpu.memory_space<vmem>>, vector<1x16xf32>,
            %slice3A_219 = vector.extract_strided_slice %get3A_120 {offsets = [9], sizes = [1], strides = [1]} : vector<16xi32> to vector<1xi32>
            %squeeze3A_220 = vector.extract %slice3A_219[0] : i32 from vector<1xi32>
            %parallel_loop3A_221 = arith.constant 0 : i32
            %parallel_loop3A_222 = arith.constant 16 : i32
            %parallel_loop3A_223 = arith.constant 1 : i32
            scf.for %parallel_loop3A_289 = %parallel_loop3A_221 to %parallel_loop3A_222 step %parallel_loop3A_223  : i32 {
              %parallel_loop3A_290 = arith.constant 16 : i32
              %parallel_loop3A_291 = arith.muli %parallel_loop3A_289, %parallel_loop3A_290 : i32
              %parallel_loop3A_292 = arith.constant 9 : i32
              %parallel_loop3A_293 = arith.addi %mul3A_116, %parallel_loop3A_292 : i32
              %parallel_loop3A_294 = arith.constant 16 : i32
              %parallel_loop3A_295 = arith.muli %parallel_loop3A_289, %parallel_loop3A_294 : i32
              %parallel_loop3A_296 = arith.constant 0 : i32
              %parallel_loop3A_297 = arith.index_cast %parallel_loop3A_296 : i32 to index
              %parallel_loop3A_298 = arith.index_cast %parallel_loop3A_293 : i32 to index
              %parallel_loop3A_299 = arith.index_cast %parallel_loop3A_295 : i32 to index
              %parallel_loop3A_300 = tpu.vector_load %arg6[%parallel_loop3A_297, %parallel_loop3A_298, %parallel_loop3A_299] {strides = array<i32>} : memref<2x80x256xf32, #tpu.memory_space<vmem>>, vector<1x1x16xf32>,
              %parallel_loop3A_301 = vector.shape_cast %parallel_loop3A_300 : vector<1x1x16xf32> to vector<16xf32>
              %parallel_loop3A_302 = arith.index_cast %squeeze3A_220 : i32 to index
              %parallel_loop3A_303 = arith.index_cast %parallel_loop3A_291 : i32 to index
              %parallel_loop3A_304 = tpu.vector_load %arg8[%parallel_loop3A_302, %parallel_loop3A_303] {strides = array<i32>} : memref<64x272xf32, #tpu.memory_space<vmem>>, vector<1x16xf32>,
              %parallel_loop3A_305 = vector.shape_cast %parallel_loop3A_304 : vector<1x16xf32> to vector<16xf32>
              %parallel_loop3A_306 = vector.shape_cast %parallel_loop3A_301 : vector<16xf32> to vector<1x16xf32>
              tpu.vector_store %arg8[%parallel_loop3A_302, %parallel_loop3A_303], %parallel_loop3A_306 {add = true, strides = array<i32>} : memref<64x272xf32, #tpu.memory_space<vmem>>, vector<1x16xf32>,
            } {sc.loop_unroll_factor = 2 : i64, sc.parallel_access}
            %swap3A_224 = arith.index_cast %squeeze3A_220 : i32 to index
            %swap3A_225 = arith.constant 256 : index
            %swap3A_226 = tpu.vector_load %arg8[%swap3A_224, %swap3A_225] {strides = array<i32>} : memref<64x272xf32, #tpu.memory_space<vmem>>, vector<1x16xf32>,
            %swap3A_227 = vector.shape_cast %swap3A_226 : vector<1x16xf32> to vector<16xf32>
            %swap3A_228 = vector.shape_cast %min3A_107 : vector<16xf32> to vector<1x16xf32>
            tpu.vector_store %arg8[%swap3A_224, %swap3A_225], %swap3A_228 {add = true, strides = array<i32>} : memref<64x272xf32, #tpu.memory_space<vmem>>, vector<1x16xf32>,
            %slice3A_229 = vector.extract_strided_slice %get3A_120 {offsets = [10], sizes = [1], strides = [1]} : vector<16xi32> to vector<1xi32>
            %squeeze3A_230 = vector.extract %slice3A_229[0] : i32 from vector<1xi32>
            %parallel_loop3A_231 = arith.constant 0 : i32
            %parallel_loop3A_232 = arith.constant 16 : i32
            %parallel_loop3A_233 = arith.constant 1 : i32
            scf.for %parallel_loop3A_289 = %parallel_loop3A_231 to %parallel_loop3A_232 step %parallel_loop3A_233  : i32 {
              %parallel_loop3A_290 = arith.constant 16 : i32
              %parallel_loop3A_291 = arith.muli %parallel_loop3A_289, %parallel_loop3A_290 : i32
              %parallel_loop3A_292 = arith.constant 10 : i32
              %parallel_loop3A_293 = arith.addi %mul3A_116, %parallel_loop3A_292 : i32
              %parallel_loop3A_294 = arith.constant 16 : i32
              %parallel_loop3A_295 = arith.muli %parallel_loop3A_289, %parallel_loop3A_294 : i32
              %parallel_loop3A_296 = arith.constant 0 : i32
              %parallel_loop3A_297 = arith.index_cast %parallel_loop3A_296 : i32 to index
              %parallel_loop3A_298 = arith.index_cast %parallel_loop3A_293 : i32 to index
              %parallel_loop3A_299 = arith.index_cast %parallel_loop3A_295 : i32 to index
              %parallel_loop3A_300 = tpu.vector_load %arg6[%parallel_loop3A_297, %parallel_loop3A_298, %parallel_loop3A_299] {strides = array<i32>} : memref<2x80x256xf32, #tpu.memory_space<vmem>>, vector<1x1x16xf32>,
              %parallel_loop3A_301 = vector.shape_cast %parallel_loop3A_300 : vector<1x1x16xf32> to vector<16xf32>
              %parallel_loop3A_302 = arith.index_cast %squeeze3A_230 : i32 to index
              %parallel_loop3A_303 = arith.index_cast %parallel_loop3A_291 : i32 to index
              %parallel_loop3A_304 = tpu.vector_load %arg8[%parallel_loop3A_302, %parallel_loop3A_303] {strides = array<i32>} : memref<64x272xf32, #tpu.memory_space<vmem>>, vector<1x16xf32>,
              %parallel_loop3A_305 = vector.shape_cast %parallel_loop3A_304 : vector<1x16xf32> to vector<16xf32>
              %parallel_loop3A_306 = vector.shape_cast %parallel_loop3A_301 : vector<16xf32> to vector<1x16xf32>
              tpu.vector_store %arg8[%parallel_loop3A_302, %parallel_loop3A_303], %parallel_loop3A_306 {add = true, strides = array<i32>} : memref<64x272xf32, #tpu.memory_space<vmem>>, vector<1x16xf32>,
            } {sc.loop_unroll_factor = 2 : i64, sc.parallel_access}
            %swap3A_234 = arith.index_cast %squeeze3A_230 : i32 to index
            %swap3A_235 = arith.constant 256 : index
            %swap3A_236 = tpu.vector_load %arg8[%swap3A_234, %swap3A_235] {strides = array<i32>} : memref<64x272xf32, #tpu.memory_space<vmem>>, vector<1x16xf32>,
            %swap3A_237 = vector.shape_cast %swap3A_236 : vector<1x16xf32> to vector<16xf32>
            %swap3A_238 = vector.shape_cast %min3A_107 : vector<16xf32> to vector<1x16xf32>
            tpu.vector_store %arg8[%swap3A_234, %swap3A_235], %swap3A_238 {add = true, strides = array<i32>} : memref<64x272xf32, #tpu.memory_space<vmem>>, vector<1x16xf32>,
            %slice3A_239 = vector.extract_strided_slice %get3A_120 {offsets = [11], sizes = [1], strides = [1]} : vector<16xi32> to vector<1xi32>
            %squeeze3A_240 = vector.extract %slice3A_239[0] : i32 from vector<1xi32>
            %parallel_loop3A_241 = arith.constant 0 : i32
            %parallel_loop3A_242 = arith.constant 16 : i32
            %parallel_loop3A_243 = arith.constant 1 : i32
            scf.for %parallel_loop3A_289 = %parallel_loop3A_241 to %parallel_loop3A_242 step %parallel_loop3A_243  : i32 {
              %parallel_loop3A_290 = arith.constant 16 : i32
              %parallel_loop3A_291 = arith.muli %parallel_loop3A_289, %parallel_loop3A_290 : i32
              %parallel_loop3A_292 = arith.constant 11 : i32
              %parallel_loop3A_293 = arith.addi %mul3A_116, %parallel_loop3A_292 : i32
              %parallel_loop3A_294 = arith.constant 16 : i32
              %parallel_loop3A_295 = arith.muli %parallel_loop3A_289, %parallel_loop3A_294 : i32
              %parallel_loop3A_296 = arith.constant 0 : i32
              %parallel_loop3A_297 = arith.index_cast %parallel_loop3A_296 : i32 to index
              %parallel_loop3A_298 = arith.index_cast %parallel_loop3A_293 : i32 to index
              %parallel_loop3A_299 = arith.index_cast %parallel_loop3A_295 : i32 to index
              %parallel_loop3A_300 = tpu.vector_load %arg6[%parallel_loop3A_297, %parallel_loop3A_298, %parallel_loop3A_299] {strides = array<i32>} : memref<2x80x256xf32, #tpu.memory_space<vmem>>, vector<1x1x16xf32>,
              %parallel_loop3A_301 = vector.shape_cast %parallel_loop3A_300 : vector<1x1x16xf32> to vector<16xf32>
              %parallel_loop3A_302 = arith.index_cast %squeeze3A_240 : i32 to index
              %parallel_loop3A_303 = arith.index_cast %parallel_loop3A_291 : i32 to index
              %parallel_loop3A_304 = tpu.vector_load %arg8[%parallel_loop3A_302, %parallel_loop3A_303] {strides = array<i32>} : memref<64x272xf32, #tpu.memory_space<vmem>>, vector<1x16xf32>,
              %parallel_loop3A_305 = vector.shape_cast %parallel_loop3A_304 : vector<1x16xf32> to vector<16xf32>
              %parallel_loop3A_306 = vector.shape_cast %parallel_loop3A_301 : vector<16xf32> to vector<1x16xf32>
              tpu.vector_store %arg8[%parallel_loop3A_302, %parallel_loop3A_303], %parallel_loop3A_306 {add = true, strides = array<i32>} : memref<64x272xf32, #tpu.memory_space<vmem>>, vector<1x16xf32>,
            } {sc.loop_unroll_factor = 2 : i64, sc.parallel_access}
            %swap3A_244 = arith.index_cast %squeeze3A_240 : i32 to index
            %swap3A_245 = arith.constant 256 : index
            %swap3A_246 = tpu.vector_load %arg8[%swap3A_244, %swap3A_245] {strides = array<i32>} : memref<64x272xf32, #tpu.memory_space<vmem>>, vector<1x16xf32>,
            %swap3A_247 = vector.shape_cast %swap3A_246 : vector<1x16xf32> to vector<16xf32>
            %swap3A_248 = vector.shape_cast %min3A_107 : vector<16xf32> to vector<1x16xf32>
            tpu.vector_store %arg8[%swap3A_244, %swap3A_245], %swap3A_248 {add = true, strides = array<i32>} : memref<64x272xf32, #tpu.memory_space<vmem>>, vector<1x16xf32>,
            %slice3A_249 = vector.extract_strided_slice %get3A_120 {offsets = [12], sizes = [1], strides = [1]} : vector<16xi32> to vector<1xi32>
            %squeeze3A_250 = vector.extract %slice3A_249[0] : i32 from vector<1xi32>
            %parallel_loop3A_251 = arith.constant 0 : i32
            %parallel_loop3A_252 = arith.constant 16 : i32
            %parallel_loop3A_253 = arith.constant 1 : i32
            scf.for %parallel_loop3A_289 = %parallel_loop3A_251 to %parallel_loop3A_252 step %parallel_loop3A_253  : i32 {
              %parallel_loop3A_290 = arith.constant 16 : i32
              %parallel_loop3A_291 = arith.muli %parallel_loop3A_289, %parallel_loop3A_290 : i32
              %parallel_loop3A_292 = arith.constant 12 : i32
              %parallel_loop3A_293 = arith.addi %mul3A_116, %parallel_loop3A_292 : i32
              %parallel_loop3A_294 = arith.constant 16 : i32
              %parallel_loop3A_295 = arith.muli %parallel_loop3A_289, %parallel_loop3A_294 : i32
              %parallel_loop3A_296 = arith.constant 0 : i32
              %parallel_loop3A_297 = arith.index_cast %parallel_loop3A_296 : i32 to index
              %parallel_loop3A_298 = arith.index_cast %parallel_loop3A_293 : i32 to index
              %parallel_loop3A_299 = arith.index_cast %parallel_loop3A_295 : i32 to index
              %parallel_loop3A_300 = tpu.vector_load %arg6[%parallel_loop3A_297, %parallel_loop3A_298, %parallel_loop3A_299] {strides = array<i32>} : memref<2x80x256xf32, #tpu.memory_space<vmem>>, vector<1x1x16xf32>,
              %parallel_loop3A_301 = vector.shape_cast %parallel_loop3A_300 : vector<1x1x16xf32> to vector<16xf32>
              %parallel_loop3A_302 = arith.index_cast %squeeze3A_250 : i32 to index
              %parallel_loop3A_303 = arith.index_cast %parallel_loop3A_291 : i32 to index
              %parallel_loop3A_304 = tpu.vector_load %arg8[%parallel_loop3A_302, %parallel_loop3A_303] {strides = array<i32>} : memref<64x272xf32, #tpu.memory_space<vmem>>, vector<1x16xf32>,
              %parallel_loop3A_305 = vector.shape_cast %parallel_loop3A_304 : vector<1x16xf32> to vector<16xf32>
              %parallel_loop3A_306 = vector.shape_cast %parallel_loop3A_301 : vector<16xf32> to vector<1x16xf32>
              tpu.vector_store %arg8[%parallel_loop3A_302, %parallel_loop3A_303], %parallel_loop3A_306 {add = true, strides = array<i32>} : memref<64x272xf32, #tpu.memory_space<vmem>>, vector<1x16xf32>,
            } {sc.loop_unroll_factor = 2 : i64, sc.parallel_access}
            %swap3A_254 = arith.index_cast %squeeze3A_250 : i32 to index
            %swap3A_255 = arith.constant 256 : index
            %swap3A_256 = tpu.vector_load %arg8[%swap3A_254, %swap3A_255] {strides = array<i32>} : memref<64x272xf32, #tpu.memory_space<vmem>>, vector<1x16xf32>,
            %swap3A_257 = vector.shape_cast %swap3A_256 : vector<1x16xf32> to vector<16xf32>
            %swap3A_258 = vector.shape_cast %min3A_107 : vector<16xf32> to vector<1x16xf32>
            tpu.vector_store %arg8[%swap3A_254, %swap3A_255], %swap3A_258 {add = true, strides = array<i32>} : memref<64x272xf32, #tpu.memory_space<vmem>>, vector<1x16xf32>,
            %slice3A_259 = vector.extract_strided_slice %get3A_120 {offsets = [13], sizes = [1], strides = [1]} : vector<16xi32> to vector<1xi32>
            %squeeze3A_260 = vector.extract %slice3A_259[0] : i32 from vector<1xi32>
            %parallel_loop3A_261 = arith.constant 0 : i32
            %parallel_loop3A_262 = arith.constant 16 : i32
            %parallel_loop3A_263 = arith.constant 1 : i32
            scf.for %parallel_loop3A_289 = %parallel_loop3A_261 to %parallel_loop3A_262 step %parallel_loop3A_263  : i32 {
              %parallel_loop3A_290 = arith.constant 16 : i32
              %parallel_loop3A_291 = arith.muli %parallel_loop3A_289, %parallel_loop3A_290 : i32
              %parallel_loop3A_292 = arith.constant 13 : i32
              %parallel_loop3A_293 = arith.addi %mul3A_116, %parallel_loop3A_292 : i32
              %parallel_loop3A_294 = arith.constant 16 : i32
              %parallel_loop3A_295 = arith.muli %parallel_loop3A_289, %parallel_loop3A_294 : i32
              %parallel_loop3A_296 = arith.constant 0 : i32
              %parallel_loop3A_297 = arith.index_cast %parallel_loop3A_296 : i32 to index
              %parallel_loop3A_298 = arith.index_cast %parallel_loop3A_293 : i32 to index
              %parallel_loop3A_299 = arith.index_cast %parallel_loop3A_295 : i32 to index
              %parallel_loop3A_300 = tpu.vector_load %arg6[%parallel_loop3A_297, %parallel_loop3A_298, %parallel_loop3A_299] {strides = array<i32>} : memref<2x80x256xf32, #tpu.memory_space<vmem>>, vector<1x1x16xf32>,
              %parallel_loop3A_301 = vector.shape_cast %parallel_loop3A_300 : vector<1x1x16xf32> to vector<16xf32>
              %parallel_loop3A_302 = arith.index_cast %squeeze3A_260 : i32 to index
              %parallel_loop3A_303 = arith.index_cast %parallel_loop3A_291 : i32 to index
              %parallel_loop3A_304 = tpu.vector_load %arg8[%parallel_loop3A_302, %parallel_loop3A_303] {strides = array<i32>} : memref<64x272xf32, #tpu.memory_space<vmem>>, vector<1x16xf32>,
              %parallel_loop3A_305 = vector.shape_cast %parallel_loop3A_304 : vector<1x16xf32> to vector<16xf32>
              %parallel_loop3A_306 = vector.shape_cast %parallel_loop3A_301 : vector<16xf32> to vector<1x16xf32>
              tpu.vector_store %arg8[%parallel_loop3A_302, %parallel_loop3A_303], %parallel_loop3A_306 {add = true, strides = array<i32>} : memref<64x272xf32, #tpu.memory_space<vmem>>, vector<1x16xf32>,
            } {sc.loop_unroll_factor = 2 : i64, sc.parallel_access}
            %swap3A_264 = arith.index_cast %squeeze3A_260 : i32 to index
            %swap3A_265 = arith.constant 256 : index
            %swap3A_266 = tpu.vector_load %arg8[%swap3A_264, %swap3A_265] {strides = array<i32>} : memref<64x272xf32, #tpu.memory_space<vmem>>, vector<1x16xf32>,
            %swap3A_267 = vector.shape_cast %swap3A_266 : vector<1x16xf32> to vector<16xf32>
            %swap3A_268 = vector.shape_cast %min3A_107 : vector<16xf32> to vector<1x16xf32>
            tpu.vector_store %arg8[%swap3A_264, %swap3A_265], %swap3A_268 {add = true, strides = array<i32>} : memref<64x272xf32, #tpu.memory_space<vmem>>, vector<1x16xf32>,
            %slice3A_269 = vector.extract_strided_slice %get3A_120 {offsets = [14], sizes = [1], strides = [1]} : vector<16xi32> to vector<1xi32>
            %squeeze3A_270 = vector.extract %slice3A_269[0] : i32 from vector<1xi32>
            %parallel_loop3A_271 = arith.constant 0 : i32
            %parallel_loop3A_272 = arith.constant 16 : i32
            %parallel_loop3A_273 = arith.constant 1 : i32
            scf.for %parallel_loop3A_289 = %parallel_loop3A_271 to %parallel_loop3A_272 step %parallel_loop3A_273  : i32 {
              %parallel_loop3A_290 = arith.constant 16 : i32
              %parallel_loop3A_291 = arith.muli %parallel_loop3A_289, %parallel_loop3A_290 : i32
              %parallel_loop3A_292 = arith.constant 14 : i32
              %parallel_loop3A_293 = arith.addi %mul3A_116, %parallel_loop3A_292 : i32
              %parallel_loop3A_294 = arith.constant 16 : i32
              %parallel_loop3A_295 = arith.muli %parallel_loop3A_289, %parallel_loop3A_294 : i32
              %parallel_loop3A_296 = arith.constant 0 : i32
              %parallel_loop3A_297 = arith.index_cast %parallel_loop3A_296 : i32 to index
              %parallel_loop3A_298 = arith.index_cast %parallel_loop3A_293 : i32 to index
              %parallel_loop3A_299 = arith.index_cast %parallel_loop3A_295 : i32 to index
              %parallel_loop3A_300 = tpu.vector_load %arg6[%parallel_loop3A_297, %parallel_loop3A_298, %parallel_loop3A_299] {strides = array<i32>} : memref<2x80x256xf32, #tpu.memory_space<vmem>>, vector<1x1x16xf32>,
              %parallel_loop3A_301 = vector.shape_cast %parallel_loop3A_300 : vector<1x1x16xf32> to vector<16xf32>
              %parallel_loop3A_302 = arith.index_cast %squeeze3A_270 : i32 to index
              %parallel_loop3A_303 = arith.index_cast %parallel_loop3A_291 : i32 to index
              %parallel_loop3A_304 = tpu.vector_load %arg8[%parallel_loop3A_302, %parallel_loop3A_303] {strides = array<i32>} : memref<64x272xf32, #tpu.memory_space<vmem>>, vector<1x16xf32>,
              %parallel_loop3A_305 = vector.shape_cast %parallel_loop3A_304 : vector<1x16xf32> to vector<16xf32>
              %parallel_loop3A_306 = vector.shape_cast %parallel_loop3A_301 : vector<16xf32> to vector<1x16xf32>
              tpu.vector_store %arg8[%parallel_loop3A_302, %parallel_loop3A_303], %parallel_loop3A_306 {add = true, strides = array<i32>} : memref<64x272xf32, #tpu.memory_space<vmem>>, vector<1x16xf32>,
            } {sc.loop_unroll_factor = 2 : i64, sc.parallel_access}
            %swap3A_274 = arith.index_cast %squeeze3A_270 : i32 to index
            %swap3A_275 = arith.constant 256 : index
            %swap3A_276 = tpu.vector_load %arg8[%swap3A_274, %swap3A_275] {strides = array<i32>} : memref<64x272xf32, #tpu.memory_space<vmem>>, vector<1x16xf32>,
            %swap3A_277 = vector.shape_cast %swap3A_276 : vector<1x16xf32> to vector<16xf32>
            %swap3A_278 = vector.shape_cast %min3A_107 : vector<16xf32> to vector<1x16xf32>
            tpu.vector_store %arg8[%swap3A_274, %swap3A_275], %swap3A_278 {add = true, strides = array<i32>} : memref<64x272xf32, #tpu.memory_space<vmem>>, vector<1x16xf32>,
            %slice3A_279 = vector.extract_strided_slice %get3A_120 {offsets = [15], sizes = [1], strides = [1]} : vector<16xi32> to vector<1xi32>
            %squeeze3A_280 = vector.extract %slice3A_279[0] : i32 from vector<1xi32>
            %parallel_loop3A_281 = arith.constant 0 : i32
            %parallel_loop3A_282 = arith.constant 16 : i32
            %parallel_loop3A_283 = arith.constant 1 : i32
            scf.for %parallel_loop3A_289 = %parallel_loop3A_281 to %parallel_loop3A_282 step %parallel_loop3A_283  : i32 {
              %parallel_loop3A_290 = arith.constant 16 : i32
              %parallel_loop3A_291 = arith.muli %parallel_loop3A_289, %parallel_loop3A_290 : i32
              %parallel_loop3A_292 = arith.constant 15 : i32
              %parallel_loop3A_293 = arith.addi %mul3A_116, %parallel_loop3A_292 : i32
              %parallel_loop3A_294 = arith.constant 16 : i32
              %parallel_loop3A_295 = arith.muli %parallel_loop3A_289, %parallel_loop3A_294 : i32
              %parallel_loop3A_296 = arith.constant 0 : i32
              %parallel_loop3A_297 = arith.index_cast %parallel_loop3A_296 : i32 to index
              %parallel_loop3A_298 = arith.index_cast %parallel_loop3A_293 : i32 to index
              %parallel_loop3A_299 = arith.index_cast %parallel_loop3A_295 : i32 to index
              %parallel_loop3A_300 = tpu.vector_load %arg6[%parallel_loop3A_297, %parallel_loop3A_298, %parallel_loop3A_299] {strides = array<i32>} : memref<2x80x256xf32, #tpu.memory_space<vmem>>, vector<1x1x16xf32>,
              %parallel_loop3A_301 = vector.shape_cast %parallel_loop3A_300 : vector<1x1x16xf32> to vector<16xf32>
              %parallel_loop3A_302 = arith.index_cast %squeeze3A_280 : i32 to index
              %parallel_loop3A_303 = arith.index_cast %parallel_loop3A_291 : i32 to index
              %parallel_loop3A_304 = tpu.vector_load %arg8[%parallel_loop3A_302, %parallel_loop3A_303] {strides = array<i32>} : memref<64x272xf32, #tpu.memory_space<vmem>>, vector<1x16xf32>,
              %parallel_loop3A_305 = vector.shape_cast %parallel_loop3A_304 : vector<1x16xf32> to vector<16xf32>
              %parallel_loop3A_306 = vector.shape_cast %parallel_loop3A_301 : vector<16xf32> to vector<1x16xf32>
              tpu.vector_store %arg8[%parallel_loop3A_302, %parallel_loop3A_303], %parallel_loop3A_306 {add = true, strides = array<i32>} : memref<64x272xf32, #tpu.memory_space<vmem>>, vector<1x16xf32>,
            } {sc.loop_unroll_factor = 2 : i64, sc.parallel_access}
            %swap3A_284 = arith.index_cast %squeeze3A_280 : i32 to index
            %swap3A_285 = arith.constant 256 : index
            %swap3A_286 = tpu.vector_load %arg8[%swap3A_284, %swap3A_285] {strides = array<i32>} : memref<64x272xf32, #tpu.memory_space<vmem>>, vector<1x16xf32>,
            %swap3A_287 = vector.shape_cast %swap3A_286 : vector<1x16xf32> to vector<16xf32>
            %swap3A_288 = vector.shape_cast %min3A_107 : vector<16xf32> to vector<1x16xf32>
            tpu.vector_store %arg8[%swap3A_284, %swap3A_285], %swap3A_288 {add = true, strides = array<i32>} : memref<64x272xf32, #tpu.memory_space<vmem>>, vector<1x16xf32>,
          } else {
          }
        }
        %scan3A_113 = arith.constant 5 : i32
      } else {
      }
      %add3A_45 = arith.constant 2 : i32
      %add3A_46 = arith.addi %add3A_36, %add3A_45 : i32
      %mul3A_47 = arith.constant 32 : i32
      %mul3A_48 = arith.muli %mul3A_47, %add3A_46 : i32
      %add3A_49 = arith.addi %add3A, %mul3A_48 : i32
      %lt3A_50 = arith.constant 125 : i32
      %lt3A_51 = arith.cmpi slt, %add3A_49, %lt3A_50 : i32
      %convert_element_type3A_52 = arith.extui %lt3A_51 : i1 to i32
      %cond3A_53 = arith.constant 0 : i32
      %cond3A_54 = arith.cmpi ne, %convert_element_type3A_52, %cond3A_53 : i32
      scf.if %cond3A_54 {
        %mul3A_77 = arith.constant 80 : i32
        %mul3A_78 = arith.muli %add3A_49, %mul3A_77 : i32
        %dma_start3A = arith.constant 0 : i32
        %dma_start3A_79 = arith.constant 0 : i32
        %dma_start3A_80 = arith.constant 0 : i32
        %dma_start3A_81 = tpu.memref_slice %arg6[%dma_start3A, %dma_start3A_79, %dma_start3A_80] : memref<2x80x256xf32, #tpu.memory_space<vmem>> -> memref<1x80x256xf32, #tpu.memory_space<vmem>>
        %dma_start3A_82 = tpu.memref_squeeze %dma_start3A_81 : memref<1x80x256xf32, #tpu.memory_space<vmem>> -> memref<80x256xf32, #tpu.memory_space<vmem>>
        %dma_start3A_83 = arith.constant 0 : i32
        %dma_start3A_84 = tpu.memref_slice %arg2[%mul3A_78, %dma_start3A_83] : memref<10000x256xf32, #tpu.memory_space<hbm>> -> memref<80x256xf32, #tpu.memory_space<hbm>>
        %dma_start3A_85 = arith.constant 0 : i32
        %dma_start3A_86 = arith.constant 0 : i32
        %dma_start3A_87 = tpu.memref_slice %arg6[%dma_start3A, %dma_start3A_85, %dma_start3A_86] : memref<2x80x256xf32, #tpu.memory_space<vmem>> -> memref<1x80x256xf32, #tpu.memory_space<vmem>>
        %dma_start3A_88 = tpu.memref_squeeze %dma_start3A_87 : memref<1x80x256xf32, #tpu.memory_space<vmem>> -> memref<80x256xf32, #tpu.memory_space<vmem>>
        %dma_start3A_89 = arith.constant 0 : i32
        %dma_start3A_90 = tpu.memref_slice %arg2[%mul3A_78, %dma_start3A_89] : memref<10000x256xf32, #tpu.memory_space<hbm>> -> memref<80x256xf32, #tpu.memory_space<hbm>>
        tpu.enqueue_dma source(%dma_start3A_90 : memref<80x256xf32, #tpu.memory_space<hbm>>) target(%dma_start3A_88 : memref<80x256xf32, #tpu.memory_space<vmem>>) target_semaphore(%arg9 : memref<!tpu.dma_semaphore, #tpu.memory_space<semaphore_mem>>)
        %mul3A_91 = arith.constant 80 : i32
        %mul3A_92 = arith.muli %add3A_49, %mul3A_91 : i32
        %dma_start3A_93 = arith.constant 0 : i32
        %dma_start3A_94 = arith.constant 0 : i32
        %dma_start3A_95 = tpu.memref_slice %arg7[%dma_start3A_93, %dma_start3A_94] : memref<2x80xi32, #tpu.memory_space<vmem>> -> memref<1x80xi32, #tpu.memory_space<vmem>>
        %dma_start3A_96 = tpu.memref_squeeze %dma_start3A_95 : memref<1x80xi32, #tpu.memory_space<vmem>> -> memref<80xi32, #tpu.memory_space<vmem>>
        %dma_start3A_97 = tpu.memref_slice %arg3[%mul3A_92] : memref<10000xi32, #tpu.memory_space<hbm>> -> memref<80xi32, #tpu.memory_space<hbm>>
        %dma_start3A_98 = arith.constant 0 : i32
        %dma_start3A_99 = tpu.memref_slice %arg7[%dma_start3A_93, %dma_start3A_98] : memref<2x80xi32, #tpu.memory_space<vmem>> -> memref<1x80xi32, #tpu.memory_space<vmem>>
        %dma_start3A_100 = tpu.memref_squeeze %dma_start3A_99 : memref<1x80xi32, #tpu.memory_space<vmem>> -> memref<80xi32, #tpu.memory_space<vmem>>
        %dma_start3A_101 = tpu.memref_slice %arg3[%mul3A_92] : memref<10000xi32, #tpu.memory_space<hbm>> -> memref<80xi32, #tpu.memory_space<hbm>>
        tpu.enqueue_dma source(%dma_start3A_101 : memref<80xi32, #tpu.memory_space<hbm>>) target(%dma_start3A_100 : memref<80xi32, #tpu.memory_space<vmem>>) target_semaphore(%arg11 : memref<!tpu.dma_semaphore, #tpu.memory_space<semaphore_mem>>)
      } else {
      }
      %mul3A_55 = arith.constant 2 : i32
      %mul3A_56 = arith.muli %scan3A_32, %mul3A_55 : i32
      %add3A_57 = arith.constant 1 : i32
      %add3A_58 = arith.addi %mul3A_56, %add3A_57 : i32
      %mul3A_59 = arith.constant 32 : i32
      %mul3A_60 = arith.muli %mul3A_59, %add3A_58 : i32
      %add3A_61 = arith.addi %add3A, %mul3A_60 : i32
      %lt3A_62 = arith.constant 125 : i32
      %lt3A_63 = arith.cmpi slt, %add3A_61, %lt3A_62 : i32
      %convert_element_type3A_64 = arith.extui %lt3A_63 : i1 to i32
      %cond3A_65 = arith.constant 0 : i32
      %cond3A_66 = arith.cmpi ne, %convert_element_type3A_64, %cond3A_65 : i32
      scf.if %cond3A_66 {
        %dma_wait3A = arith.constant 1 : i32
        %dma_wait3A_77 = arith.constant 0 : i32
        %dma_wait3A_78 = arith.constant 0 : i32
        %dma_wait3A_79 = tpu.memref_slice %arg6[%dma_wait3A, %dma_wait3A_77, %dma_wait3A_78] : memref<2x80x256xf32, #tpu.memory_space<vmem>> -> memref<1x80x256xf32, #tpu.memory_space<vmem>>
        %dma_wait3A_80 = tpu.memref_squeeze %dma_wait3A_79 : memref<1x80x256xf32, #tpu.memory_space<vmem>> -> memref<80x256xf32, #tpu.memory_space<vmem>>
        %dma_wait3A_81 = arith.constant 0 : i32
        %dma_wait3A_82 = arith.constant 0 : i32
        %dma_wait3A_83 = tpu.memref_slice %arg2[%dma_wait3A_81, %dma_wait3A_82] : memref<10000x256xf32, #tpu.memory_space<hbm>> -> memref<80x256xf32, #tpu.memory_space<hbm>>
        %dma_wait3A_84 = arith.constant 0 : i32
        %dma_wait3A_85 = arith.constant 0 : i32
        %dma_wait3A_86 = tpu.memref_slice %arg6[%dma_wait3A, %dma_wait3A_84, %dma_wait3A_85] : memref<2x80x256xf32, #tpu.memory_space<vmem>> -> memref<1x80x256xf32, #tpu.memory_space<vmem>>
        %dma_wait3A_87 = tpu.memref_squeeze %dma_wait3A_86 : memref<1x80x256xf32, #tpu.memory_space<vmem>> -> memref<80x256xf32, #tpu.memory_space<vmem>>
        %dma_wait3A_88 = arith.constant 0 : i32
        %dma_wait3A_89 = arith.constant 0 : i32
        %dma_wait3A_90 = tpu.memref_slice %arg2[%dma_wait3A_88, %dma_wait3A_89] : memref<10000x256xf32, #tpu.memory_space<hbm>> -> memref<80x256xf32, #tpu.memory_space<hbm>>
        tpu.wait_dma2 semaphore(%arg10 : memref<!tpu.dma_semaphore, #tpu.memory_space<semaphore_mem>>) src(%dma_wait3A_90 : memref<80x256xf32, #tpu.memory_space<hbm>>) dst(%dma_wait3A_87 : memref<80x256xf32, #tpu.memory_space<vmem>>)
        %dma_wait3A_91 = arith.constant 1 : i32
        %dma_wait3A_92 = arith.constant 0 : i32
        %dma_wait3A_93 = tpu.memref_slice %arg7[%dma_wait3A_91, %dma_wait3A_92] : memref<2x80xi32, #tpu.memory_space<vmem>> -> memref<1x80xi32, #tpu.memory_space<vmem>>
        %dma_wait3A_94 = tpu.memref_squeeze %dma_wait3A_93 : memref<1x80xi32, #tpu.memory_space<vmem>> -> memref<80xi32, #tpu.memory_space<vmem>>
        %dma_wait3A_95 = arith.constant 0 : i32
        %dma_wait3A_96 = tpu.memref_slice %arg3[%dma_wait3A_95] : memref<10000xi32, #tpu.memory_space<hbm>> -> memref<80xi32, #tpu.memory_space<hbm>>
        %dma_wait3A_97 = arith.constant 0 : i32
        %dma_wait3A_98 = tpu.memref_slice %arg7[%dma_wait3A_91, %dma_wait3A_97] : memref<2x80xi32, #tpu.memory_space<vmem>> -> memref<1x80xi32, #tpu.memory_space<vmem>>
        %dma_wait3A_99 = tpu.memref_squeeze %dma_wait3A_98 : memref<1x80xi32, #tpu.memory_space<vmem>> -> memref<80xi32, #tpu.memory_space<vmem>>
        %dma_wait3A_100 = arith.constant 0 : i32
        %dma_wait3A_101 = tpu.memref_slice %arg3[%dma_wait3A_100] : memref<10000xi32, #tpu.memory_space<hbm>> -> memref<80xi32, #tpu.memory_space<hbm>>
        tpu.wait_dma2 semaphore(%arg12 : memref<!tpu.dma_semaphore, #tpu.memory_space<semaphore_mem>>) src(%dma_wait3A_101 : memref<80xi32, #tpu.memory_space<hbm>>) dst(%dma_wait3A_99 : memref<80xi32, #tpu.memory_space<vmem>>)
        %iota3A = tpu.iota {dimensions = array<i32: 0>} : vector<16xi32>
        %convert_element_type3A_102 = arith.sitofp %iota3A : vector<16xi32> to vector<16xf32>
        %sub3A = arith.constant 1.000000e+00 : f32
        %sub3A_103 = vector.broadcast %sub3A : f32 to vector<16xf32>
        %sub3A_104 = arith.subf %sub3A_103, %convert_element_type3A_102 : vector<16xf32>
        %jit3A = arith.constant 0.000000e+00 : f32
        %jit3A_105 = arith.constant 1.000000e+00 : f32
        %max3A = vector.broadcast %jit3A : f32 to vector<16xf32>
        %max3A_106 = arith.maximumf %max3A, %sub3A_104 : vector<16xf32>
        %min3A = vector.broadcast %jit3A_105 : f32 to vector<16xf32>
        %min3A_107 = arith.minimumf %min3A, %max3A_106 : vector<16xf32>
        %scan3A_108 = arith.constant 0 : i32
        %scan3A_109 = arith.constant 0 : i32
        %scan3A_110 = arith.constant 5 : i32
        %scan3A_111 = arith.addi %scan3A_109, %scan3A_110 : i32
        %scan3A_112 = arith.constant 1 : i32
        scf.for %scan3A_114 = %scan3A_109 to %scan3A_111 step %scan3A_112  : i32 {
          %mul3A_115 = arith.constant 16 : i32
          %mul3A_116 = arith.muli %scan3A_114, %mul3A_115 : i32
          %get3A = arith.constant 1 : i32
          %get3A_117 = arith.index_cast %get3A : i32 to index
          %get3A_118 = arith.index_cast %mul3A_116 : i32 to index
          %get3A_119 = tpu.vector_load %arg7[%get3A_117, %get3A_118] {strides = array<i32>} : memref<2x80xi32, #tpu.memory_space<vmem>>, vector<1x16xi32>,
          %get3A_120 = vector.shape_cast %get3A_119 : vector<1x16xi32> to vector<16xi32>
          %slice3A = vector.extract_strided_slice %get3A_120 {offsets = [0], sizes = [1], strides = [1]} : vector<16xi32> to vector<1xi32>
          %squeeze3A = vector.extract %slice3A[0] : i32 from vector<1xi32>
          %slice3A_121 = vector.extract_strided_slice %get3A_120 {offsets = [15], sizes = [1], strides = [1]} : vector<16xi32> to vector<1xi32>
          %squeeze3A_122 = vector.extract %slice3A_121[0] : i32 from vector<1xi32>
          %eq3A_123 = arith.cmpi eq, %squeeze3A, %squeeze3A_122 : i32
          %convert_element_type3A_124 = arith.extui %eq3A_123 : i1 to i32
          %cond3A_125 = arith.constant 0 : i32
          %cond3A_126 = arith.cmpi ne, %convert_element_type3A_124, %cond3A_125 : i32
          scf.if %cond3A_126 {
            %slice3A_131 = vector.extract_strided_slice %get3A_120 {offsets = [0], sizes = [1], strides = [1]} : vector<16xi32> to vector<1xi32>
            %squeeze3A_132 = vector.extract %slice3A_131[0] : i32 from vector<1xi32>
            %parallel_loop3A = arith.constant 0 : i32
            %parallel_loop3A_133 = arith.constant 16 : i32
            %parallel_loop3A_134 = arith.constant 1 : i32
            scf.for %parallel_loop3A_142 = %parallel_loop3A to %parallel_loop3A_133 step %parallel_loop3A_134  : i32 {
              %parallel_loop3A_143 = arith.constant 16 : i32
              %parallel_loop3A_144 = arith.muli %parallel_loop3A_142, %parallel_loop3A_143 : i32
              %parallel_loop3A_145 = arith.constant 0 : i32
              %parallel_loop3A_146 = arith.addi %mul3A_116, %parallel_loop3A_145 : i32
              %parallel_loop3A_147 = arith.constant 1 : i32
              %parallel_loop3A_148 = arith.index_cast %parallel_loop3A_147 : i32 to index
              %parallel_loop3A_149 = arith.index_cast %parallel_loop3A_146 : i32 to index
              %parallel_loop3A_150 = arith.index_cast %parallel_loop3A_144 : i32 to index
              %parallel_loop3A_151 = tpu.vector_load %arg6[%parallel_loop3A_148, %parallel_loop3A_149, %parallel_loop3A_150] {strides = array<i32>} : memref<2x80x256xf32, #tpu.memory_space<vmem>>, vector<1x1x16xf32>,
              %parallel_loop3A_152 = vector.shape_cast %parallel_loop3A_151 : vector<1x1x16xf32> to vector<16xf32>
              %parallel_loop3A_153 = arith.constant 1 : i32
              %parallel_loop3A_154 = arith.addi %mul3A_116, %parallel_loop3A_153 : i32
              %parallel_loop3A_155 = arith.constant 1 : i32
              %parallel_loop3A_156 = arith.index_cast %parallel_loop3A_155 : i32 to index
              %parallel_loop3A_157 = arith.index_cast %parallel_loop3A_154 : i32 to index
              %parallel_loop3A_158 = arith.index_cast %parallel_loop3A_144 : i32 to index
              %parallel_loop3A_159 = tpu.vector_load %arg6[%parallel_loop3A_156, %parallel_loop3A_157, %parallel_loop3A_158] {strides = array<i32>} : memref<2x80x256xf32, #tpu.memory_space<vmem>>, vector<1x1x16xf32>,
              %parallel_loop3A_160 = vector.shape_cast %parallel_loop3A_159 : vector<1x1x16xf32> to vector<16xf32>
              %parallel_loop3A_161 = arith.addf %parallel_loop3A_152, %parallel_loop3A_160 : vector<16xf32>
              %parallel_loop3A_162 = arith.constant 2 : i32
              %parallel_loop3A_163 = arith.addi %mul3A_116, %parallel_loop3A_162 : i32
              %parallel_loop3A_164 = arith.constant 1 : i32
              %parallel_loop3A_165 = arith.index_cast %parallel_loop3A_164 : i32 to index
              %parallel_loop3A_166 = arith.index_cast %parallel_loop3A_163 : i32 to index
              %parallel_loop3A_167 = arith.index_cast %parallel_loop3A_144 : i32 to index
              %parallel_loop3A_168 = tpu.vector_load %arg6[%parallel_loop3A_165, %parallel_loop3A_166, %parallel_loop3A_167] {strides = array<i32>} : memref<2x80x256xf32, #tpu.memory_space<vmem>>, vector<1x1x16xf32>,
              %parallel_loop3A_169 = vector.shape_cast %parallel_loop3A_168 : vector<1x1x16xf32> to vector<16xf32>
              %parallel_loop3A_170 = arith.constant 3 : i32
              %parallel_loop3A_171 = arith.addi %mul3A_116, %parallel_loop3A_170 : i32
              %parallel_loop3A_172 = arith.constant 1 : i32
              %parallel_loop3A_173 = arith.index_cast %parallel_loop3A_172 : i32 to index
              %parallel_loop3A_174 = arith.index_cast %parallel_loop3A_171 : i32 to index
              %parallel_loop3A_175 = arith.index_cast %parallel_loop3A_144 : i32 to index
              %parallel_loop3A_176 = tpu.vector_load %arg6[%parallel_loop3A_173, %parallel_loop3A_174, %parallel_loop3A_175] {strides = array<i32>} : memref<2x80x256xf32, #tpu.memory_space<vmem>>, vector<1x1x16xf32>,
              %parallel_loop3A_177 = vector.shape_cast %parallel_loop3A_176 : vector<1x1x16xf32> to vector<16xf32>
              %parallel_loop3A_178 = arith.addf %parallel_loop3A_169, %parallel_loop3A_177 : vector<16xf32>
              %parallel_loop3A_179 = arith.constant 4 : i32
              %parallel_loop3A_180 = arith.addi %mul3A_116, %parallel_loop3A_179 : i32
              %parallel_loop3A_181 = arith.constant 1 : i32
              %parallel_loop3A_182 = arith.index_cast %parallel_loop3A_181 : i32 to index
              %parallel_loop3A_183 = arith.index_cast %parallel_loop3A_180 : i32 to index
              %parallel_loop3A_184 = arith.index_cast %parallel_loop3A_144 : i32 to index
              %parallel_loop3A_185 = tpu.vector_load %arg6[%parallel_loop3A_182, %parallel_loop3A_183, %parallel_loop3A_184] {strides = array<i32>} : memref<2x80x256xf32, #tpu.memory_space<vmem>>, vector<1x1x16xf32>,
              %parallel_loop3A_186 = vector.shape_cast %parallel_loop3A_185 : vector<1x1x16xf32> to vector<16xf32>
              %parallel_loop3A_187 = arith.constant 5 : i32
              %parallel_loop3A_188 = arith.addi %mul3A_116, %parallel_loop3A_187 : i32
              %parallel_loop3A_189 = arith.constant 1 : i32
              %parallel_loop3A_190 = arith.index_cast %parallel_loop3A_189 : i32 to index
              %parallel_loop3A_191 = arith.index_cast %parallel_loop3A_188 : i32 to index
              %parallel_loop3A_192 = arith.index_cast %parallel_loop3A_144 : i32 to index
              %parallel_loop3A_193 = tpu.vector_load %arg6[%parallel_loop3A_190, %parallel_loop3A_191, %parallel_loop3A_192] {strides = array<i32>} : memref<2x80x256xf32, #tpu.memory_space<vmem>>, vector<1x1x16xf32>,
              %parallel_loop3A_194 = vector.shape_cast %parallel_loop3A_193 : vector<1x1x16xf32> to vector<16xf32>
              %parallel_loop3A_195 = arith.addf %parallel_loop3A_186, %parallel_loop3A_194 : vector<16xf32>
              %parallel_loop3A_196 = arith.constant 6 : i32
              %parallel_loop3A_197 = arith.addi %mul3A_116, %parallel_loop3A_196 : i32
              %parallel_loop3A_198 = arith.constant 1 : i32
              %parallel_loop3A_199 = arith.index_cast %parallel_loop3A_198 : i32 to index
              %parallel_loop3A_200 = arith.index_cast %parallel_loop3A_197 : i32 to index
              %parallel_loop3A_201 = arith.index_cast %parallel_loop3A_144 : i32 to index
              %parallel_loop3A_202 = tpu.vector_load %arg6[%parallel_loop3A_199, %parallel_loop3A_200, %parallel_loop3A_201] {strides = array<i32>} : memref<2x80x256xf32, #tpu.memory_space<vmem>>, vector<1x1x16xf32>,
              %parallel_loop3A_203 = vector.shape_cast %parallel_loop3A_202 : vector<1x1x16xf32> to vector<16xf32>
              %parallel_loop3A_204 = arith.constant 7 : i32
              %parallel_loop3A_205 = arith.addi %mul3A_116, %parallel_loop3A_204 : i32
              %parallel_loop3A_206 = arith.constant 1 : i32
              %parallel_loop3A_207 = arith.index_cast %parallel_loop3A_206 : i32 to index
              %parallel_loop3A_208 = arith.index_cast %parallel_loop3A_205 : i32 to index
              %parallel_loop3A_209 = arith.index_cast %parallel_loop3A_144 : i32 to index
              %parallel_loop3A_210 = tpu.vector_load %arg6[%parallel_loop3A_207, %parallel_loop3A_208, %parallel_loop3A_209] {strides = array<i32>} : memref<2x80x256xf32, #tpu.memory_space<vmem>>, vector<1x1x16xf32>,
              %parallel_loop3A_211 = vector.shape_cast %parallel_loop3A_210 : vector<1x1x16xf32> to vector<16xf32>
              %parallel_loop3A_212 = arith.addf %parallel_loop3A_203, %parallel_loop3A_211 : vector<16xf32>
              %parallel_loop3A_213 = arith.constant 8 : i32
              %parallel_loop3A_214 = arith.addi %mul3A_116, %parallel_loop3A_213 : i32
              %parallel_loop3A_215 = arith.constant 1 : i32
              %parallel_loop3A_216 = arith.index_cast %parallel_loop3A_215 : i32 to index
              %parallel_loop3A_217 = arith.index_cast %parallel_loop3A_214 : i32 to index
              %parallel_loop3A_218 = arith.index_cast %parallel_loop3A_144 : i32 to index
              %parallel_loop3A_219 = tpu.vector_load %arg6[%parallel_loop3A_216, %parallel_loop3A_217, %parallel_loop3A_218] {strides = array<i32>} : memref<2x80x256xf32, #tpu.memory_space<vmem>>, vector<1x1x16xf32>,
              %parallel_loop3A_220 = vector.shape_cast %parallel_loop3A_219 : vector<1x1x16xf32> to vector<16xf32>
              %parallel_loop3A_221 = arith.constant 9 : i32
              %parallel_loop3A_222 = arith.addi %mul3A_116, %parallel_loop3A_221 : i32
              %parallel_loop3A_223 = arith.constant 1 : i32
              %parallel_loop3A_224 = arith.index_cast %parallel_loop3A_223 : i32 to index
              %parallel_loop3A_225 = arith.index_cast %parallel_loop3A_222 : i32 to index
              %parallel_loop3A_226 = arith.index_cast %parallel_loop3A_144 : i32 to index
              %parallel_loop3A_227 = tpu.vector_load %arg6[%parallel_loop3A_224, %parallel_loop3A_225, %parallel_loop3A_226] {strides = array<i32>} : memref<2x80x256xf32, #tpu.memory_space<vmem>>, vector<1x1x16xf32>,
              %parallel_loop3A_228 = vector.shape_cast %parallel_loop3A_227 : vector<1x1x16xf32> to vector<16xf32>
              %parallel_loop3A_229 = arith.addf %parallel_loop3A_220, %parallel_loop3A_228 : vector<16xf32>
              %parallel_loop3A_230 = arith.constant 10 : i32
              %parallel_loop3A_231 = arith.addi %mul3A_116, %parallel_loop3A_230 : i32
              %parallel_loop3A_232 = arith.constant 1 : i32
              %parallel_loop3A_233 = arith.index_cast %parallel_loop3A_232 : i32 to index
              %parallel_loop3A_234 = arith.index_cast %parallel_loop3A_231 : i32 to index
              %parallel_loop3A_235 = arith.index_cast %parallel_loop3A_144 : i32 to index
              %parallel_loop3A_236 = tpu.vector_load %arg6[%parallel_loop3A_233, %parallel_loop3A_234, %parallel_loop3A_235] {strides = array<i32>} : memref<2x80x256xf32, #tpu.memory_space<vmem>>, vector<1x1x16xf32>,
              %parallel_loop3A_237 = vector.shape_cast %parallel_loop3A_236 : vector<1x1x16xf32> to vector<16xf32>
              %parallel_loop3A_238 = arith.constant 11 : i32
              %parallel_loop3A_239 = arith.addi %mul3A_116, %parallel_loop3A_238 : i32
              %parallel_loop3A_240 = arith.constant 1 : i32
              %parallel_loop3A_241 = arith.index_cast %parallel_loop3A_240 : i32 to index
              %parallel_loop3A_242 = arith.index_cast %parallel_loop3A_239 : i32 to index
              %parallel_loop3A_243 = arith.index_cast %parallel_loop3A_144 : i32 to index
              %parallel_loop3A_244 = tpu.vector_load %arg6[%parallel_loop3A_241, %parallel_loop3A_242, %parallel_loop3A_243] {strides = array<i32>} : memref<2x80x256xf32, #tpu.memory_space<vmem>>, vector<1x1x16xf32>,
              %parallel_loop3A_245 = vector.shape_cast %parallel_loop3A_244 : vector<1x1x16xf32> to vector<16xf32>
              %parallel_loop3A_246 = arith.addf %parallel_loop3A_237, %parallel_loop3A_245 : vector<16xf32>
              %parallel_loop3A_247 = arith.constant 12 : i32
              %parallel_loop3A_248 = arith.addi %mul3A_116, %parallel_loop3A_247 : i32
              %parallel_loop3A_249 = arith.constant 1 : i32
              %parallel_loop3A_250 = arith.index_cast %parallel_loop3A_249 : i32 to index
              %parallel_loop3A_251 = arith.index_cast %parallel_loop3A_248 : i32 to index
              %parallel_loop3A_252 = arith.index_cast %parallel_loop3A_144 : i32 to index
              %parallel_loop3A_253 = tpu.vector_load %arg6[%parallel_loop3A_250, %parallel_loop3A_251, %parallel_loop3A_252] {strides = array<i32>} : memref<2x80x256xf32, #tpu.memory_space<vmem>>, vector<1x1x16xf32>,
              %parallel_loop3A_254 = vector.shape_cast %parallel_loop3A_253 : vector<1x1x16xf32> to vector<16xf32>
              %parallel_loop3A_255 = arith.constant 13 : i32
              %parallel_loop3A_256 = arith.addi %mul3A_116, %parallel_loop3A_255 : i32
              %parallel_loop3A_257 = arith.constant 1 : i32
              %parallel_loop3A_258 = arith.index_cast %parallel_loop3A_257 : i32 to index
              %parallel_loop3A_259 = arith.index_cast %parallel_loop3A_256 : i32 to index
              %parallel_loop3A_260 = arith.index_cast %parallel_loop3A_144 : i32 to index
              %parallel_loop3A_261 = tpu.vector_load %arg6[%parallel_loop3A_258, %parallel_loop3A_259, %parallel_loop3A_260] {strides = array<i32>} : memref<2x80x256xf32, #tpu.memory_space<vmem>>, vector<1x1x16xf32>,
              %parallel_loop3A_262 = vector.shape_cast %parallel_loop3A_261 : vector<1x1x16xf32> to vector<16xf32>
              %parallel_loop3A_263 = arith.addf %parallel_loop3A_254, %parallel_loop3A_262 : vector<16xf32>
              %parallel_loop3A_264 = arith.constant 14 : i32
              %parallel_loop3A_265 = arith.addi %mul3A_116, %parallel_loop3A_264 : i32
              %parallel_loop3A_266 = arith.constant 1 : i32
              %parallel_loop3A_267 = arith.index_cast %parallel_loop3A_266 : i32 to index
              %parallel_loop3A_268 = arith.index_cast %parallel_loop3A_265 : i32 to index
              %parallel_loop3A_269 = arith.index_cast %parallel_loop3A_144 : i32 to index
              %parallel_loop3A_270 = tpu.vector_load %arg6[%parallel_loop3A_267, %parallel_loop3A_268, %parallel_loop3A_269] {strides = array<i32>} : memref<2x80x256xf32, #tpu.memory_space<vmem>>, vector<1x1x16xf32>,
              %parallel_loop3A_271 = vector.shape_cast %parallel_loop3A_270 : vector<1x1x16xf32> to vector<16xf32>
              %parallel_loop3A_272 = arith.constant 15 : i32
              %parallel_loop3A_273 = arith.addi %mul3A_116, %parallel_loop3A_272 : i32
              %parallel_loop3A_274 = arith.constant 1 : i32
              %parallel_loop3A_275 = arith.index_cast %parallel_loop3A_274 : i32 to index
              %parallel_loop3A_276 = arith.index_cast %parallel_loop3A_273 : i32 to index
              %parallel_loop3A_277 = arith.index_cast %parallel_loop3A_144 : i32 to index
              %parallel_loop3A_278 = tpu.vector_load %arg6[%parallel_loop3A_275, %parallel_loop3A_276, %parallel_loop3A_277] {strides = array<i32>} : memref<2x80x256xf32, #tpu.memory_space<vmem>>, vector<1x1x16xf32>,
              %parallel_loop3A_279 = vector.shape_cast %parallel_loop3A_278 : vector<1x1x16xf32> to vector<16xf32>
              %parallel_loop3A_280 = arith.addf %parallel_loop3A_271, %parallel_loop3A_279 : vector<16xf32>
              %parallel_loop3A_281 = arith.addf %parallel_loop3A_161, %parallel_loop3A_178 : vector<16xf32>
              %parallel_loop3A_282 = arith.addf %parallel_loop3A_195, %parallel_loop3A_212 : vector<16xf32>
              %parallel_loop3A_283 = arith.addf %parallel_loop3A_281, %parallel_loop3A_282 : vector<16xf32>
              %parallel_loop3A_284 = arith.addf %parallel_loop3A_229, %parallel_loop3A_246 : vector<16xf32>
              %parallel_loop3A_285 = arith.addf %parallel_loop3A_263, %parallel_loop3A_280 : vector<16xf32>
              %parallel_loop3A_286 = arith.addf %parallel_loop3A_284, %parallel_loop3A_285 : vector<16xf32>
              %parallel_loop3A_287 = arith.addf %parallel_loop3A_283, %parallel_loop3A_286 : vector<16xf32>
              %parallel_loop3A_288 = arith.index_cast %squeeze3A_132 : i32 to index
              %parallel_loop3A_289 = arith.index_cast %parallel_loop3A_144 : i32 to index
              %parallel_loop3A_290 = tpu.vector_load %arg8[%parallel_loop3A_288, %parallel_loop3A_289] {strides = array<i32>} : memref<64x272xf32, #tpu.memory_space<vmem>>, vector<1x16xf32>,
              %parallel_loop3A_291 = vector.shape_cast %parallel_loop3A_290 : vector<1x16xf32> to vector<16xf32>
              %parallel_loop3A_292 = vector.shape_cast %parallel_loop3A_287 : vector<16xf32> to vector<1x16xf32>
              tpu.vector_store %arg8[%parallel_loop3A_288, %parallel_loop3A_289], %parallel_loop3A_292 {add = true, strides = array<i32>} : memref<64x272xf32, #tpu.memory_space<vmem>>, vector<1x16xf32>,
            } {sc.loop_unroll_factor = 2 : i64, sc.parallel_access}
            %mul3A_135 = arith.constant 1.600000e+01 : f32
            %mul3A_136 = vector.broadcast %mul3A_135 : f32 to vector<16xf32>
            %mul3A_137 = arith.mulf %min3A_107, %mul3A_136 : vector<16xf32>
            %swap3A = arith.index_cast %squeeze3A_132 : i32 to index
            %swap3A_138 = arith.constant 256 : index
            %swap3A_139 = tpu.vector_load %arg8[%swap3A, %swap3A_138] {strides = array<i32>} : memref<64x272xf32, #tpu.memory_space<vmem>>, vector<1x16xf32>,
            %swap3A_140 = vector.shape_cast %swap3A_139 : vector<1x16xf32> to vector<16xf32>
            %swap3A_141 = vector.shape_cast %mul3A_137 : vector<16xf32> to vector<1x16xf32>
            tpu.vector_store %arg8[%swap3A, %swap3A_138], %swap3A_141 {add = true, strides = array<i32>} : memref<64x272xf32, #tpu.memory_space<vmem>>, vector<1x16xf32>,
          } else {
          }
          %not3A = arith.constant true
          %not3A_127 = arith.xori %eq3A_123, %not3A : i1
          %convert_element_type3A_128 = arith.extui %not3A_127 : i1 to i32
          %cond3A_129 = arith.constant 0 : i32
          %cond3A_130 = arith.cmpi ne, %convert_element_type3A_128, %cond3A_129 : i32
          scf.if %cond3A_130 {
            %slice3A_131 = vector.extract_strided_slice %get3A_120 {offsets = [0], sizes = [1], strides = [1]} : vector<16xi32> to vector<1xi32>
            %squeeze3A_132 = vector.extract %slice3A_131[0] : i32 from vector<1xi32>
            %parallel_loop3A = arith.constant 0 : i32
            %parallel_loop3A_133 = arith.constant 16 : i32
            %parallel_loop3A_134 = arith.constant 1 : i32
            scf.for %parallel_loop3A_289 = %parallel_loop3A to %parallel_loop3A_133 step %parallel_loop3A_134  : i32 {
              %parallel_loop3A_290 = arith.constant 16 : i32
              %parallel_loop3A_291 = arith.muli %parallel_loop3A_289, %parallel_loop3A_290 : i32
              %parallel_loop3A_292 = arith.constant 0 : i32
              %parallel_loop3A_293 = arith.addi %mul3A_116, %parallel_loop3A_292 : i32
              %parallel_loop3A_294 = arith.constant 16 : i32
              %parallel_loop3A_295 = arith.muli %parallel_loop3A_289, %parallel_loop3A_294 : i32
              %parallel_loop3A_296 = arith.constant 1 : i32
              %parallel_loop3A_297 = arith.index_cast %parallel_loop3A_296 : i32 to index
              %parallel_loop3A_298 = arith.index_cast %parallel_loop3A_293 : i32 to index
              %parallel_loop3A_299 = arith.index_cast %parallel_loop3A_295 : i32 to index
              %parallel_loop3A_300 = tpu.vector_load %arg6[%parallel_loop3A_297, %parallel_loop3A_298, %parallel_loop3A_299] {strides = array<i32>} : memref<2x80x256xf32, #tpu.memory_space<vmem>>, vector<1x1x16xf32>,
              %parallel_loop3A_301 = vector.shape_cast %parallel_loop3A_300 : vector<1x1x16xf32> to vector<16xf32>
              %parallel_loop3A_302 = arith.index_cast %squeeze3A_132 : i32 to index
              %parallel_loop3A_303 = arith.index_cast %parallel_loop3A_291 : i32 to index
              %parallel_loop3A_304 = tpu.vector_load %arg8[%parallel_loop3A_302, %parallel_loop3A_303] {strides = array<i32>} : memref<64x272xf32, #tpu.memory_space<vmem>>, vector<1x16xf32>,
              %parallel_loop3A_305 = vector.shape_cast %parallel_loop3A_304 : vector<1x16xf32> to vector<16xf32>
              %parallel_loop3A_306 = vector.shape_cast %parallel_loop3A_301 : vector<16xf32> to vector<1x16xf32>
              tpu.vector_store %arg8[%parallel_loop3A_302, %parallel_loop3A_303], %parallel_loop3A_306 {add = true, strides = array<i32>} : memref<64x272xf32, #tpu.memory_space<vmem>>, vector<1x16xf32>,
            } {sc.loop_unroll_factor = 2 : i64, sc.parallel_access}
            %swap3A = arith.index_cast %squeeze3A_132 : i32 to index
            %swap3A_135 = arith.constant 256 : index
            %swap3A_136 = tpu.vector_load %arg8[%swap3A, %swap3A_135] {strides = array<i32>} : memref<64x272xf32, #tpu.memory_space<vmem>>, vector<1x16xf32>,
            %swap3A_137 = vector.shape_cast %swap3A_136 : vector<1x16xf32> to vector<16xf32>
            %swap3A_138 = vector.shape_cast %min3A_107 : vector<16xf32> to vector<1x16xf32>
            tpu.vector_store %arg8[%swap3A, %swap3A_135], %swap3A_138 {add = true, strides = array<i32>} : memref<64x272xf32, #tpu.memory_space<vmem>>, vector<1x16xf32>,
            %slice3A_139 = vector.extract_strided_slice %get3A_120 {offsets = [1], sizes = [1], strides = [1]} : vector<16xi32> to vector<1xi32>
            %squeeze3A_140 = vector.extract %slice3A_139[0] : i32 from vector<1xi32>
            %parallel_loop3A_141 = arith.constant 0 : i32
            %parallel_loop3A_142 = arith.constant 16 : i32
            %parallel_loop3A_143 = arith.constant 1 : i32
            scf.for %parallel_loop3A_289 = %parallel_loop3A_141 to %parallel_loop3A_142 step %parallel_loop3A_143  : i32 {
              %parallel_loop3A_290 = arith.constant 16 : i32
              %parallel_loop3A_291 = arith.muli %parallel_loop3A_289, %parallel_loop3A_290 : i32
              %parallel_loop3A_292 = arith.constant 1 : i32
              %parallel_loop3A_293 = arith.addi %mul3A_116, %parallel_loop3A_292 : i32
              %parallel_loop3A_294 = arith.constant 16 : i32
              %parallel_loop3A_295 = arith.muli %parallel_loop3A_289, %parallel_loop3A_294 : i32
              %parallel_loop3A_296 = arith.constant 1 : i32
              %parallel_loop3A_297 = arith.index_cast %parallel_loop3A_296 : i32 to index
              %parallel_loop3A_298 = arith.index_cast %parallel_loop3A_293 : i32 to index
              %parallel_loop3A_299 = arith.index_cast %parallel_loop3A_295 : i32 to index
              %parallel_loop3A_300 = tpu.vector_load %arg6[%parallel_loop3A_297, %parallel_loop3A_298, %parallel_loop3A_299] {strides = array<i32>} : memref<2x80x256xf32, #tpu.memory_space<vmem>>, vector<1x1x16xf32>,
              %parallel_loop3A_301 = vector.shape_cast %parallel_loop3A_300 : vector<1x1x16xf32> to vector<16xf32>
              %parallel_loop3A_302 = arith.index_cast %squeeze3A_140 : i32 to index
              %parallel_loop3A_303 = arith.index_cast %parallel_loop3A_291 : i32 to index
              %parallel_loop3A_304 = tpu.vector_load %arg8[%parallel_loop3A_302, %parallel_loop3A_303] {strides = array<i32>} : memref<64x272xf32, #tpu.memory_space<vmem>>, vector<1x16xf32>,
              %parallel_loop3A_305 = vector.shape_cast %parallel_loop3A_304 : vector<1x16xf32> to vector<16xf32>
              %parallel_loop3A_306 = vector.shape_cast %parallel_loop3A_301 : vector<16xf32> to vector<1x16xf32>
              tpu.vector_store %arg8[%parallel_loop3A_302, %parallel_loop3A_303], %parallel_loop3A_306 {add = true, strides = array<i32>} : memref<64x272xf32, #tpu.memory_space<vmem>>, vector<1x16xf32>,
            } {sc.loop_unroll_factor = 2 : i64, sc.parallel_access}
            %swap3A_144 = arith.index_cast %squeeze3A_140 : i32 to index
            %swap3A_145 = arith.constant 256 : index
            %swap3A_146 = tpu.vector_load %arg8[%swap3A_144, %swap3A_145] {strides = array<i32>} : memref<64x272xf32, #tpu.memory_space<vmem>>, vector<1x16xf32>,
            %swap3A_147 = vector.shape_cast %swap3A_146 : vector<1x16xf32> to vector<16xf32>
            %swap3A_148 = vector.shape_cast %min3A_107 : vector<16xf32> to vector<1x16xf32>
            tpu.vector_store %arg8[%swap3A_144, %swap3A_145], %swap3A_148 {add = true, strides = array<i32>} : memref<64x272xf32, #tpu.memory_space<vmem>>, vector<1x16xf32>,
            %slice3A_149 = vector.extract_strided_slice %get3A_120 {offsets = [2], sizes = [1], strides = [1]} : vector<16xi32> to vector<1xi32>
            %squeeze3A_150 = vector.extract %slice3A_149[0] : i32 from vector<1xi32>
            %parallel_loop3A_151 = arith.constant 0 : i32
            %parallel_loop3A_152 = arith.constant 16 : i32
            %parallel_loop3A_153 = arith.constant 1 : i32
            scf.for %parallel_loop3A_289 = %parallel_loop3A_151 to %parallel_loop3A_152 step %parallel_loop3A_153  : i32 {
              %parallel_loop3A_290 = arith.constant 16 : i32
              %parallel_loop3A_291 = arith.muli %parallel_loop3A_289, %parallel_loop3A_290 : i32
              %parallel_loop3A_292 = arith.constant 2 : i32
              %parallel_loop3A_293 = arith.addi %mul3A_116, %parallel_loop3A_292 : i32
              %parallel_loop3A_294 = arith.constant 16 : i32
              %parallel_loop3A_295 = arith.muli %parallel_loop3A_289, %parallel_loop3A_294 : i32
              %parallel_loop3A_296 = arith.constant 1 : i32
              %parallel_loop3A_297 = arith.index_cast %parallel_loop3A_296 : i32 to index
              %parallel_loop3A_298 = arith.index_cast %parallel_loop3A_293 : i32 to index
              %parallel_loop3A_299 = arith.index_cast %parallel_loop3A_295 : i32 to index
              %parallel_loop3A_300 = tpu.vector_load %arg6[%parallel_loop3A_297, %parallel_loop3A_298, %parallel_loop3A_299] {strides = array<i32>} : memref<2x80x256xf32, #tpu.memory_space<vmem>>, vector<1x1x16xf32>,
              %parallel_loop3A_301 = vector.shape_cast %parallel_loop3A_300 : vector<1x1x16xf32> to vector<16xf32>
              %parallel_loop3A_302 = arith.index_cast %squeeze3A_150 : i32 to index
              %parallel_loop3A_303 = arith.index_cast %parallel_loop3A_291 : i32 to index
              %parallel_loop3A_304 = tpu.vector_load %arg8[%parallel_loop3A_302, %parallel_loop3A_303] {strides = array<i32>} : memref<64x272xf32, #tpu.memory_space<vmem>>, vector<1x16xf32>,
              %parallel_loop3A_305 = vector.shape_cast %parallel_loop3A_304 : vector<1x16xf32> to vector<16xf32>
              %parallel_loop3A_306 = vector.shape_cast %parallel_loop3A_301 : vector<16xf32> to vector<1x16xf32>
              tpu.vector_store %arg8[%parallel_loop3A_302, %parallel_loop3A_303], %parallel_loop3A_306 {add = true, strides = array<i32>} : memref<64x272xf32, #tpu.memory_space<vmem>>, vector<1x16xf32>,
            } {sc.loop_unroll_factor = 2 : i64, sc.parallel_access}
            %swap3A_154 = arith.index_cast %squeeze3A_150 : i32 to index
            %swap3A_155 = arith.constant 256 : index
            %swap3A_156 = tpu.vector_load %arg8[%swap3A_154, %swap3A_155] {strides = array<i32>} : memref<64x272xf32, #tpu.memory_space<vmem>>, vector<1x16xf32>,
            %swap3A_157 = vector.shape_cast %swap3A_156 : vector<1x16xf32> to vector<16xf32>
            %swap3A_158 = vector.shape_cast %min3A_107 : vector<16xf32> to vector<1x16xf32>
            tpu.vector_store %arg8[%swap3A_154, %swap3A_155], %swap3A_158 {add = true, strides = array<i32>} : memref<64x272xf32, #tpu.memory_space<vmem>>, vector<1x16xf32>,
            %slice3A_159 = vector.extract_strided_slice %get3A_120 {offsets = [3], sizes = [1], strides = [1]} : vector<16xi32> to vector<1xi32>
            %squeeze3A_160 = vector.extract %slice3A_159[0] : i32 from vector<1xi32>
            %parallel_loop3A_161 = arith.constant 0 : i32
            %parallel_loop3A_162 = arith.constant 16 : i32
            %parallel_loop3A_163 = arith.constant 1 : i32
            scf.for %parallel_loop3A_289 = %parallel_loop3A_161 to %parallel_loop3A_162 step %parallel_loop3A_163  : i32 {
              %parallel_loop3A_290 = arith.constant 16 : i32
              %parallel_loop3A_291 = arith.muli %parallel_loop3A_289, %parallel_loop3A_290 : i32
              %parallel_loop3A_292 = arith.constant 3 : i32
              %parallel_loop3A_293 = arith.addi %mul3A_116, %parallel_loop3A_292 : i32
              %parallel_loop3A_294 = arith.constant 16 : i32
              %parallel_loop3A_295 = arith.muli %parallel_loop3A_289, %parallel_loop3A_294 : i32
              %parallel_loop3A_296 = arith.constant 1 : i32
              %parallel_loop3A_297 = arith.index_cast %parallel_loop3A_296 : i32 to index
              %parallel_loop3A_298 = arith.index_cast %parallel_loop3A_293 : i32 to index
              %parallel_loop3A_299 = arith.index_cast %parallel_loop3A_295 : i32 to index
              %parallel_loop3A_300 = tpu.vector_load %arg6[%parallel_loop3A_297, %parallel_loop3A_298, %parallel_loop3A_299] {strides = array<i32>} : memref<2x80x256xf32, #tpu.memory_space<vmem>>, vector<1x1x16xf32>,
              %parallel_loop3A_301 = vector.shape_cast %parallel_loop3A_300 : vector<1x1x16xf32> to vector<16xf32>
              %parallel_loop3A_302 = arith.index_cast %squeeze3A_160 : i32 to index
              %parallel_loop3A_303 = arith.index_cast %parallel_loop3A_291 : i32 to index
              %parallel_loop3A_304 = tpu.vector_load %arg8[%parallel_loop3A_302, %parallel_loop3A_303] {strides = array<i32>} : memref<64x272xf32, #tpu.memory_space<vmem>>, vector<1x16xf32>,
              %parallel_loop3A_305 = vector.shape_cast %parallel_loop3A_304 : vector<1x16xf32> to vector<16xf32>
              %parallel_loop3A_306 = vector.shape_cast %parallel_loop3A_301 : vector<16xf32> to vector<1x16xf32>
              tpu.vector_store %arg8[%parallel_loop3A_302, %parallel_loop3A_303], %parallel_loop3A_306 {add = true, strides = array<i32>} : memref<64x272xf32, #tpu.memory_space<vmem>>, vector<1x16xf32>,
            } {sc.loop_unroll_factor = 2 : i64, sc.parallel_access}
            %swap3A_164 = arith.index_cast %squeeze3A_160 : i32 to index
            %swap3A_165 = arith.constant 256 : index
            %swap3A_166 = tpu.vector_load %arg8[%swap3A_164, %swap3A_165] {strides = array<i32>} : memref<64x272xf32, #tpu.memory_space<vmem>>, vector<1x16xf32>,
            %swap3A_167 = vector.shape_cast %swap3A_166 : vector<1x16xf32> to vector<16xf32>
            %swap3A_168 = vector.shape_cast %min3A_107 : vector<16xf32> to vector<1x16xf32>
            tpu.vector_store %arg8[%swap3A_164, %swap3A_165], %swap3A_168 {add = true, strides = array<i32>} : memref<64x272xf32, #tpu.memory_space<vmem>>, vector<1x16xf32>,
            %slice3A_169 = vector.extract_strided_slice %get3A_120 {offsets = [4], sizes = [1], strides = [1]} : vector<16xi32> to vector<1xi32>
            %squeeze3A_170 = vector.extract %slice3A_169[0] : i32 from vector<1xi32>
            %parallel_loop3A_171 = arith.constant 0 : i32
            %parallel_loop3A_172 = arith.constant 16 : i32
            %parallel_loop3A_173 = arith.constant 1 : i32
            scf.for %parallel_loop3A_289 = %parallel_loop3A_171 to %parallel_loop3A_172 step %parallel_loop3A_173  : i32 {
              %parallel_loop3A_290 = arith.constant 16 : i32
              %parallel_loop3A_291 = arith.muli %parallel_loop3A_289, %parallel_loop3A_290 : i32
              %parallel_loop3A_292 = arith.constant 4 : i32
              %parallel_loop3A_293 = arith.addi %mul3A_116, %parallel_loop3A_292 : i32
              %parallel_loop3A_294 = arith.constant 16 : i32
              %parallel_loop3A_295 = arith.muli %parallel_loop3A_289, %parallel_loop3A_294 : i32
              %parallel_loop3A_296 = arith.constant 1 : i32
              %parallel_loop3A_297 = arith.index_cast %parallel_loop3A_296 : i32 to index
              %parallel_loop3A_298 = arith.index_cast %parallel_loop3A_293 : i32 to index
              %parallel_loop3A_299 = arith.index_cast %parallel_loop3A_295 : i32 to index
              %parallel_loop3A_300 = tpu.vector_load %arg6[%parallel_loop3A_297, %parallel_loop3A_298, %parallel_loop3A_299] {strides = array<i32>} : memref<2x80x256xf32, #tpu.memory_space<vmem>>, vector<1x1x16xf32>,
              %parallel_loop3A_301 = vector.shape_cast %parallel_loop3A_300 : vector<1x1x16xf32> to vector<16xf32>
              %parallel_loop3A_302 = arith.index_cast %squeeze3A_170 : i32 to index
              %parallel_loop3A_303 = arith.index_cast %parallel_loop3A_291 : i32 to index
              %parallel_loop3A_304 = tpu.vector_load %arg8[%parallel_loop3A_302, %parallel_loop3A_303] {strides = array<i32>} : memref<64x272xf32, #tpu.memory_space<vmem>>, vector<1x16xf32>,
              %parallel_loop3A_305 = vector.shape_cast %parallel_loop3A_304 : vector<1x16xf32> to vector<16xf32>
              %parallel_loop3A_306 = vector.shape_cast %parallel_loop3A_301 : vector<16xf32> to vector<1x16xf32>
              tpu.vector_store %arg8[%parallel_loop3A_302, %parallel_loop3A_303], %parallel_loop3A_306 {add = true, strides = array<i32>} : memref<64x272xf32, #tpu.memory_space<vmem>>, vector<1x16xf32>,
            } {sc.loop_unroll_factor = 2 : i64, sc.parallel_access}
            %swap3A_174 = arith.index_cast %squeeze3A_170 : i32 to index
            %swap3A_175 = arith.constant 256 : index
            %swap3A_176 = tpu.vector_load %arg8[%swap3A_174, %swap3A_175] {strides = array<i32>} : memref<64x272xf32, #tpu.memory_space<vmem>>, vector<1x16xf32>,
            %swap3A_177 = vector.shape_cast %swap3A_176 : vector<1x16xf32> to vector<16xf32>
            %swap3A_178 = vector.shape_cast %min3A_107 : vector<16xf32> to vector<1x16xf32>
            tpu.vector_store %arg8[%swap3A_174, %swap3A_175], %swap3A_178 {add = true, strides = array<i32>} : memref<64x272xf32, #tpu.memory_space<vmem>>, vector<1x16xf32>,
            %slice3A_179 = vector.extract_strided_slice %get3A_120 {offsets = [5], sizes = [1], strides = [1]} : vector<16xi32> to vector<1xi32>
            %squeeze3A_180 = vector.extract %slice3A_179[0] : i32 from vector<1xi32>
            %parallel_loop3A_181 = arith.constant 0 : i32
            %parallel_loop3A_182 = arith.constant 16 : i32
            %parallel_loop3A_183 = arith.constant 1 : i32
            scf.for %parallel_loop3A_289 = %parallel_loop3A_181 to %parallel_loop3A_182 step %parallel_loop3A_183  : i32 {
              %parallel_loop3A_290 = arith.constant 16 : i32
              %parallel_loop3A_291 = arith.muli %parallel_loop3A_289, %parallel_loop3A_290 : i32
              %parallel_loop3A_292 = arith.constant 5 : i32
              %parallel_loop3A_293 = arith.addi %mul3A_116, %parallel_loop3A_292 : i32
              %parallel_loop3A_294 = arith.constant 16 : i32
              %parallel_loop3A_295 = arith.muli %parallel_loop3A_289, %parallel_loop3A_294 : i32
              %parallel_loop3A_296 = arith.constant 1 : i32
              %parallel_loop3A_297 = arith.index_cast %parallel_loop3A_296 : i32 to index
              %parallel_loop3A_298 = arith.index_cast %parallel_loop3A_293 : i32 to index
              %parallel_loop3A_299 = arith.index_cast %parallel_loop3A_295 : i32 to index
              %parallel_loop3A_300 = tpu.vector_load %arg6[%parallel_loop3A_297, %parallel_loop3A_298, %parallel_loop3A_299] {strides = array<i32>} : memref<2x80x256xf32, #tpu.memory_space<vmem>>, vector<1x1x16xf32>,
              %parallel_loop3A_301 = vector.shape_cast %parallel_loop3A_300 : vector<1x1x16xf32> to vector<16xf32>
              %parallel_loop3A_302 = arith.index_cast %squeeze3A_180 : i32 to index
              %parallel_loop3A_303 = arith.index_cast %parallel_loop3A_291 : i32 to index
              %parallel_loop3A_304 = tpu.vector_load %arg8[%parallel_loop3A_302, %parallel_loop3A_303] {strides = array<i32>} : memref<64x272xf32, #tpu.memory_space<vmem>>, vector<1x16xf32>,
              %parallel_loop3A_305 = vector.shape_cast %parallel_loop3A_304 : vector<1x16xf32> to vector<16xf32>
              %parallel_loop3A_306 = vector.shape_cast %parallel_loop3A_301 : vector<16xf32> to vector<1x16xf32>
              tpu.vector_store %arg8[%parallel_loop3A_302, %parallel_loop3A_303], %parallel_loop3A_306 {add = true, strides = array<i32>} : memref<64x272xf32, #tpu.memory_space<vmem>>, vector<1x16xf32>,
            } {sc.loop_unroll_factor = 2 : i64, sc.parallel_access}
            %swap3A_184 = arith.index_cast %squeeze3A_180 : i32 to index
            %swap3A_185 = arith.constant 256 : index
            %swap3A_186 = tpu.vector_load %arg8[%swap3A_184, %swap3A_185] {strides = array<i32>} : memref<64x272xf32, #tpu.memory_space<vmem>>, vector<1x16xf32>,
            %swap3A_187 = vector.shape_cast %swap3A_186 : vector<1x16xf32> to vector<16xf32>
            %swap3A_188 = vector.shape_cast %min3A_107 : vector<16xf32> to vector<1x16xf32>
            tpu.vector_store %arg8[%swap3A_184, %swap3A_185], %swap3A_188 {add = true, strides = array<i32>} : memref<64x272xf32, #tpu.memory_space<vmem>>, vector<1x16xf32>,
            %slice3A_189 = vector.extract_strided_slice %get3A_120 {offsets = [6], sizes = [1], strides = [1]} : vector<16xi32> to vector<1xi32>
            %squeeze3A_190 = vector.extract %slice3A_189[0] : i32 from vector<1xi32>
            %parallel_loop3A_191 = arith.constant 0 : i32
            %parallel_loop3A_192 = arith.constant 16 : i32
            %parallel_loop3A_193 = arith.constant 1 : i32
            scf.for %parallel_loop3A_289 = %parallel_loop3A_191 to %parallel_loop3A_192 step %parallel_loop3A_193  : i32 {
              %parallel_loop3A_290 = arith.constant 16 : i32
              %parallel_loop3A_291 = arith.muli %parallel_loop3A_289, %parallel_loop3A_290 : i32
              %parallel_loop3A_292 = arith.constant 6 : i32
              %parallel_loop3A_293 = arith.addi %mul3A_116, %parallel_loop3A_292 : i32
              %parallel_loop3A_294 = arith.constant 16 : i32
              %parallel_loop3A_295 = arith.muli %parallel_loop3A_289, %parallel_loop3A_294 : i32
              %parallel_loop3A_296 = arith.constant 1 : i32
              %parallel_loop3A_297 = arith.index_cast %parallel_loop3A_296 : i32 to index
              %parallel_loop3A_298 = arith.index_cast %parallel_loop3A_293 : i32 to index
              %parallel_loop3A_299 = arith.index_cast %parallel_loop3A_295 : i32 to index
              %parallel_loop3A_300 = tpu.vector_load %arg6[%parallel_loop3A_297, %parallel_loop3A_298, %parallel_loop3A_299] {strides = array<i32>} : memref<2x80x256xf32, #tpu.memory_space<vmem>>, vector<1x1x16xf32>,
              %parallel_loop3A_301 = vector.shape_cast %parallel_loop3A_300 : vector<1x1x16xf32> to vector<16xf32>
              %parallel_loop3A_302 = arith.index_cast %squeeze3A_190 : i32 to index
              %parallel_loop3A_303 = arith.index_cast %parallel_loop3A_291 : i32 to index
              %parallel_loop3A_304 = tpu.vector_load %arg8[%parallel_loop3A_302, %parallel_loop3A_303] {strides = array<i32>} : memref<64x272xf32, #tpu.memory_space<vmem>>, vector<1x16xf32>,
              %parallel_loop3A_305 = vector.shape_cast %parallel_loop3A_304 : vector<1x16xf32> to vector<16xf32>
              %parallel_loop3A_306 = vector.shape_cast %parallel_loop3A_301 : vector<16xf32> to vector<1x16xf32>
              tpu.vector_store %arg8[%parallel_loop3A_302, %parallel_loop3A_303], %parallel_loop3A_306 {add = true, strides = array<i32>} : memref<64x272xf32, #tpu.memory_space<vmem>>, vector<1x16xf32>,
            } {sc.loop_unroll_factor = 2 : i64, sc.parallel_access}
            %swap3A_194 = arith.index_cast %squeeze3A_190 : i32 to index
            %swap3A_195 = arith.constant 256 : index
            %swap3A_196 = tpu.vector_load %arg8[%swap3A_194, %swap3A_195] {strides = array<i32>} : memref<64x272xf32, #tpu.memory_space<vmem>>, vector<1x16xf32>,
            %swap3A_197 = vector.shape_cast %swap3A_196 : vector<1x16xf32> to vector<16xf32>
            %swap3A_198 = vector.shape_cast %min3A_107 : vector<16xf32> to vector<1x16xf32>
            tpu.vector_store %arg8[%swap3A_194, %swap3A_195], %swap3A_198 {add = true, strides = array<i32>} : memref<64x272xf32, #tpu.memory_space<vmem>>, vector<1x16xf32>,
            %slice3A_199 = vector.extract_strided_slice %get3A_120 {offsets = [7], sizes = [1], strides = [1]} : vector<16xi32> to vector<1xi32>
            %squeeze3A_200 = vector.extract %slice3A_199[0] : i32 from vector<1xi32>
            %parallel_loop3A_201 = arith.constant 0 : i32
            %parallel_loop3A_202 = arith.constant 16 : i32
            %parallel_loop3A_203 = arith.constant 1 : i32
            scf.for %parallel_loop3A_289 = %parallel_loop3A_201 to %parallel_loop3A_202 step %parallel_loop3A_203  : i32 {
              %parallel_loop3A_290 = arith.constant 16 : i32
              %parallel_loop3A_291 = arith.muli %parallel_loop3A_289, %parallel_loop3A_290 : i32
              %parallel_loop3A_292 = arith.constant 7 : i32
              %parallel_loop3A_293 = arith.addi %mul3A_116, %parallel_loop3A_292 : i32
              %parallel_loop3A_294 = arith.constant 16 : i32
              %parallel_loop3A_295 = arith.muli %parallel_loop3A_289, %parallel_loop3A_294 : i32
              %parallel_loop3A_296 = arith.constant 1 : i32
              %parallel_loop3A_297 = arith.index_cast %parallel_loop3A_296 : i32 to index
              %parallel_loop3A_298 = arith.index_cast %parallel_loop3A_293 : i32 to index
              %parallel_loop3A_299 = arith.index_cast %parallel_loop3A_295 : i32 to index
              %parallel_loop3A_300 = tpu.vector_load %arg6[%parallel_loop3A_297, %parallel_loop3A_298, %parallel_loop3A_299] {strides = array<i32>} : memref<2x80x256xf32, #tpu.memory_space<vmem>>, vector<1x1x16xf32>,
              %parallel_loop3A_301 = vector.shape_cast %parallel_loop3A_300 : vector<1x1x16xf32> to vector<16xf32>
              %parallel_loop3A_302 = arith.index_cast %squeeze3A_200 : i32 to index
              %parallel_loop3A_303 = arith.index_cast %parallel_loop3A_291 : i32 to index
              %parallel_loop3A_304 = tpu.vector_load %arg8[%parallel_loop3A_302, %parallel_loop3A_303] {strides = array<i32>} : memref<64x272xf32, #tpu.memory_space<vmem>>, vector<1x16xf32>,
              %parallel_loop3A_305 = vector.shape_cast %parallel_loop3A_304 : vector<1x16xf32> to vector<16xf32>
              %parallel_loop3A_306 = vector.shape_cast %parallel_loop3A_301 : vector<16xf32> to vector<1x16xf32>
              tpu.vector_store %arg8[%parallel_loop3A_302, %parallel_loop3A_303], %parallel_loop3A_306 {add = true, strides = array<i32>} : memref<64x272xf32, #tpu.memory_space<vmem>>, vector<1x16xf32>,
            } {sc.loop_unroll_factor = 2 : i64, sc.parallel_access}
            %swap3A_204 = arith.index_cast %squeeze3A_200 : i32 to index
            %swap3A_205 = arith.constant 256 : index
            %swap3A_206 = tpu.vector_load %arg8[%swap3A_204, %swap3A_205] {strides = array<i32>} : memref<64x272xf32, #tpu.memory_space<vmem>>, vector<1x16xf32>,
            %swap3A_207 = vector.shape_cast %swap3A_206 : vector<1x16xf32> to vector<16xf32>
            %swap3A_208 = vector.shape_cast %min3A_107 : vector<16xf32> to vector<1x16xf32>
            tpu.vector_store %arg8[%swap3A_204, %swap3A_205], %swap3A_208 {add = true, strides = array<i32>} : memref<64x272xf32, #tpu.memory_space<vmem>>, vector<1x16xf32>,
            %slice3A_209 = vector.extract_strided_slice %get3A_120 {offsets = [8], sizes = [1], strides = [1]} : vector<16xi32> to vector<1xi32>
            %squeeze3A_210 = vector.extract %slice3A_209[0] : i32 from vector<1xi32>
            %parallel_loop3A_211 = arith.constant 0 : i32
            %parallel_loop3A_212 = arith.constant 16 : i32
            %parallel_loop3A_213 = arith.constant 1 : i32
            scf.for %parallel_loop3A_289 = %parallel_loop3A_211 to %parallel_loop3A_212 step %parallel_loop3A_213  : i32 {
              %parallel_loop3A_290 = arith.constant 16 : i32
              %parallel_loop3A_291 = arith.muli %parallel_loop3A_289, %parallel_loop3A_290 : i32
              %parallel_loop3A_292 = arith.constant 8 : i32
              %parallel_loop3A_293 = arith.addi %mul3A_116, %parallel_loop3A_292 : i32
              %parallel_loop3A_294 = arith.constant 16 : i32
              %parallel_loop3A_295 = arith.muli %parallel_loop3A_289, %parallel_loop3A_294 : i32
              %parallel_loop3A_296 = arith.constant 1 : i32
              %parallel_loop3A_297 = arith.index_cast %parallel_loop3A_296 : i32 to index
              %parallel_loop3A_298 = arith.index_cast %parallel_loop3A_293 : i32 to index
              %parallel_loop3A_299 = arith.index_cast %parallel_loop3A_295 : i32 to index
              %parallel_loop3A_300 = tpu.vector_load %arg6[%parallel_loop3A_297, %parallel_loop3A_298, %parallel_loop3A_299] {strides = array<i32>} : memref<2x80x256xf32, #tpu.memory_space<vmem>>, vector<1x1x16xf32>,
              %parallel_loop3A_301 = vector.shape_cast %parallel_loop3A_300 : vector<1x1x16xf32> to vector<16xf32>
              %parallel_loop3A_302 = arith.index_cast %squeeze3A_210 : i32 to index
              %parallel_loop3A_303 = arith.index_cast %parallel_loop3A_291 : i32 to index
              %parallel_loop3A_304 = tpu.vector_load %arg8[%parallel_loop3A_302, %parallel_loop3A_303] {strides = array<i32>} : memref<64x272xf32, #tpu.memory_space<vmem>>, vector<1x16xf32>,
              %parallel_loop3A_305 = vector.shape_cast %parallel_loop3A_304 : vector<1x16xf32> to vector<16xf32>
              %parallel_loop3A_306 = vector.shape_cast %parallel_loop3A_301 : vector<16xf32> to vector<1x16xf32>
              tpu.vector_store %arg8[%parallel_loop3A_302, %parallel_loop3A_303], %parallel_loop3A_306 {add = true, strides = array<i32>} : memref<64x272xf32, #tpu.memory_space<vmem>>, vector<1x16xf32>,
            } {sc.loop_unroll_factor = 2 : i64, sc.parallel_access}
            %swap3A_214 = arith.index_cast %squeeze3A_210 : i32 to index
            %swap3A_215 = arith.constant 256 : index
            %swap3A_216 = tpu.vector_load %arg8[%swap3A_214, %swap3A_215] {strides = array<i32>} : memref<64x272xf32, #tpu.memory_space<vmem>>, vector<1x16xf32>,
            %swap3A_217 = vector.shape_cast %swap3A_216 : vector<1x16xf32> to vector<16xf32>
            %swap3A_218 = vector.shape_cast %min3A_107 : vector<16xf32> to vector<1x16xf32>
            tpu.vector_store %arg8[%swap3A_214, %swap3A_215], %swap3A_218 {add = true, strides = array<i32>} : memref<64x272xf32, #tpu.memory_space<vmem>>, vector<1x16xf32>,
            %slice3A_219 = vector.extract_strided_slice %get3A_120 {offsets = [9], sizes = [1], strides = [1]} : vector<16xi32> to vector<1xi32>
            %squeeze3A_220 = vector.extract %slice3A_219[0] : i32 from vector<1xi32>
            %parallel_loop3A_221 = arith.constant 0 : i32
            %parallel_loop3A_222 = arith.constant 16 : i32
            %parallel_loop3A_223 = arith.constant 1 : i32
            scf.for %parallel_loop3A_289 = %parallel_loop3A_221 to %parallel_loop3A_222 step %parallel_loop3A_223  : i32 {
              %parallel_loop3A_290 = arith.constant 16 : i32
              %parallel_loop3A_291 = arith.muli %parallel_loop3A_289, %parallel_loop3A_290 : i32
              %parallel_loop3A_292 = arith.constant 9 : i32
              %parallel_loop3A_293 = arith.addi %mul3A_116, %parallel_loop3A_292 : i32
              %parallel_loop3A_294 = arith.constant 16 : i32
              %parallel_loop3A_295 = arith.muli %parallel_loop3A_289, %parallel_loop3A_294 : i32
              %parallel_loop3A_296 = arith.constant 1 : i32
              %parallel_loop3A_297 = arith.index_cast %parallel_loop3A_296 : i32 to index
              %parallel_loop3A_298 = arith.index_cast %parallel_loop3A_293 : i32 to index
              %parallel_loop3A_299 = arith.index_cast %parallel_loop3A_295 : i32 to index
              %parallel_loop3A_300 = tpu.vector_load %arg6[%parallel_loop3A_297, %parallel_loop3A_298, %parallel_loop3A_299] {strides = array<i32>} : memref<2x80x256xf32, #tpu.memory_space<vmem>>, vector<1x1x16xf32>,
              %parallel_loop3A_301 = vector.shape_cast %parallel_loop3A_300 : vector<1x1x16xf32> to vector<16xf32>
              %parallel_loop3A_302 = arith.index_cast %squeeze3A_220 : i32 to index
              %parallel_loop3A_303 = arith.index_cast %parallel_loop3A_291 : i32 to index
              %parallel_loop3A_304 = tpu.vector_load %arg8[%parallel_loop3A_302, %parallel_loop3A_303] {strides = array<i32>} : memref<64x272xf32, #tpu.memory_space<vmem>>, vector<1x16xf32>,
              %parallel_loop3A_305 = vector.shape_cast %parallel_loop3A_304 : vector<1x16xf32> to vector<16xf32>
              %parallel_loop3A_306 = vector.shape_cast %parallel_loop3A_301 : vector<16xf32> to vector<1x16xf32>
              tpu.vector_store %arg8[%parallel_loop3A_302, %parallel_loop3A_303], %parallel_loop3A_306 {add = true, strides = array<i32>} : memref<64x272xf32, #tpu.memory_space<vmem>>, vector<1x16xf32>,
            } {sc.loop_unroll_factor = 2 : i64, sc.parallel_access}
            %swap3A_224 = arith.index_cast %squeeze3A_220 : i32 to index
            %swap3A_225 = arith.constant 256 : index
            %swap3A_226 = tpu.vector_load %arg8[%swap3A_224, %swap3A_225] {strides = array<i32>} : memref<64x272xf32, #tpu.memory_space<vmem>>, vector<1x16xf32>,
            %swap3A_227 = vector.shape_cast %swap3A_226 : vector<1x16xf32> to vector<16xf32>
            %swap3A_228 = vector.shape_cast %min3A_107 : vector<16xf32> to vector<1x16xf32>
            tpu.vector_store %arg8[%swap3A_224, %swap3A_225], %swap3A_228 {add = true, strides = array<i32>} : memref<64x272xf32, #tpu.memory_space<vmem>>, vector<1x16xf32>,
            %slice3A_229 = vector.extract_strided_slice %get3A_120 {offsets = [10], sizes = [1], strides = [1]} : vector<16xi32> to vector<1xi32>
            %squeeze3A_230 = vector.extract %slice3A_229[0] : i32 from vector<1xi32>
            %parallel_loop3A_231 = arith.constant 0 : i32
            %parallel_loop3A_232 = arith.constant 16 : i32
            %parallel_loop3A_233 = arith.constant 1 : i32
            scf.for %parallel_loop3A_289 = %parallel_loop3A_231 to %parallel_loop3A_232 step %parallel_loop3A_233  : i32 {
              %parallel_loop3A_290 = arith.constant 16 : i32
              %parallel_loop3A_291 = arith.muli %parallel_loop3A_289, %parallel_loop3A_290 : i32
              %parallel_loop3A_292 = arith.constant 10 : i32
              %parallel_loop3A_293 = arith.addi %mul3A_116, %parallel_loop3A_292 : i32
              %parallel_loop3A_294 = arith.constant 16 : i32
              %parallel_loop3A_295 = arith.muli %parallel_loop3A_289, %parallel_loop3A_294 : i32
              %parallel_loop3A_296 = arith.constant 1 : i32
              %parallel_loop3A_297 = arith.index_cast %parallel_loop3A_296 : i32 to index
              %parallel_loop3A_298 = arith.index_cast %parallel_loop3A_293 : i32 to index
              %parallel_loop3A_299 = arith.index_cast %parallel_loop3A_295 : i32 to index
              %parallel_loop3A_300 = tpu.vector_load %arg6[%parallel_loop3A_297, %parallel_loop3A_298, %parallel_loop3A_299] {strides = array<i32>} : memref<2x80x256xf32, #tpu.memory_space<vmem>>, vector<1x1x16xf32>,
              %parallel_loop3A_301 = vector.shape_cast %parallel_loop3A_300 : vector<1x1x16xf32> to vector<16xf32>
              %parallel_loop3A_302 = arith.index_cast %squeeze3A_230 : i32 to index
              %parallel_loop3A_303 = arith.index_cast %parallel_loop3A_291 : i32 to index
              %parallel_loop3A_304 = tpu.vector_load %arg8[%parallel_loop3A_302, %parallel_loop3A_303] {strides = array<i32>} : memref<64x272xf32, #tpu.memory_space<vmem>>, vector<1x16xf32>,
              %parallel_loop3A_305 = vector.shape_cast %parallel_loop3A_304 : vector<1x16xf32> to vector<16xf32>
              %parallel_loop3A_306 = vector.shape_cast %parallel_loop3A_301 : vector<16xf32> to vector<1x16xf32>
              tpu.vector_store %arg8[%parallel_loop3A_302, %parallel_loop3A_303], %parallel_loop3A_306 {add = true, strides = array<i32>} : memref<64x272xf32, #tpu.memory_space<vmem>>, vector<1x16xf32>,
            } {sc.loop_unroll_factor = 2 : i64, sc.parallel_access}
            %swap3A_234 = arith.index_cast %squeeze3A_230 : i32 to index
            %swap3A_235 = arith.constant 256 : index
            %swap3A_236 = tpu.vector_load %arg8[%swap3A_234, %swap3A_235] {strides = array<i32>} : memref<64x272xf32, #tpu.memory_space<vmem>>, vector<1x16xf32>,
            %swap3A_237 = vector.shape_cast %swap3A_236 : vector<1x16xf32> to vector<16xf32>
            %swap3A_238 = vector.shape_cast %min3A_107 : vector<16xf32> to vector<1x16xf32>
            tpu.vector_store %arg8[%swap3A_234, %swap3A_235], %swap3A_238 {add = true, strides = array<i32>} : memref<64x272xf32, #tpu.memory_space<vmem>>, vector<1x16xf32>,
            %slice3A_239 = vector.extract_strided_slice %get3A_120 {offsets = [11], sizes = [1], strides = [1]} : vector<16xi32> to vector<1xi32>
            %squeeze3A_240 = vector.extract %slice3A_239[0] : i32 from vector<1xi32>
            %parallel_loop3A_241 = arith.constant 0 : i32
            %parallel_loop3A_242 = arith.constant 16 : i32
            %parallel_loop3A_243 = arith.constant 1 : i32
            scf.for %parallel_loop3A_289 = %parallel_loop3A_241 to %parallel_loop3A_242 step %parallel_loop3A_243  : i32 {
              %parallel_loop3A_290 = arith.constant 16 : i32
              %parallel_loop3A_291 = arith.muli %parallel_loop3A_289, %parallel_loop3A_290 : i32
              %parallel_loop3A_292 = arith.constant 11 : i32
              %parallel_loop3A_293 = arith.addi %mul3A_116, %parallel_loop3A_292 : i32
              %parallel_loop3A_294 = arith.constant 16 : i32
              %parallel_loop3A_295 = arith.muli %parallel_loop3A_289, %parallel_loop3A_294 : i32
              %parallel_loop3A_296 = arith.constant 1 : i32
              %parallel_loop3A_297 = arith.index_cast %parallel_loop3A_296 : i32 to index
              %parallel_loop3A_298 = arith.index_cast %parallel_loop3A_293 : i32 to index
              %parallel_loop3A_299 = arith.index_cast %parallel_loop3A_295 : i32 to index
              %parallel_loop3A_300 = tpu.vector_load %arg6[%parallel_loop3A_297, %parallel_loop3A_298, %parallel_loop3A_299] {strides = array<i32>} : memref<2x80x256xf32, #tpu.memory_space<vmem>>, vector<1x1x16xf32>,
              %parallel_loop3A_301 = vector.shape_cast %parallel_loop3A_300 : vector<1x1x16xf32> to vector<16xf32>
              %parallel_loop3A_302 = arith.index_cast %squeeze3A_240 : i32 to index
              %parallel_loop3A_303 = arith.index_cast %parallel_loop3A_291 : i32 to index
              %parallel_loop3A_304 = tpu.vector_load %arg8[%parallel_loop3A_302, %parallel_loop3A_303] {strides = array<i32>} : memref<64x272xf32, #tpu.memory_space<vmem>>, vector<1x16xf32>,
              %parallel_loop3A_305 = vector.shape_cast %parallel_loop3A_304 : vector<1x16xf32> to vector<16xf32>
              %parallel_loop3A_306 = vector.shape_cast %parallel_loop3A_301 : vector<16xf32> to vector<1x16xf32>
              tpu.vector_store %arg8[%parallel_loop3A_302, %parallel_loop3A_303], %parallel_loop3A_306 {add = true, strides = array<i32>} : memref<64x272xf32, #tpu.memory_space<vmem>>, vector<1x16xf32>,
            } {sc.loop_unroll_factor = 2 : i64, sc.parallel_access}
            %swap3A_244 = arith.index_cast %squeeze3A_240 : i32 to index
            %swap3A_245 = arith.constant 256 : index
            %swap3A_246 = tpu.vector_load %arg8[%swap3A_244, %swap3A_245] {strides = array<i32>} : memref<64x272xf32, #tpu.memory_space<vmem>>, vector<1x16xf32>,
            %swap3A_247 = vector.shape_cast %swap3A_246 : vector<1x16xf32> to vector<16xf32>
            %swap3A_248 = vector.shape_cast %min3A_107 : vector<16xf32> to vector<1x16xf32>
            tpu.vector_store %arg8[%swap3A_244, %swap3A_245], %swap3A_248 {add = true, strides = array<i32>} : memref<64x272xf32, #tpu.memory_space<vmem>>, vector<1x16xf32>,
            %slice3A_249 = vector.extract_strided_slice %get3A_120 {offsets = [12], sizes = [1], strides = [1]} : vector<16xi32> to vector<1xi32>
            %squeeze3A_250 = vector.extract %slice3A_249[0] : i32 from vector<1xi32>
            %parallel_loop3A_251 = arith.constant 0 : i32
            %parallel_loop3A_252 = arith.constant 16 : i32
            %parallel_loop3A_253 = arith.constant 1 : i32
            scf.for %parallel_loop3A_289 = %parallel_loop3A_251 to %parallel_loop3A_252 step %parallel_loop3A_253  : i32 {
              %parallel_loop3A_290 = arith.constant 16 : i32
              %parallel_loop3A_291 = arith.muli %parallel_loop3A_289, %parallel_loop3A_290 : i32
              %parallel_loop3A_292 = arith.constant 12 : i32
              %parallel_loop3A_293 = arith.addi %mul3A_116, %parallel_loop3A_292 : i32
              %parallel_loop3A_294 = arith.constant 16 : i32
              %parallel_loop3A_295 = arith.muli %parallel_loop3A_289, %parallel_loop3A_294 : i32
              %parallel_loop3A_296 = arith.constant 1 : i32
              %parallel_loop3A_297 = arith.index_cast %parallel_loop3A_296 : i32 to index
              %parallel_loop3A_298 = arith.index_cast %parallel_loop3A_293 : i32 to index
              %parallel_loop3A_299 = arith.index_cast %parallel_loop3A_295 : i32 to index
              %parallel_loop3A_300 = tpu.vector_load %arg6[%parallel_loop3A_297, %parallel_loop3A_298, %parallel_loop3A_299] {strides = array<i32>} : memref<2x80x256xf32, #tpu.memory_space<vmem>>, vector<1x1x16xf32>,
              %parallel_loop3A_301 = vector.shape_cast %parallel_loop3A_300 : vector<1x1x16xf32> to vector<16xf32>
              %parallel_loop3A_302 = arith.index_cast %squeeze3A_250 : i32 to index
              %parallel_loop3A_303 = arith.index_cast %parallel_loop3A_291 : i32 to index
              %parallel_loop3A_304 = tpu.vector_load %arg8[%parallel_loop3A_302, %parallel_loop3A_303] {strides = array<i32>} : memref<64x272xf32, #tpu.memory_space<vmem>>, vector<1x16xf32>,
              %parallel_loop3A_305 = vector.shape_cast %parallel_loop3A_304 : vector<1x16xf32> to vector<16xf32>
              %parallel_loop3A_306 = vector.shape_cast %parallel_loop3A_301 : vector<16xf32> to vector<1x16xf32>
              tpu.vector_store %arg8[%parallel_loop3A_302, %parallel_loop3A_303], %parallel_loop3A_306 {add = true, strides = array<i32>} : memref<64x272xf32, #tpu.memory_space<vmem>>, vector<1x16xf32>,
            } {sc.loop_unroll_factor = 2 : i64, sc.parallel_access}
            %swap3A_254 = arith.index_cast %squeeze3A_250 : i32 to index
            %swap3A_255 = arith.constant 256 : index
            %swap3A_256 = tpu.vector_load %arg8[%swap3A_254, %swap3A_255] {strides = array<i32>} : memref<64x272xf32, #tpu.memory_space<vmem>>, vector<1x16xf32>,
            %swap3A_257 = vector.shape_cast %swap3A_256 : vector<1x16xf32> to vector<16xf32>
            %swap3A_258 = vector.shape_cast %min3A_107 : vector<16xf32> to vector<1x16xf32>
            tpu.vector_store %arg8[%swap3A_254, %swap3A_255], %swap3A_258 {add = true, strides = array<i32>} : memref<64x272xf32, #tpu.memory_space<vmem>>, vector<1x16xf32>,
            %slice3A_259 = vector.extract_strided_slice %get3A_120 {offsets = [13], sizes = [1], strides = [1]} : vector<16xi32> to vector<1xi32>
            %squeeze3A_260 = vector.extract %slice3A_259[0] : i32 from vector<1xi32>
            %parallel_loop3A_261 = arith.constant 0 : i32
            %parallel_loop3A_262 = arith.constant 16 : i32
            %parallel_loop3A_263 = arith.constant 1 : i32
            scf.for %parallel_loop3A_289 = %parallel_loop3A_261 to %parallel_loop3A_262 step %parallel_loop3A_263  : i32 {
              %parallel_loop3A_290 = arith.constant 16 : i32
              %parallel_loop3A_291 = arith.muli %parallel_loop3A_289, %parallel_loop3A_290 : i32
              %parallel_loop3A_292 = arith.constant 13 : i32
              %parallel_loop3A_293 = arith.addi %mul3A_116, %parallel_loop3A_292 : i32
              %parallel_loop3A_294 = arith.constant 16 : i32
              %parallel_loop3A_295 = arith.muli %parallel_loop3A_289, %parallel_loop3A_294 : i32
              %parallel_loop3A_296 = arith.constant 1 : i32
              %parallel_loop3A_297 = arith.index_cast %parallel_loop3A_296 : i32 to index
              %parallel_loop3A_298 = arith.index_cast %parallel_loop3A_293 : i32 to index
              %parallel_loop3A_299 = arith.index_cast %parallel_loop3A_295 : i32 to index
              %parallel_loop3A_300 = tpu.vector_load %arg6[%parallel_loop3A_297, %parallel_loop3A_298, %parallel_loop3A_299] {strides = array<i32>} : memref<2x80x256xf32, #tpu.memory_space<vmem>>, vector<1x1x16xf32>,
              %parallel_loop3A_301 = vector.shape_cast %parallel_loop3A_300 : vector<1x1x16xf32> to vector<16xf32>
              %parallel_loop3A_302 = arith.index_cast %squeeze3A_260 : i32 to index
              %parallel_loop3A_303 = arith.index_cast %parallel_loop3A_291 : i32 to index
              %parallel_loop3A_304 = tpu.vector_load %arg8[%parallel_loop3A_302, %parallel_loop3A_303] {strides = array<i32>} : memref<64x272xf32, #tpu.memory_space<vmem>>, vector<1x16xf32>,
              %parallel_loop3A_305 = vector.shape_cast %parallel_loop3A_304 : vector<1x16xf32> to vector<16xf32>
              %parallel_loop3A_306 = vector.shape_cast %parallel_loop3A_301 : vector<16xf32> to vector<1x16xf32>
              tpu.vector_store %arg8[%parallel_loop3A_302, %parallel_loop3A_303], %parallel_loop3A_306 {add = true, strides = array<i32>} : memref<64x272xf32, #tpu.memory_space<vmem>>, vector<1x16xf32>,
            } {sc.loop_unroll_factor = 2 : i64, sc.parallel_access}
            %swap3A_264 = arith.index_cast %squeeze3A_260 : i32 to index
            %swap3A_265 = arith.constant 256 : index
            %swap3A_266 = tpu.vector_load %arg8[%swap3A_264, %swap3A_265] {strides = array<i32>} : memref<64x272xf32, #tpu.memory_space<vmem>>, vector<1x16xf32>,
            %swap3A_267 = vector.shape_cast %swap3A_266 : vector<1x16xf32> to vector<16xf32>
            %swap3A_268 = vector.shape_cast %min3A_107 : vector<16xf32> to vector<1x16xf32>
            tpu.vector_store %arg8[%swap3A_264, %swap3A_265], %swap3A_268 {add = true, strides = array<i32>} : memref<64x272xf32, #tpu.memory_space<vmem>>, vector<1x16xf32>,
            %slice3A_269 = vector.extract_strided_slice %get3A_120 {offsets = [14], sizes = [1], strides = [1]} : vector<16xi32> to vector<1xi32>
            %squeeze3A_270 = vector.extract %slice3A_269[0] : i32 from vector<1xi32>
            %parallel_loop3A_271 = arith.constant 0 : i32
            %parallel_loop3A_272 = arith.constant 16 : i32
            %parallel_loop3A_273 = arith.constant 1 : i32
            scf.for %parallel_loop3A_289 = %parallel_loop3A_271 to %parallel_loop3A_272 step %parallel_loop3A_273  : i32 {
              %parallel_loop3A_290 = arith.constant 16 : i32
              %parallel_loop3A_291 = arith.muli %parallel_loop3A_289, %parallel_loop3A_290 : i32
              %parallel_loop3A_292 = arith.constant 14 : i32
              %parallel_loop3A_293 = arith.addi %mul3A_116, %parallel_loop3A_292 : i32
              %parallel_loop3A_294 = arith.constant 16 : i32
              %parallel_loop3A_295 = arith.muli %parallel_loop3A_289, %parallel_loop3A_294 : i32
              %parallel_loop3A_296 = arith.constant 1 : i32
              %parallel_loop3A_297 = arith.index_cast %parallel_loop3A_296 : i32 to index
              %parallel_loop3A_298 = arith.index_cast %parallel_loop3A_293 : i32 to index
              %parallel_loop3A_299 = arith.index_cast %parallel_loop3A_295 : i32 to index
              %parallel_loop3A_300 = tpu.vector_load %arg6[%parallel_loop3A_297, %parallel_loop3A_298, %parallel_loop3A_299] {strides = array<i32>} : memref<2x80x256xf32, #tpu.memory_space<vmem>>, vector<1x1x16xf32>,
              %parallel_loop3A_301 = vector.shape_cast %parallel_loop3A_300 : vector<1x1x16xf32> to vector<16xf32>
              %parallel_loop3A_302 = arith.index_cast %squeeze3A_270 : i32 to index
              %parallel_loop3A_303 = arith.index_cast %parallel_loop3A_291 : i32 to index
              %parallel_loop3A_304 = tpu.vector_load %arg8[%parallel_loop3A_302, %parallel_loop3A_303] {strides = array<i32>} : memref<64x272xf32, #tpu.memory_space<vmem>>, vector<1x16xf32>,
              %parallel_loop3A_305 = vector.shape_cast %parallel_loop3A_304 : vector<1x16xf32> to vector<16xf32>
              %parallel_loop3A_306 = vector.shape_cast %parallel_loop3A_301 : vector<16xf32> to vector<1x16xf32>
              tpu.vector_store %arg8[%parallel_loop3A_302, %parallel_loop3A_303], %parallel_loop3A_306 {add = true, strides = array<i32>} : memref<64x272xf32, #tpu.memory_space<vmem>>, vector<1x16xf32>,
            } {sc.loop_unroll_factor = 2 : i64, sc.parallel_access}
            %swap3A_274 = arith.index_cast %squeeze3A_270 : i32 to index
            %swap3A_275 = arith.constant 256 : index
            %swap3A_276 = tpu.vector_load %arg8[%swap3A_274, %swap3A_275] {strides = array<i32>} : memref<64x272xf32, #tpu.memory_space<vmem>>, vector<1x16xf32>,
            %swap3A_277 = vector.shape_cast %swap3A_276 : vector<1x16xf32> to vector<16xf32>
            %swap3A_278 = vector.shape_cast %min3A_107 : vector<16xf32> to vector<1x16xf32>
            tpu.vector_store %arg8[%swap3A_274, %swap3A_275], %swap3A_278 {add = true, strides = array<i32>} : memref<64x272xf32, #tpu.memory_space<vmem>>, vector<1x16xf32>,
            %slice3A_279 = vector.extract_strided_slice %get3A_120 {offsets = [15], sizes = [1], strides = [1]} : vector<16xi32> to vector<1xi32>
            %squeeze3A_280 = vector.extract %slice3A_279[0] : i32 from vector<1xi32>
            %parallel_loop3A_281 = arith.constant 0 : i32
            %parallel_loop3A_282 = arith.constant 16 : i32
            %parallel_loop3A_283 = arith.constant 1 : i32
            scf.for %parallel_loop3A_289 = %parallel_loop3A_281 to %parallel_loop3A_282 step %parallel_loop3A_283  : i32 {
              %parallel_loop3A_290 = arith.constant 16 : i32
              %parallel_loop3A_291 = arith.muli %parallel_loop3A_289, %parallel_loop3A_290 : i32
              %parallel_loop3A_292 = arith.constant 15 : i32
              %parallel_loop3A_293 = arith.addi %mul3A_116, %parallel_loop3A_292 : i32
              %parallel_loop3A_294 = arith.constant 16 : i32
              %parallel_loop3A_295 = arith.muli %parallel_loop3A_289, %parallel_loop3A_294 : i32
              %parallel_loop3A_296 = arith.constant 1 : i32
              %parallel_loop3A_297 = arith.index_cast %parallel_loop3A_296 : i32 to index
              %parallel_loop3A_298 = arith.index_cast %parallel_loop3A_293 : i32 to index
              %parallel_loop3A_299 = arith.index_cast %parallel_loop3A_295 : i32 to index
              %parallel_loop3A_300 = tpu.vector_load %arg6[%parallel_loop3A_297, %parallel_loop3A_298, %parallel_loop3A_299] {strides = array<i32>} : memref<2x80x256xf32, #tpu.memory_space<vmem>>, vector<1x1x16xf32>,
              %parallel_loop3A_301 = vector.shape_cast %parallel_loop3A_300 : vector<1x1x16xf32> to vector<16xf32>
              %parallel_loop3A_302 = arith.index_cast %squeeze3A_280 : i32 to index
              %parallel_loop3A_303 = arith.index_cast %parallel_loop3A_291 : i32 to index
              %parallel_loop3A_304 = tpu.vector_load %arg8[%parallel_loop3A_302, %parallel_loop3A_303] {strides = array<i32>} : memref<64x272xf32, #tpu.memory_space<vmem>>, vector<1x16xf32>,
              %parallel_loop3A_305 = vector.shape_cast %parallel_loop3A_304 : vector<1x16xf32> to vector<16xf32>
              %parallel_loop3A_306 = vector.shape_cast %parallel_loop3A_301 : vector<16xf32> to vector<1x16xf32>
              tpu.vector_store %arg8[%parallel_loop3A_302, %parallel_loop3A_303], %parallel_loop3A_306 {add = true, strides = array<i32>} : memref<64x272xf32, #tpu.memory_space<vmem>>, vector<1x16xf32>,
            } {sc.loop_unroll_factor = 2 : i64, sc.parallel_access}
            %swap3A_284 = arith.index_cast %squeeze3A_280 : i32 to index
            %swap3A_285 = arith.constant 256 : index
            %swap3A_286 = tpu.vector_load %arg8[%swap3A_284, %swap3A_285] {strides = array<i32>} : memref<64x272xf32, #tpu.memory_space<vmem>>, vector<1x16xf32>,
            %swap3A_287 = vector.shape_cast %swap3A_286 : vector<1x16xf32> to vector<16xf32>
            %swap3A_288 = vector.shape_cast %min3A_107 : vector<16xf32> to vector<1x16xf32>
            tpu.vector_store %arg8[%swap3A_284, %swap3A_285], %swap3A_288 {add = true, strides = array<i32>} : memref<64x272xf32, #tpu.memory_space<vmem>>, vector<1x16xf32>,
          } else {
          }
        }
        %scan3A_113 = arith.constant 5 : i32
      } else {
      }
      %add3A_67 = arith.constant 2 : i32
      %add3A_68 = arith.addi %add3A_58, %add3A_67 : i32
      %mul3A_69 = arith.constant 32 : i32
      %mul3A_70 = arith.muli %mul3A_69, %add3A_68 : i32
      %add3A_71 = arith.addi %add3A, %mul3A_70 : i32
      %lt3A_72 = arith.constant 125 : i32
      %lt3A_73 = arith.cmpi slt, %add3A_71, %lt3A_72 : i32
      %convert_element_type3A_74 = arith.extui %lt3A_73 : i1 to i32
      %cond3A_75 = arith.constant 0 : i32
      %cond3A_76 = arith.cmpi ne, %convert_element_type3A_74, %cond3A_75 : i32
      scf.if %cond3A_76 {
        %mul3A_77 = arith.constant 80 : i32
        %mul3A_78 = arith.muli %add3A_71, %mul3A_77 : i32
        %dma_start3A = arith.constant 1 : i32
        %dma_start3A_79 = arith.constant 0 : i32
        %dma_start3A_80 = arith.constant 0 : i32
        %dma_start3A_81 = tpu.memref_slice %arg6[%dma_start3A, %dma_start3A_79, %dma_start3A_80] : memref<2x80x256xf32, #tpu.memory_space<vmem>> -> memref<1x80x256xf32, #tpu.memory_space<vmem>>
        %dma_start3A_82 = tpu.memref_squeeze %dma_start3A_81 : memref<1x80x256xf32, #tpu.memory_space<vmem>> -> memref<80x256xf32, #tpu.memory_space<vmem>>
        %dma_start3A_83 = arith.constant 0 : i32
        %dma_start3A_84 = tpu.memref_slice %arg2[%mul3A_78, %dma_start3A_83] : memref<10000x256xf32, #tpu.memory_space<hbm>> -> memref<80x256xf32, #tpu.memory_space<hbm>>
        %dma_start3A_85 = arith.constant 0 : i32
        %dma_start3A_86 = arith.constant 0 : i32
        %dma_start3A_87 = tpu.memref_slice %arg6[%dma_start3A, %dma_start3A_85, %dma_start3A_86] : memref<2x80x256xf32, #tpu.memory_space<vmem>> -> memref<1x80x256xf32, #tpu.memory_space<vmem>>
        %dma_start3A_88 = tpu.memref_squeeze %dma_start3A_87 : memref<1x80x256xf32, #tpu.memory_space<vmem>> -> memref<80x256xf32, #tpu.memory_space<vmem>>
        %dma_start3A_89 = arith.constant 0 : i32
        %dma_start3A_90 = tpu.memref_slice %arg2[%mul3A_78, %dma_start3A_89] : memref<10000x256xf32, #tpu.memory_space<hbm>> -> memref<80x256xf32, #tpu.memory_space<hbm>>
        tpu.enqueue_dma source(%dma_start3A_90 : memref<80x256xf32, #tpu.memory_space<hbm>>) target(%dma_start3A_88 : memref<80x256xf32, #tpu.memory_space<vmem>>) target_semaphore(%arg10 : memref<!tpu.dma_semaphore, #tpu.memory_space<semaphore_mem>>)
        %mul3A_91 = arith.constant 80 : i32
        %mul3A_92 = arith.muli %add3A_71, %mul3A_91 : i32
        %dma_start3A_93 = arith.constant 1 : i32
        %dma_start3A_94 = arith.constant 0 : i32
        %dma_start3A_95 = tpu.memref_slice %arg7[%dma_start3A_93, %dma_start3A_94] : memref<2x80xi32, #tpu.memory_space<vmem>> -> memref<1x80xi32, #tpu.memory_space<vmem>>
        %dma_start3A_96 = tpu.memref_squeeze %dma_start3A_95 : memref<1x80xi32, #tpu.memory_space<vmem>> -> memref<80xi32, #tpu.memory_space<vmem>>
        %dma_start3A_97 = tpu.memref_slice %arg3[%mul3A_92] : memref<10000xi32, #tpu.memory_space<hbm>> -> memref<80xi32, #tpu.memory_space<hbm>>
        %dma_start3A_98 = arith.constant 0 : i32
        %dma_start3A_99 = tpu.memref_slice %arg7[%dma_start3A_93, %dma_start3A_98] : memref<2x80xi32, #tpu.memory_space<vmem>> -> memref<1x80xi32, #tpu.memory_space<vmem>>
        %dma_start3A_100 = tpu.memref_squeeze %dma_start3A_99 : memref<1x80xi32, #tpu.memory_space<vmem>> -> memref<80xi32, #tpu.memory_space<vmem>>
        %dma_start3A_101 = tpu.memref_slice %arg3[%mul3A_92] : memref<10000xi32, #tpu.memory_space<hbm>> -> memref<80xi32, #tpu.memory_space<hbm>>
        tpu.enqueue_dma source(%dma_start3A_101 : memref<80xi32, #tpu.memory_space<hbm>>) target(%dma_start3A_100 : memref<80xi32, #tpu.memory_space<vmem>>) target_semaphore(%arg12 : memref<!tpu.dma_semaphore, #tpu.memory_space<semaphore_mem>>)
      } else {
      }
    }
    %scan3A_22 = arith.constant 2 : i32
    %eq3A = arith.constant 0 : i32
    %eq3A_23 = arith.cmpi eq, %arg0, %eq3A : i32
    %convert_element_type3A_24 = arith.extui %eq3A_23 : i1 to i32
    %cond3A_25 = arith.constant 0 : i32
    %cond3A_26 = arith.cmpi ne, %convert_element_type3A_24, %cond3A_25 : i32
    scf.if %cond3A_26 {
      "tpu.region"() ({
        %run_scoped3A = tpu.sem_alloc : memref<!tpu.dma_semaphore, #tpu.memory_space<semaphore_mem>>
        %dma_start3A = arith.constant 0 : i32
        %dma_start3A_32 = arith.constant 0 : i32
        %dma_start3A_33 = tpu.memref_slice %arg4[%arg1, %dma_start3A, %dma_start3A_32] : memref<16x64x272xf32, #tpu.memory_space<hbm>> -> memref<1x64x272xf32, #tpu.memory_space<hbm>>
        %dma_start3A_34 = tpu.memref_squeeze %dma_start3A_33 : memref<1x64x272xf32, #tpu.memory_space<hbm>> -> memref<64x272xf32, #tpu.memory_space<hbm>>
        %dma_start3A_35 = arith.constant 0 : i32
        %dma_start3A_36 = arith.constant 0 : i32
        %dma_start3A_37 = tpu.memref_slice %arg4[%arg1, %dma_start3A_35, %dma_start3A_36] : memref<16x64x272xf32, #tpu.memory_space<hbm>> -> memref<1x64x272xf32, #tpu.memory_space<hbm>>
        %dma_start3A_38 = tpu.memref_squeeze %dma_start3A_37 : memref<1x64x272xf32, #tpu.memory_space<hbm>> -> memref<64x272xf32, #tpu.memory_space<hbm>>
        tpu.enqueue_dma source(%arg8 : memref<64x272xf32, #tpu.memory_space<vmem>>) target(%dma_start3A_38 : memref<64x272xf32, #tpu.memory_space<hbm>>) target_semaphore(%run_scoped3A : memref<!tpu.dma_semaphore, #tpu.memory_space<semaphore_mem>>)
        %dma_wait3A = arith.constant 0 : i32
        %dma_wait3A_39 = arith.constant 0 : i32
        %dma_wait3A_40 = tpu.memref_slice %arg4[%arg1, %dma_wait3A, %dma_wait3A_39] : memref<16x64x272xf32, #tpu.memory_space<hbm>> -> memref<1x64x272xf32, #tpu.memory_space<hbm>>
        %dma_wait3A_41 = tpu.memref_squeeze %dma_wait3A_40 : memref<1x64x272xf32, #tpu.memory_space<hbm>> -> memref<64x272xf32, #tpu.memory_space<hbm>>
        %dma_wait3A_42 = arith.constant 0 : i32
        %dma_wait3A_43 = arith.constant 0 : i32
        %dma_wait3A_44 = tpu.memref_slice %arg4[%arg1, %dma_wait3A_42, %dma_wait3A_43] : memref<16x64x272xf32, #tpu.memory_space<hbm>> -> memref<1x64x272xf32, #tpu.memory_space<hbm>>
        %dma_wait3A_45 = tpu.memref_squeeze %dma_wait3A_44 : memref<1x64x272xf32, #tpu.memory_space<hbm>> -> memref<64x272xf32, #tpu.memory_space<hbm>>
        tpu.wait_dma2 semaphore(%run_scoped3A : memref<!tpu.dma_semaphore, #tpu.memory_space<semaphore_mem>>) src(%arg8 : memref<64x272xf32, #tpu.memory_space<vmem>>) dst(%dma_wait3A_45 : memref<64x272xf32, #tpu.memory_space<hbm>>)
        tpu.yield
      }) : () -> ()
    } else {
    }
    %eq3A_27 = arith.constant 1 : i32
    %eq3A_28 = arith.cmpi eq, %arg0, %eq3A_27 : i32
    %convert_element_type3A_29 = arith.extui %eq3A_28 : i1 to i32
    %cond3A_30 = arith.constant 0 : i32
    %cond3A_31 = arith.cmpi ne, %convert_element_type3A_29, %cond3A_30 : i32
    scf.if %cond3A_31 {
      "tpu.region"() ({
        %run_scoped3A = tpu.sem_alloc : memref<!tpu.dma_semaphore, #tpu.memory_space<semaphore_mem>>
        %dma_start3A = arith.constant 0 : i32
        %dma_start3A_32 = arith.constant 0 : i32
        %dma_start3A_33 = tpu.memref_slice %arg5[%arg1, %dma_start3A, %dma_start3A_32] : memref<16x64x272xf32, #tpu.memory_space<hbm>> -> memref<1x64x272xf32, #tpu.memory_space<hbm>>
        %dma_start3A_34 = tpu.memref_squeeze %dma_start3A_33 : memref<1x64x272xf32, #tpu.memory_space<hbm>> -> memref<64x272xf32, #tpu.memory_space<hbm>>
        %dma_start3A_35 = arith.constant 0 : i32
        %dma_start3A_36 = arith.constant 0 : i32
        %dma_start3A_37 = tpu.memref_slice %arg5[%arg1, %dma_start3A_35, %dma_start3A_36] : memref<16x64x272xf32, #tpu.memory_space<hbm>> -> memref<1x64x272xf32, #tpu.memory_space<hbm>>
        %dma_start3A_38 = tpu.memref_squeeze %dma_start3A_37 : memref<1x64x272xf32, #tpu.memory_space<hbm>> -> memref<64x272xf32, #tpu.memory_space<hbm>>
        tpu.enqueue_dma source(%arg8 : memref<64x272xf32, #tpu.memory_space<vmem>>) target(%dma_start3A_38 : memref<64x272xf32, #tpu.memory_space<hbm>>) target_semaphore(%run_scoped3A : memref<!tpu.dma_semaphore, #tpu.memory_space<semaphore_mem>>)
        %dma_wait3A = arith.constant 0 : i32
        %dma_wait3A_39 = arith.constant 0 : i32
        %dma_wait3A_40 = tpu.memref_slice %arg5[%arg1, %dma_wait3A, %dma_wait3A_39] : memref<16x64x272xf32, #tpu.memory_space<hbm>> -> memref<1x64x272xf32, #tpu.memory_space<hbm>>
        %dma_wait3A_41 = tpu.memref_squeeze %dma_wait3A_40 : memref<1x64x272xf32, #tpu.memory_space<hbm>> -> memref<64x272xf32, #tpu.memory_space<hbm>>
        %dma_wait3A_42 = arith.constant 0 : i32
        %dma_wait3A_43 = arith.constant 0 : i32
        %dma_wait3A_44 = tpu.memref_slice %arg5[%arg1, %dma_wait3A_42, %dma_wait3A_43] : memref<16x64x272xf32, #tpu.memory_space<hbm>> -> memref<1x64x272xf32, #tpu.memory_space<hbm>>
        %dma_wait3A_45 = tpu.memref_squeeze %dma_wait3A_44 : memref<1x64x272xf32, #tpu.memory_space<hbm>> -> memref<64x272xf32, #tpu.memory_space<hbm>>
        tpu.wait_dma2 semaphore(%run_scoped3A : memref<!tpu.dma_semaphore, #tpu.memory_space<semaphore_mem>>) src(%arg8 : memref<64x272xf32, #tpu.memory_space<vmem>>) dst(%dma_wait3A_45 : memref<64x272xf32, #tpu.memory_space<hbm>>)
        tpu.yield
      }) : () -> ()
    } else {
    }
    return
  }
}

module attributes {stable_mosaic.version = 14 : i64} {
  func.func @_pool_linear_tc(%arg0: memref<16x64x272xf32, #tpu.memory_space<vmem>>, %arg1: memref<16x64x272xf32, #tpu.memory_space<vmem>>, %arg2: memref<16x256xf32, #tpu.memory_space<vmem>>, %arg3: memref<16x1xf32, #tpu.memory_space<vmem>>, %arg4: memref<10x64xf32, #tpu.memory_space<vmem>>) attributes {dimension_semantics = [], scalar_prefetch = 0 : i64, scratch_operands = 0 : i64, tpu.core_type = #tpu.core_type<tc>} {
    %get3A = arith.constant 0 : index
    %get3A_0 = arith.constant 0 : index
    %get3A_1 = arith.constant 0 : index
    %get3A_2 = vector.load %arg0[%get3A, %get3A_0, %get3A_1] : memref<16x64x272xf32, #tpu.memory_space<vmem>>, vector<16x64x272xf32>
    %reduce_sum3A = arith.constant dense<0.000000e+00> : vector<64x272xf32>
    %reduce_sum3A_3 = vector.multi_reduction <add>, %get3A_2, %reduce_sum3A [0] : vector<16x64x272xf32> to vector<64x272xf32>
    %get3A_4 = arith.constant 0 : index
    %get3A_5 = arith.constant 0 : index
    %get3A_6 = arith.constant 0 : index
    %get3A_7 = vector.load %arg1[%get3A_4, %get3A_5, %get3A_6] : memref<16x64x272xf32, #tpu.memory_space<vmem>>, vector<16x64x272xf32>
    %reduce_sum3A_8 = arith.constant dense<0.000000e+00> : vector<64x272xf32>
    %reduce_sum3A_9 = vector.multi_reduction <add>, %get3A_7, %reduce_sum3A_8 [0] : vector<16x64x272xf32> to vector<64x272xf32>
    %add3A = arith.addf %reduce_sum3A_3, %reduce_sum3A_9 : vector<64x272xf32>
    %slice3A = vector.extract_strided_slice %add3A {offsets = [0, 256], sizes = [64, 1], strides = [1, 1]} : vector<64x272xf32> to vector<64x1xf32>
    %jit3A = arith.constant 1.000000e+00 : f32
    %max3A = vector.broadcast %jit3A : f32 to vector<64x1xf32>
    %max3A_10 = arith.maximumf %max3A, %slice3A : vector<64x1xf32>
    %slice3A_11 = vector.extract_strided_slice %add3A {offsets = [0, 0], sizes = [64, 256], strides = [1, 1]} : vector<64x272xf32> to vector<64x256xf32>
    %div3A = vector.broadcast %max3A_10 : vector<64x1xf32> to vector<64x256xf32>
    %div3A_12 = arith.divf %slice3A_11, %div3A : vector<64x256xf32>
    %get3A_13 = arith.constant 0 : index
    %get3A_14 = arith.constant 0 : index
    %get3A_15 = vector.load %arg2[%get3A_13, %get3A_14] : memref<16x256xf32, #tpu.memory_space<vmem>>, vector<16x256xf32>
    %dot_general3A = arith.constant dense<0.000000e+00> : vector<16x64xf32>
    %dot_general3A_16 = tpu.matmul %get3A_15, %div3A_12, %dot_general3A {dimension_numbers = #tpu.dot_dimension_numbers<[1], [1], [0], [0], [0, 0, 1, 0], [], []>, transpose_lhs_hint = false} : vector<16x256xf32>, vector<64x256xf32>, vector<16x64xf32> -> vector<16x64xf32>
    %get3A_17 = arith.constant 0 : index
    %get3A_18 = arith.constant 0 : index
    %get3A_19 = vector.load %arg3[%get3A_17, %get3A_18] : memref<16x1xf32, #tpu.memory_space<vmem>>, vector<16x1xf32>
    %add3A_20 = vector.broadcast %get3A_19 : vector<16x1xf32> to vector<16x64xf32>
    %add3A_21 = arith.addf %dot_general3A_16, %add3A_20 : vector<16x64xf32>
    %slice3A_22 = vector.extract_strided_slice %add3A_21 {offsets = [0, 0], sizes = [10, 64], strides = [1, 1]} : vector<16x64xf32> to vector<10x64xf32>
    %swap3A = arith.constant 0 : index
    %swap3A_23 = arith.constant 0 : index
    %swap3A_24 = vector.load %arg4[%swap3A, %swap3A_23] : memref<10x64xf32, #tpu.memory_space<vmem>>, vector<10x64xf32>
    tpu.vector_store %arg4[%swap3A, %swap3A_23], %slice3A_22 {strides = array<i32>} : memref<10x64xf32, #tpu.memory_space<vmem>>, vector<10x64xf32>,
    return
  }
}

</mosaic_0001>

<sc_bundles>
// kernel: kernel.4.cloned.1.call-start
scs
__scs_entry_jumppad:
0x0: {  	(pc) =	sbr.rel $0x88, $3  }
0x1: {  	(tag) =	ssettag $0x0;
	lr =	simm.s32 $0x1  }
0x2: {  	[smem:$0x3F9D] =	sst lr;
	_ =	strace $0xD0000000  }
0x3: {  	_ = 	snop  }
0x4: {  	_ = 	snop  }
0x5: {  	_ = 	snop  }
0x6: {  	_ = 	snop  }
0x7: {  	_ = 	snop  }
__scs_overlays_trampoline_lowered:
0x8: {  	[smem:$0x3FAC] =	sst s0  }
0x9: {  	[smem:$0x3FAD] =	sst s1  }
0xa: {  	[smem:$0x3FAE] =	sst s2  }
0xb: {  	[smem:$0x3FAF] =	sst s3  }
0xc: {  	[smem:$0x3FB0] =	sst s4  }
0xd: {  	[smem:$0x3FB1] =	sst s5  }
0xe: {  	[smem:$0x3FB2] =	sst s6  }
0xf: {  	[smem:$0x3FB3] =	sst s7  }
0x10: {  	[smem:$0x3FB4] =	sst s8  }
0x11: {  	[smem:$0x3FB5] =	sst s9;
	s0 =	simm.s32 @!p0 $0x0  }
0x12: {  	s1 =	sld [smem:$0x3F9B];
	s0 =	simm.s32 @p0 $0x1  }
0x13: {  	[smem:$0x3FB6] =	sst s0;
	s0 =	simm.s32 @!p1 $0x0  }
0x14: {  	s2 =	sld [smem:$0x3F9A];
	s0 =	simm.s32 @p1 $0x1  }
0x15: {  	[smem:$0x3FB7] =	sst s0;
	s0 =	simm.s32 @!p2 $0x0  }
0x16: {  	s3 =	sld [smem:$0x3FDB];
	s0 =	simm.s32 @p2 $0x1  }
0x17: {  	s4 =	simm.s32 $0x1BF5;
	[smem:$0x3FB9] =	sst s0  }
0x18: {  	s0 =	sld [smem:$0x3F9C];
	_ =	swait.ge [sflag:s4], $0x0  }
0x19: {  	s7 =	sld [smem:$0x3F9D]  }
0x1a: {  	s8 =	sadd.s32 $0xFFFFE003, lr  }
0x1b: {  	s9 =	sadd.s32 $0xFFFFFEF7, lr;
	s5 =	simm.s32 $0xFFFFFFFF;
	p2 =	slt.u32 s8, $0xFFFFF086  }
0x1c: {  	p1 =	slt.u32 s9, $0xF7A;
	s5 =	simm.s32 @!p2 $0x0  }
0x1d: {  	s5 =	simm.s32 @p1 $0x1;
	p0 =	seq.s32 s7, s2  }
0x1e: {  	s7 =	smul.u32 @!p0 $0xF7A, s2;
	p2 =	seq.s32 @!p0 s5, $0x0  }
0x1f: {  	s9 =	smul.u32 $0xF7A, s1;
	s8 =	simm.s32 @!p0 $0x1BF5;
	p2 =	por !p2, p0  }
0x20: {  	[sflag:s8] =	ssyncset.s32 @!p0 $0xFFFFF086;
	s6 =	sadd.s32 @!p0 s3, s7;
	s7 =	simm.s32 @!p0 $0x108  }
0x21: {  	s3 =	sadd.s32 s3, s9;
	s6 =	sadd.s32 @!p0 $0x88, s6;
	s7 =	simm.s32 @p2 $0x1082  }
0x22: {  	[simem:s7], [sflag:s8] =	dma.local @!p0 [hbm:s6], $0xF7A  }
0x23: {  	s9 =	sor.u32 $0xD0000000, s2;
	s6 =	simm.s32 $0x108;
	_ =	swait.ge @!p0 [sflag:s8], $0x0  }
0x24: {  	s3 =	sadd.s32 $0x88, s3;
	s6 =	simm.s32 @!p1 $0x1082;
	[sflag:s4] =	ssyncset.s32 $0xFFFFF086  }
0x25: {  	[simem:s6], [sflag:s4] =	dma.local [hbm:s3], $0xF7A  }
0x26: {  	[smem:$0x3F9D] =	sst s1;
	(tag) =	ssettag s2;
	_ =	strace s9  }
0x27: {  	s1 =	sld [smem:$0x3FAD]  }
0x28: {  	s2 =	sld [smem:$0x3FAE]  }
0x29: {  	s4 =	sld [smem:$0x3FB0]  }
0x2a: {  	p0 =	seq.s32 s5, $0x0;
	s5 =	sld [smem:$0x3FB1]  }
0x2b: {  	s6 =	sld [smem:$0x3FB2]  }
0x2c: {  	s7 =	sld [smem:$0x3FB3]  }
0x2d: {  	s3 =	simm.s32 $0x108;
	s8 =	sld [smem:$0x3FB4]  }
0x2e: {  	s3 =	simm.s32 @!p0 $0x1082;
	s9 =	sld [smem:$0x3FB5]  }
0x2f: {  	lr =	sadd.s32 s0, s3;
	s0 =	sld [smem:$0x3FAC]  }
0x30: {  	s3 =	sld [smem:$0x3FAF]  }
0x31: {  	[smem:$0x3FB8] =	sst s10  }
0x32: {  	s10 =	sld [smem:$0x3FB6];
	_ =	sdelay $0x3  }
0x33: {  	p0 =	seq.s32 s10, $0x1;
	s10 =	sld [smem:$0x3FB8];
	_ =	sdelay $0x3  }
0x34: {  	[smem:$0x3FB8] =	sst s10  }
0x35: {  	s10 =	sld [smem:$0x3FB7];
	_ =	sdelay $0x3  }
0x36: {  	p1 =	seq.s32 s10, $0x1;
	s10 =	sld [smem:$0x3FB8];
	_ =	sdelay $0x3  }
0x37: {  	[smem:$0x3FB8] =	sst s10  }
0x38: {  	s10 =	sld [smem:$0x3FB9]  }
0x39: {  	_ = 	snop;
	(pc) =	sbr.ind lr, $3  }
0x3a: {  	_ = 	snop  }
0x3b: {  	_ = 	snop  }
0x3c: {  	p2 =	seq.s32 s10, $0x1;
	s10 =	sld [smem:$0x3FB8]  }
0x3d: {  	_ =	shalt  }
0x3e: {  	_ =	shalt  }
0x3f: {  	_ =	shalt  }
0x40: {  	_ =	shalt  }
0x41: {  	_ =	shalt  }
0x42: {  	_ =	shalt  }
0x43: {  	_ =	shalt  }
0x44: {  	_ =	shalt  }
0x45: {  	_ =	shalt  }
0x46: {  	_ =	shalt  }
0x47: {  	_ =	shalt  }
0x48: {  	_ =	shalt  }
0x49: {  	_ =	shalt  }
0x4a: {  	_ =	shalt  }
0x4b: {  	_ =	shalt  }
0x4c: {  	_ =	shalt  }
0x4d: {  	_ =	shalt  }
0x4e: {  	_ =	shalt  }
0x4f: {  	_ =	shalt  }
0x50: {  	_ =	shalt  }
0x51: {  	_ =	shalt  }
0x52: {  	_ =	shalt  }
0x53: {  	_ =	shalt  }
0x54: {  	_ =	shalt  }
0x55: {  	_ =	shalt  }
0x56: {  	_ =	shalt  }
0x57: {  	_ =	shalt  }
0x58: {  	_ =	shalt  }
0x59: {  	_ =	shalt  }
0x5a: {  	_ =	shalt  }
0x5b: {  	_ =	shalt  }
0x5c: {  	_ =	shalt  }
0x5d: {  	_ =	shalt  }
0x5e: {  	_ =	shalt  }
0x5f: {  	_ =	shalt  }
0x60: {  	_ =	shalt  }
0x61: {  	_ =	shalt  }
0x62: {  	_ =	shalt  }
0x63: {  	_ =	shalt  }
0x64: {  	_ =	shalt  }
0x65: {  	_ =	shalt  }
0x66: {  	_ =	shalt  }
0x67: {  	_ =	shalt  }
0x68: {  	_ =	shalt  }
0x69: {  	_ =	shalt  }
0x6a: {  	_ =	shalt  }
0x6b: {  	_ =	shalt  }
0x6c: {  	_ =	shalt  }
0x6d: {  	_ =	shalt  }
0x6e: {  	_ =	shalt  }
0x6f: {  	_ =	shalt  }
0x70: {  	_ =	shalt  }
0x71: {  	_ =	shalt  }
0x72: {  	_ =	shalt  }
0x73: {  	_ =	shalt  }
0x74: {  	_ =	shalt  }
0x75: {  	_ =	shalt  }
0x76: {  	_ =	shalt  }
0x77: {  	_ =	shalt  }
0x78: {  	_ =	shalt  }
0x79: {  	_ =	shalt  }
0x7a: {  	_ =	shalt  }
0x7b: {  	_ =	shalt  }
0x7c: {  	_ =	shalt  }
0x7d: {  	_ =	shalt  }
0x7e: {  	_ =	shalt  }
0x7f: {  	_ =	shalt  }
0x80: {  	_ =	shalt  }
0x81: {  	_ =	shalt  }
0x82: {  	_ =	shalt  }
0x83: {  	_ =	shalt  }
0x84: {  	_ =	shalt  }
0x85: {  	_ =	shalt  }
0x86: {  	_ =	shalt  }
0x87: {  	_ =	shalt  }
.Lfunc_end0:
.L_simem_size_0:
called_computation_lowered:
.L_overlay_start_0:
0x88: {  	s2 =	sld [smem:$0x3FD9]  }
0x89: {  	s3 =	sld [smem:$0x3FFE];
	_ =	sdelay $0x1  }
0x8a: {  	s1 =	srdreg.scid  }
0x8b: {  	s0 =	sand.u32 $0x1, s1  }
0x8c: {  	s17 =	sshll.u32 s0, $0xA;
	s2 =	sadd.s32 s3, s2  }
0x8d: {  	s2 =	sadd.s32 s2, s17  }
0x8e: {  	[smem:$0x3FC4] =	sst s2  }
0x8f: {  	_ = 	snop  }
0x90: {  	s2 =	sld [smem:$0x3FC9]  }
0x91: {  	s18 =	sld [smem:$0x3FC8];
	(tm) =	ssettm $0x1  }
0x92: {  	s4 =	sld [smem:$0x3FFB];
	_ =	sdelay $0x3  }
0x93: {  	_ =	strace s4  }
0x94: {  	s4 =	sld [smem:$0x3FFC];
	_ =	sdelay $0x3  }
0x95: {  	_ =	strace s4  }
0x96: {  	s4 =	sld [smem:$0x3FFD];
	_ =	sdelay $0x3  }
0x97: {  	_ =	strace s4  }
0x98: {  	_ =	strace $0x8FFFFFFF  }
0x99: {  	s19 =	sld [smem:$0x3FDB];
	_ =	sdelay $0x1  }
0x9a: {  	s5 =	simm.s32 $_scs_section_size  }
0x9b: {  	s6 =	simm.s32 $_size__tile_overlayer_lowered;
	s7 =	simm.s32 $_tile_overlayer_lowered  }
0x9c: {  	s22 =	simm.s32 $0x1BFF;
	s21 =	sshll.u32 s7, $0x1;
	s4 =	sadd.s32 s5, s19  }
0x9d: {  	s8 =	simm.s32 $0x0;
	s20 =	sshll.u32 s6, $0x1;
	s6 =	sadd.s32 s21, s4  }
0x9e: {  	[timem:s8], [sflag:s22] =	dma.local [hbm:s6], s20  }
0x9f: {  	_ =	swait.ge [sflag:s22], s20  }
0xa0: {  	s5 =	ssub.s32 $0x0, s20;
	[sflag:s22] =	ssyncset.done $0x0  }
0xa1: {  	[sflag:s22] =	ssyncadd.s32 s5;
	_ =	sdelay $0x1  }
0xa2: {  	s23 =	simm.s32 $0x1B8B  }
0xa3: {  	_ =	swait.ge [sflag:s23], $0x1  }
0xa4: {  	[sflag:s23] =	ssyncset.done $0x0  }
0xa5: {  	s25 =	simm.s32 $0x1B8E;
	s24 =	sld [smem:$0x3FFE];
	[sflag:s23] =	ssyncadd.s32 $0xFFFFFFFF  }
0xa6: {  	s26 =	simm.s32 $execute0_lowered;
	[smem:$0x3FD2] =	sst s25  }
0xa7: {  	s6 =	sshll.u32 s26, $0x1;
	_ =	strace $0x80000046;
	[dreg:$0x1] =	wrdreg $0xFFFFFFFF  }
0xa8: {  	s28 =	simm.s32 $_size_execute0_lowered;
	s4 =	sadd.s32 s4, s6;
	[dreg:$0x0] =	wrdreg $0x0  }
0xa9: {  	s6 =	sshll.u32 s28, $0x1;
	[dreg:$0x2] =	wrdreg s4  }
0xaa: {  	[dreg:$0x3] =	wrdreg s6  }
0xab: {  	[dreg:$0x4] =	wrdreg $0xC0  }
0xac: {  	_ =	task [dreg:s8], $0x5FFFF  }
0xad: {  	[dreg:$0x1] =	wrdreg $0xFFFFFFFF  }
0xae: {  	[dreg:$0x0] =	wrdreg $0x60  }
0xaf: {  	[dreg:$0x2] =	wrdreg s2  }
0xb0: {  	[dreg:$0x3] =	wrdreg s18  }
0xb1: {  	[dreg:$0x4] =	wrdreg s24  }
0xb2: {  	[dreg:$0x5] =	wrdreg $0x9  }
0xb3: {  	_ =	task.clear_ibuf [dreg:s8], $0x6FFFF;
	_ =	strace $0x90000046  }
0xb4: {  	s29 =	simm.s32 $0x9;
	_ =	strace $0x80000048  }
0xb5: {  	_ =	swait.ge [sflag:s29], $0x1  }
0xb6: {  	[sflag:s29] =	ssyncadd.s32 $0xFFFFFFFF  }
0xb7: {  	_ =	strace $0x90000048  }
0xb8: {  	_ =	sfence  }
0xb9: {  	s30 =	sld [smem:$0x0];
	_ =	sdelay $0x2  }
0xba: {  	s31 =	sshll.u32 s1, $0xD;
	s1 =	sshrl.u32 s1, $0x2  }
0xbb: {  	s3 =	sand.u32 $0x4000, s31;
	s1 =	sadd.s32 s1, s30  }
0xbc: {  	s0 =	sor.u32 s3, s0;
	s1 =	sshll.u32 s1, $0x11  }
0xbd: {  	s0 =	sor.u32 s1, s0  }
0xbe: {  	s0 =	sadd.s32 $0x8F2B, s0  }
0xbf: {  	[sflag:s0] =	ssyncadd.remote.s32 $0x1  }
0xc0: {  	_ =	sfence.sel $0xFFFF  }
0xc1: {  	[dreg:$0x0] =	wrdreg $0xFFFFFFFF;
	(pc) =	sbr.abs _section_cstart, $3  }
0xc2: {  	[dreg:$0x1] =	wrdreg $0xFFFFFFFF  }
0xc3: {  	_ =	task.clear_ibuf [dreg:s8], $0x2FFFF;
	_ =	strace $0x9FFFFFFF  }
0xc4: {  	(tm) =	ssettm $0x7FFFFFFF  }
0xc5: {  	_ =	shalt  }
tec
execute0_lowered:
.L_overlay_start_1:
0x0: {  	(tag) =	ssettag $0x1  }
0x1: {  	s1 =	rddreg [dreg:$0x0]  }
0x2: {  	s0 =	srdreg.scid;
	s3 =	rddreg [dreg:$0x1]  }
0x3: {  	s11 =	stileid.u32;
	s4 =	rddreg [dreg:$0x2];
	s12 =	simm.s32 $0x0  }
0x4: {  	s17 =	simm.s32 $0x1;
	s18 =	simm.s32 $0x3;
	s19 =	simm.s32 $0x2  }
0x5: {  	s20 =	simm.s32 $0x4;
	s22 =	simm.s32 $0x5;
	s23 =	simm.s32 $0x0  }
0x6: {  	s0 =	sand.u32 $0x1, s0;
	[smem:$0x7FF] =	sst s12;
	s30 =	smul.u32 $0xC00, s11  }
0x7: {  	s2 =	sshll.u32 s0, $0x4;
	s6 =	ssub.s32 $0x2, s0;
	_ =	strace $0x80000047  }
0x8: {  	p0 =	seq.s32 s0, $0x1;
	s0 =	simm.s32 $0xD000;
	s2 =	sor.u32 s11, s2  }
0x9: {  	s9 =	sshrl.u32 s6, $0x1;
	s0 =	simm.s32 @!p0 $0x1000;
	s5 =	smul.u32 $0xA00, s2  }
0xa: {  	s7 =	smul.u32 $0xA, s2;
	s8 =	sor.u32 $0x20, s2;
	s6 =	ssub.s32 s6, s9  }
0xb: {  	s9 =	sor.u32 $0x40, s2;
	s10 =	smul.u32 $0xA00, s8;
	s31 =	smax.u32 s6, $0x1  }
.Ltmp0:
0xc: {  	s5 =	sadd.s32 s1, s5;
	[dreg:$0x8] =	wrdreg s31;
	(pc) =	sbr.rel .LBB2_1-.Ltmp0, $4  }
0xd: {  	s8 =	smul.u32 $0xA, s8;
	s26 =	sadd.s32 s3, s7;
	[dreg:$0x4] =	wrdreg s5  }
0xe: {  	s11 =	ssub.s32 $0x5D, s2;
	[dreg:$0x5] =	wrdreg s26;
	s28 =	sadd.s32 s1, s10  }
0xf: {  	v0 =	vimm.f32 $0.0e+00;
	vm0 =	vcmask $0x300;
	s0 =	sadd.s32 s0, s4;
	s29 =	sadd.s32 s3, s8;
	[dreg:$0x6] =	wrdreg s28  }
0x10: {  	v1 =	vsel vm0, $0x41800000, v0;
	v2 =	vsel vm0, $0x3F800000, v0;
	s13 =	sadd.s32 s0, s30;
	s10 =	sor.u32 $0x60, s2;
	[dreg:$0x7] =	wrdreg s29  }
.LBB2_84:
0x11: {  	s12 =	simm.s32 $0x0;
	s0 =	simm.s32 $0xA100  }
0x12: {  	[hbm4b:s13+s12] =	stream.linear.scatter [tilespmem:s0], [sflag:$0x5], $0x6000, $0x38;
	[tilespmem:$0x10100] =	vst v63  }
0x13: {  	_ =	swait.ge [sflag:s22], $0x6000  }
0x14: {  	s23 =	sadd.s32 $0x1, s23;
	s31 =	rddreg [dreg:$0x8]  }
0x15: {  	p0 =	sne.s32 s23, s31  }
.Ltmp1:
0x16: {  	_ = 	snop;
	(pc) =	sbr.rel @!p0 .LBB2_85-.Ltmp1, $3  }
0x17: {  	_ =	sdelay $0x1  }
0x18: {  	[sflag:s22] =	ssyncset.done $0x0  }
0x19: {  	[sflag:s22] =	ssyncadd.s32 $0xFFFFA000  }
.LBB2_1:
0x1a: {  	s0 =	simm.s32 $0x0  }
0x1b: {  	s0 =	smul.u32 $0x3000, s0;
	_ =	sdelay $0x1  }
0x1c: {  	s2 =	sand.u32 $0x380, s12;
	s0 =	sshra.s32 s0, $0x2  }
0x1d: {  	s0 =	sor.u32 s2, s0  }
0x1e: {  	[tilespmem:s0+$0xA900] =	vst v0  }
0x1f: {  	[tilespmem:s0+$0xA100] =	vst v0  }
0x20: {  	[tilespmem:s0+$0xA110] =	vst v0  }
0x21: {  	[tilespmem:s0+$0xA120] =	vst v0  }
0x22: {  	[tilespmem:s0+$0xA130] =	vst v0  }
0x23: {  	[tilespmem:s0+$0xA140] =	vst v0  }
0x24: {  	[tilespmem:s0+$0xA150] =	vst v0  }
0x25: {  	[tilespmem:s0+$0xA160] =	vst v0  }
0x26: {  	[tilespmem:s0+$0xA170] =	vst v0  }
0x27: {  	[tilespmem:s0+$0xA500] =	vst v0  }
0x28: {  	[tilespmem:s0+$0xA510] =	vst v0  }
0x29: {  	[tilespmem:s0+$0xA520] =	vst v0  }
0x2a: {  	s5 =	simm.s32 $0x0;
	s4 =	simm.s32 $0x2;
	s2 =	simm.s32 $0x0;
	[tilespmem:s0+$0xA530] =	vst v0  }
.LBB2_2:
0x2b: {  	p0 =	sne.s32 s4, $0x3F;
	s5 =	smul.u32 $0x3000, s5;
	[tilespmem:s0+$0xA540] =	vst v0  }
0x2c: {  	s2 =	sadd.s32 $0x80, s2;
	[tilespmem:s0+$0xA550] =	vst v0  }
0x2d: {  	s6 =	sand.u32 $0x380, s2;
	s5 =	sshra.s32 s5, $0x2;
	[tilespmem:s0+$0xA560] =	vst v0  }
0x2e: {  	[tilespmem:s0+$0xA570] =	vst v0;
	s0 =	sor.u32 s6, s5  }
0x2f: {  	[tilespmem:s0+$0xA900] =	vst v0  }
0x30: {  	[tilespmem:s0+$0xA100] =	vst v0  }
0x31: {  	[tilespmem:s0+$0xA110] =	vst v0  }
0x32: {  	[tilespmem:s0+$0xA120] =	vst v0  }
0x33: {  	[tilespmem:s0+$0xA130] =	vst v0  }
0x34: {  	[tilespmem:s0+$0xA140] =	vst v0  }
0x35: {  	[tilespmem:s0+$0xA150] =	vst v0  }
0x36: {  	[tilespmem:s0+$0xA160] =	vst v0  }
.Ltmp2:
0x37: {  	[tilespmem:s0+$0xA170] =	vst v0;
	(pc) =	sbr.rel @p0 .LBB2_2-.Ltmp2, $4  }
0x38: {  	[tilespmem:s0+$0xA500] =	vst v0  }
0x39: {  	[tilespmem:s0+$0xA510] =	vst v0  }
0x3a: {  	[tilespmem:s0+$0xA520] =	vst v0  }
0x3b: {  	s5 =	sshrl.u32 s4, $0x3;
	s4 =	sadd.s32 $0x1, s4;
	[tilespmem:s0+$0xA530] =	vst v0  }
0x3c: {  	s4 =	smul.u32 $0x3000, s5;
	[tilespmem:s0+$0xA540] =	vst v0  }
0x3d: {  	[tilespmem:s0+$0xA550] =	vst v0;
	s2 =	sadd.s32 $0x80, s2  }
0x3e: {  	[tilespmem:s0+$0xA560] =	vst v0;
	s2 =	sand.u32 $0x380, s2;
	s4 =	sshra.s32 s4, $0x2  }
0x3f: {  	[tilespmem:s0+$0xA570] =	vst v0;
	s2 =	sor.u32 s2, s4  }
0x40: {  	[tilespmem:s2+$0xA900] =	vst v0  }
0x41: {  	[tilespmem:s2+$0xA100] =	vst v0  }
0x42: {  	[tilespmem:s2+$0xA110] =	vst v0  }
0x43: {  	[tilespmem:s2+$0xA120] =	vst v0  }
0x44: {  	[tilespmem:s2+$0xA130] =	vst v0  }
0x45: {  	[tilespmem:s2+$0xA140] =	vst v0  }
0x46: {  	[tilespmem:s2+$0xA150] =	vst v0  }
0x47: {  	[tilespmem:s2+$0xA160] =	vst v0  }
0x48: {  	[tilespmem:s2+$0xA170] =	vst v0  }
0x49: {  	[tilespmem:s2+$0xA500] =	vst v0  }
0x4a: {  	[tilespmem:s2+$0xA510] =	vst v0  }
0x4b: {  	[tilespmem:s2+$0xA520] =	vst v0  }
0x4c: {  	[tilespmem:s2+$0xA530] =	vst v0  }
0x4d: {  	[tilespmem:s2+$0xA540] =	vst v0  }
0x4e: {  	[tilespmem:s2+$0xA550] =	vst v0  }
0x4f: {  	[tilespmem:s2+$0xA560] =	vst v0  }
0x50: {  	s24 =	simm.s32 $0x0;
	s21 =	rddreg [dreg:$0x4];
	[tilespmem:s2+$0xA570] =	vst v0  }
0x51: {  	[tilespmem:s24], [sflag:$0x1] =	stream.linear.gather [hbm4b:s21+s24], $0x5000, $0x38;
	[tilespmem:$0x10100] =	vst v63  }
0x52: {  	s25 =	rddreg [dreg:$0x5];
	s26 =	simm.s32 $0xA000  }
0x53: {  	[tilespmem:s26], [sflag:$0x3] =	stream.linear.gather [hbm4b:s25+s24], $0x50, $0x38;
	[tilespmem:$0x10100] =	vst v63  }
.Ltmp3:
0x54: {  	_ = 	snop;
	(pc) =	sbr.rel .LBB2_4-.Ltmp3, $4  }
0x55: {  	s28 =	rddreg [dreg:$0x6];
	s29 =	simm.s32 $0x5000  }
0x56: {  	[tilespmem:s29], [sflag:$0x2] =	stream.linear.gather [hbm4b:s28+s24], $0x5000, $0x38;
	[tilespmem:$0x10100] =	vst v63  }
0x57: {  	s30 =	rddreg [dreg:$0x7];
	s31 =	simm.s32 $0xA080;
	p1 =	por $0x1, $0x1  }
0x58: {  	[tilespmem:s31], [sflag:$0x4] =	stream.linear.gather [hbm4b:s30+s24], $0x50, $0x38;
	[tilespmem:$0x10100] =	vst v63  }
.LBB2_83:
0x59: {  	s0 =	sadd.s32 s10, s24  }
0x5a: {  	p1 =	sgt.u32 s0, $0x7C  }
0x5b: {  	s2 =	smul.u32 @!p1 $0xA00, s0  }
0x5c: {  	s4 =	simm.s32 @!p1 $0x0;
	s0 =	smul.u32 @!p1 $0xA, s0  }
.Ltmp4:
0x5d: {  	s5 =	simm.s32 @!p1 $0x5000;
	s2 =	sadd.s32 @!p1 s1, s2;
	(pc) =	sbr.rel @!p0 .LBB2_84-.Ltmp4, $4  }
0x5e: {  	[tilespmem:s5], [sflag:$0x2] =	stream.linear.gather @!p1 [hbm4b:s2+s4], $0x5000, $0x38;
	[tilespmem:$0x10100] =	vst v63  }
0x5f: {  	s0 =	sadd.s32 @!p1 s3, s0;
	s2 =	simm.s32 @!p1 $0xA080  }
0x60: {  	[tilespmem:s2], [sflag:$0x4] =	stream.linear.gather @!p1 [hbm4b:s0+s4], $0x50, $0x38;
	[tilespmem:$0x10100] =	vst v63  }
0x61: {  	s24 =	simm.s32 $0x40;
	p1 =	por $0x0, $0x0  }
.LBB2_4:
0x62: {  	_ =	swait.ge [sflag:s17], $0x5000  }
.Ltmp5:
0x63: {  	[sflag:s17] =	ssyncset.done $0x0;
	(pc) =	sbr.rel .LBB2_5-.Ltmp5, $4  }
0x64: {  	[sflag:s17] =	ssyncadd.s32 $0xFFFFB000  }
0x65: {  	_ =	swait.ge [sflag:s18], $0x50  }
0x66: {  	[sflag:s18] =	ssyncset.done $0x0  }
0x67: {  	p0 =	por p1, p1;
	s25 =	simm.s32 $0x0;
	[sflag:s18] =	ssyncadd.s32 $0xFFFFFFB0  }
.LBB2_41:
0x68: {  	v11 =	vld [tilespmem:s14+$0x300]  }
0x69: {  	v12 =	vld [tilespmem:s14+$0x380];
	_ =	sdelay $0x3  }
0x6a: {  	v4 =	vadd.f32 v5, v4  }
0x6b: {  	v62 =	vadd.f32 v9, v7;
	v63 =	vadd.f32 v12, v11;
	_ =	sdelay $0x1  }
0x6c: {  	v4 =	vadd.f32 v4, v8;
	v5 =	vadd.f32 v63, v62;
	_ =	sdelay $0x1  }
0x6d: {  	v6 =	vadd.f32 v10, v6;
	v4 =	vadd.f32 v5, v4;
	_ =	sdelay $0x1  }
0x6e: {  	v4 =	vadd.f32 v4, v6  }
0x6f: {  	[tilespmem:s2+$0x0] =	vst.add.f32.msk $0xffff, v3  }
0x70: {  	s0 =	sadd.s32 s30, s28;
	[tilespmem:s7+$0x0] =	vst.add.f32.msk $0xffff, v4  }
0x71: {  	[tilespmem:s0+$0xA900] =	vst.add.f32.msk $0xffff, v1  }
.LBB2_42:
0x72: {  	s25 =	sadd.s32 $0x1, s25  }
0x73: {  	p1 =	sne.s32 s25, $0x5  }
.Ltmp6:
0x74: {  	_ = 	snop;
	(pc) =	sbr.rel @!p1 .LBB2_43-.Ltmp6, $1  }
0x75: {  	_ =	sdelay $0x3  }
.LBB2_5:
0x76: {  	s0 =	sshll.u32 s25, $0x4  }
0x77: {  	s0 =	sand.u32 $0x3FFFFFF0, s0  }
0x78: {  	v3 =	vld [tilespmem:s0+$0xA000];
	_ =	sdelay $0x4  }
0x79: {  	(v2sf) =	vpush v3, $0x0  }
0x7a: {  	(v2sf) =	vpush v3, $0xF;
	_ =	sdelay $0xd  }
0x7b: {  	s26 =	spop (v2sf)  }
0x7c: {  	s28 =	spop (v2sf)  }
0x7d: {  	p1 =	seq.s32 s26, s28  }
.Ltmp7:
0x7e: {  	_ = 	snop;
	(pc) =	sbr.rel @!p1 .LBB2_6-.Ltmp7, $4  }
0x7f: {  	_ = 	snop  }
0x80: {  	s2 =	sshll.u32 s25, $0xE  }
0x81: {  	s29 =	sshra.s32 s2, $0x2;
	s31 =	sshrl.u32 s26, $0x3;
	s0 =	sshll.u32 s26, $0x7  }
0x82: {  	s26 =	sadd.s32 $0x800, s29;
	s30 =	sand.u32 $0x380, s0;
	s0 =	smul.u32 $0x3000, s31  }
0x83: {  	s4 =	simm.s32 $0x0  }
0x84: {  	s2 =	sand.u32 $0x60, s4;
	s4 =	sand.u32 $0x400, s4  }
0x85: {  	s5 =	sadd.s32 s4, s29;
	s6 =	sor.u32 $0x10, s2  }
0x86: {  	s7 =	sadd.s32 s6, s5  }
0x87: {  	v3 =	vld [tilespmem:s7+$0x0]  }
0x88: {  	v4 =	vld [tilespmem:s7+$0x80]  }
0x89: {  	v5 =	vld [tilespmem:s7+$0x100]  }
0x8a: {  	v6 =	vld [tilespmem:s7+$0x180]  }
0x8b: {  	v7 =	vld [tilespmem:s7+$0x200]  }
0x8c: {  	v8 =	vld [tilespmem:s7+$0x280]  }
0x8d: {  	s8 =	sadd.s32 s4, s26;
	v9 =	vld [tilespmem:s7+$0x300]  }
0x8e: {  	s12 =	sadd.s32 s6, s8;
	v10 =	vld [tilespmem:s7+$0x380]  }
0x8f: {  	v11 =	vld [tilespmem:s12+$0x0]  }
0x90: {  	v12 =	vld [tilespmem:s12+$0x80]  }
0x91: {  	v13 =	vld [tilespmem:s12+$0x100]  }
0x92: {  	v14 =	vld [tilespmem:s12+$0x180]  }
0x93: {  	v15 =	vld [tilespmem:s12+$0x200]  }
0x94: {  	v16 =	vld [tilespmem:s12+$0x280]  }
0x95: {  	v17 =	vld [tilespmem:s12+$0x300]  }
0x96: {  	s5 =	sadd.s32 s2, s5;
	v18 =	vld [tilespmem:s12+$0x380]  }
0x97: {  	v19 =	vld [tilespmem:s5+$0x0]  }
0x98: {  	v20 =	vld [tilespmem:s5+$0x80]  }
0x99: {  	s14 =	sadd.s32 s2, s8;
	v38 =	vld [tilespmem:s5+$0x280]  }
0x9a: {  	v39 =	vld [tilespmem:s14+$0x0]  }
0x9b: {  	v40 =	vld [tilespmem:s14+$0x280];
	v3 =	vadd.f32 v4, v3;
	v4 =	vadd.f32 v6, v5  }
0x9c: {  	v41 =	vld [tilespmem:s14+$0x300];
	v6 =	vadd.f32 v8, v7;
	v7 =	vadd.f32 v10, v9  }
0x9d: {  	v42 =	vld [tilespmem:s14+$0x380];
	v9 =	vadd.f32 v12, v11;
	v10 =	vadd.f32 v14, v13  }
0x9e: {  	v5 =	vld [tilespmem:s5+$0x100];
	v36 =	vadd.f32 v16, v15;
	v37 =	vadd.f32 v18, v17  }
0x9f: {  	v8 =	vld [tilespmem:s5+$0x180];
	v3 =	vadd.f32 v4, v3;
	v4 =	vadd.f32 v7, v6  }
0xa0: {  	v11 =	vld [tilespmem:s5+$0x200];
	v7 =	vadd.f32 v10, v9;
	v9 =	vadd.f32 v37, v36  }
0xa1: {  	s28 =	sshra.s32 s0, $0x2;
	v6 =	vld [tilespmem:s5+$0x300]  }
0xa2: {  	s0 =	sor.u32 s30, s28;
	v10 =	vld [tilespmem:s5+$0x380];
	v3 =	vadd.f32 v4, v3;
	v4 =	vadd.f32 v9, v7  }
0xa3: {  	s31 =	sadd.s32 $0xA100, s0;
	v7 =	vld [tilespmem:s14+$0x80]  }
0xa4: {  	s16 =	simm.s32 $0x100;
	s0 =	sadd.s32 s4, s31;
	v9 =	vld [tilespmem:s14+$0x100];
	v3 =	vadd.f32 v4, v3  }
0xa5: {  	s21 =	simm.s32 $0x20;
	s4 =	sadd.s32 s6, s0;
	s5 =	sand.u32 $0x400, s16;
	v4 =	vld [tilespmem:s14+$0x180]  }
0xa6: {  	s12 =	sadd.s32 s5, s29;
	[tilespmem:s4+$0x0] =	vst.add.f32.msk $0xffff, v3;
	s4 =	sand.u32 $0x60, s21  }
0xa7: {  	v3 =	vld [tilespmem:s14+$0x200];
	s15 =	sor.u32 $0x10, s4;
	s8 =	sadd.s32 s4, s12  }
0xa8: {  	s16 =	sadd.s32 s15, s12;
	v46 =	vld [tilespmem:s8+$0x0]  }
0xa9: {  	v43 =	vld [tilespmem:s16+$0x0]  }
0xaa: {  	v44 =	vld [tilespmem:s16+$0x80]  }
0xab: {  	v21 =	vld [tilespmem:s16+$0x100]  }
0xac: {  	v22 =	vld [tilespmem:s16+$0x180]  }
0xad: {  	v23 =	vld [tilespmem:s16+$0x200]  }
0xae: {  	v24 =	vld [tilespmem:s16+$0x280]  }
0xaf: {  	s14 =	sadd.s32 s5, s26;
	v25 =	vld [tilespmem:s16+$0x300]  }
0xb0: {  	s21 =	sadd.s32 s15, s14;
	v26 =	vld [tilespmem:s16+$0x380]  }
0xb1: {  	v27 =	vld [tilespmem:s21+$0x0]  }
0xb2: {  	v28 =	vld [tilespmem:s21+$0x80]  }
0xb3: {  	v29 =	vld [tilespmem:s21+$0x100]  }
0xb4: {  	v19 =	vadd.f32 v20, v19;
	v5 =	vadd.f32 v8, v5;
	v30 =	vld [tilespmem:s21+$0x180]  }
0xb5: {  	v11 =	vadd.f32 v38, v11;
	v8 =	vld [tilespmem:s21+$0x200]  }
0xb6: {  	v6 =	vadd.f32 v10, v6;
	v5 =	vadd.f32 v5, v19;
	v10 =	vld [tilespmem:s21+$0x280]  }
0xb7: {  	v7 =	vadd.f32 v7, v39;
	v45 =	vld [tilespmem:s21+$0x300];
	v4 =	vadd.f32 v4, v9  }
0xb8: {  	v6 =	vadd.f32 v6, v11;
	v11 =	vadd.f32 v42, v41;
	v9 =	vld [tilespmem:s21+$0x380]  }
0xb9: {  	v49 =	vld [tilespmem:s8+$0x80];
	v3 =	vadd.f32 v40, v3;
	v4 =	vadd.f32 v4, v7  }
0xba: {  	v52 =	vld [tilespmem:s8+$0x100];
	v47 =	vadd.f32 v44, v43;
	v48 =	vadd.f32 v22, v21  }
0xbb: {  	v57 =	vld [tilespmem:s8+$0x280];
	v50 =	vadd.f32 v24, v23;
	v51 =	vadd.f32 v26, v25  }
0xbc: {  	v59 =	vld [tilespmem:s8+$0x300];
	v53 =	vadd.f32 v28, v27;
	v54 =	vadd.f32 v30, v29  }
0xbd: {  	v7 =	vld [tilespmem:s8+$0x380];
	v8 =	vadd.f32 v10, v8;
	v9 =	vadd.f32 v9, v45  }
0xbe: {  	v10 =	vld [tilespmem:s8+$0x200];
	v56 =	vadd.f32 v48, v47;
	v58 =	vadd.f32 v51, v50  }
0xbf: {  	v55 =	vld [tilespmem:s8+$0x180];
	s14 =	sadd.s32 s4, s14;
	v60 =	vadd.f32 v54, v53;
	v8 =	vadd.f32 v9, v8  }
0xc0: {  	v6 =	vadd.f32 v6, v5;
	v61 =	vld [tilespmem:s14+$0x80];
	v3 =	vadd.f32 v11, v3  }
0xc1: {  	v9 =	vld [tilespmem:s14+$0x0];
	v11 =	vadd.f32 v58, v56;
	v8 =	vadd.f32 v8, v60  }
0xc2: {  	v5 =	vld [tilespmem:s14+$0x180];
	v3 =	vadd.f32 v3, v4;
	v63 =	vadd.f32 v7, v59  }
0xc3: {  	s6 =	sadd.s32 s5, s31;
	v4 =	vld [tilespmem:s14+$0x100];
	v10 =	vadd.f32 v57, v10;
	v8 =	vadd.f32 v8, v11  }
0xc4: {  	s5 =	sadd.s32 s15, s6;
	v62 =	vadd.f32 v55, v52;
	v7 =	vld [tilespmem:s14+$0x200];
	v11 =	vadd.f32 v49, v46  }
0xc5: {  	s2 =	sadd.s32 s2, s0;
	s0 =	simm.s32 $0x2;
	v3 =	vadd.f32 v3, v6;
	v10 =	vadd.f32 v63, v10;
	[tilespmem:s5+$0x0] =	vst.add.f32.msk $0xffff, v8  }
0xc6: {  	s7 =	sadd.s32 s4, s6;
	s15 =	simm.s32 $0x200;
	s16 =	simm.s32 $0x40;
	v6 =	vadd.f32 v62, v11;
	v8 =	vadd.f32 v61, v9;
	v9 =	vld [tilespmem:s14+$0x280]  }
.LBB2_40:
0xc7: {  	s21 =	sand.u32 $0x60, s16;
	s5 =	sand.u32 $0x400, s15;
	v11 =	vld [tilespmem:s14+$0x300]  }
0xc8: {  	v4 =	vadd.f32 v5, v4;
	v6 =	vadd.f32 v10, v6;
	s8 =	sadd.s32 s5, s29;
	s4 =	sor.u32 $0x10, s21;
	v5 =	vld [tilespmem:s14+$0x380]  }
0xc9: {  	s6 =	sadd.s32 s21, s8;
	s8 =	sadd.s32 s4, s8;
	[tilespmem:s2+$0x0] =	vst.add.f32.msk $0xffff, v3;
	s2 =	smov.u32 s7  }
0xca: {  	v3 =	vadd.f32 v4, v8;
	v10 =	vld [tilespmem:s8+$0x0]  }
0xcb: {  	v7 =	vadd.f32 v9, v7;
	v4 =	vld [tilespmem:s8+$0x80]  }
0xcc: {  	v8 =	vld [tilespmem:s8+$0x100]  }
0xcd: {  	v9 =	vld [tilespmem:s8+$0x180];
	v5 =	vadd.f32 v5, v11  }
0xce: {  	v11 =	vld [tilespmem:s8+$0x200]  }
0xcf: {  	v12 =	vld [tilespmem:s8+$0x280];
	v5 =	vadd.f32 v5, v7  }
0xd0: {  	s7 =	sadd.s32 s5, s26;
	v7 =	vld [tilespmem:s8+$0x300]  }
0xd1: {  	s14 =	sadd.s32 s21, s7;
	s7 =	sadd.s32 s4, s7;
	v13 =	vld [tilespmem:s8+$0x380];
	v3 =	vadd.f32 v5, v3  }
0xd2: {  	v5 =	vld [tilespmem:s7+$0x0]  }
0xd3: {  	v14 =	vld [tilespmem:s7+$0x80];
	v3 =	vadd.f32 v3, v6  }
0xd4: {  	v6 =	vld [tilespmem:s7+$0x100]  }
0xd5: {  	v15 =	vld [tilespmem:s7+$0x180]  }
0xd6: {  	s0 =	sadd.s32 $0x2, s0;
	v16 =	vld [tilespmem:s7+$0x200]  }
0xd7: {  	p1 =	slt.u32 s0, $0xE;
	v17 =	vld [tilespmem:s7+$0x280]  }
0xd8: {  	v18 =	vld [tilespmem:s7+$0x300]  }
0xd9: {  	v19 =	vld [tilespmem:s7+$0x380]  }
0xda: {  	v20 =	vld [tilespmem:s6+$0x0]  }
0xdb: {  	v4 =	vadd.f32 v4, v10;
	v8 =	vadd.f32 v9, v8;
	v21 =	vld [tilespmem:s6+$0x80]  }
0xdc: {  	v10 =	vadd.f32 v12, v11;
	v7 =	vadd.f32 v13, v7;
	v9 =	vld [tilespmem:s6+$0x100]  }
0xdd: {  	v5 =	vadd.f32 v14, v5;
	v6 =	vadd.f32 v15, v6;
	v11 =	vld [tilespmem:s6+$0x180]  }
0xde: {  	v13 =	vadd.f32 v17, v16;
	v12 =	vld [tilespmem:s6+$0x200];
	v14 =	vadd.f32 v19, v18  }
0xdf: {  	v4 =	vadd.f32 v8, v4;
	v7 =	vadd.f32 v7, v10;
	v15 =	vld [tilespmem:s6+$0x280]  }
0xe0: {  	v5 =	vadd.f32 v6, v5;
	v8 =	vld [tilespmem:s6+$0x300];
	v6 =	vadd.f32 v14, v13  }
0xe1: {  	v10 =	vadd.f32 v21, v20;
	v13 =	vld [tilespmem:s6+$0x380]  }
0xe2: {  	v7 =	vadd.f32 v7, v4;
	v14 =	vld [tilespmem:s14+$0x0];
	v5 =	vadd.f32 v6, v5  }
0xe3: {  	v6 =	vadd.f32 v11, v9;
	v9 =	vld [tilespmem:s14+$0x80]  }
.Ltmp8:
0xe4: {  	s5 =	sadd.s32 s5, s31;
	v11 =	vadd.f32 v15, v12;
	v4 =	vld [tilespmem:s14+$0x100];
	v7 =	vadd.f32 v5, v7;
	(pc) =	sbr.rel @p1 .LBB2_40-.Ltmp8, $4  }
0xe5: {  	s4 =	sadd.s32 s4, s5;
	s7 =	sadd.s32 s21, s5;
	v6 =	vadd.f32 v6, v10;
	v5 =	vld [tilespmem:s14+$0x180]  }
0xe6: {  	v10 =	vadd.f32 v13, v8;
	[tilespmem:s4+$0x0] =	vst.add.f32.msk $0xffff, v7  }
0xe7: {  	v7 =	vld [tilespmem:s14+$0x200]  }
0xe8: {  	s15 =	sadd.s32 $0x100, s15;
	s16 =	sadd.s32 $0x20, s16;
	v8 =	vadd.f32 v9, v14;
	v9 =	vld [tilespmem:s14+$0x280];
	v10 =	vadd.f32 v10, v11  }
.Ltmp9:
0xe9: {  	_ = 	snop;
	(pc) =	sbr.rel .LBB2_41-.Ltmp9, $1  }
0xea: {  	_ =	sdelay $0x3  }
.LBB2_6:
0xeb: {  	_ = 	snop  }
0xec: {  	s2 =	sshra.s32 s0, $0x2  }
0xed: {  	s21 =	simm.s32 $0x0;
	s0 =	sor.u32 s30, s2  }
0xee: {  	s5 =	sand.u32 $0x400, s21;
	s4 =	sadd.s32 $0xA100, s0;
	s0 =	sand.u32 $0x60, s21  }
0xef: {  	s6 =	sadd.s32 s5, s29;
	s8 =	sor.u32 $0x10, s0  }
0xf0: {  	s16 =	sadd.s32 s0, s6;
	s6 =	sadd.s32 s8, s6  }
0xf1: {  	s7 =	simm.s32 $0x2;
	v4 =	vld [tilespmem:s6+$0x0]  }
0xf2: {  	s14 =	simm.s32 $0x100;
	s15 =	simm.s32 $0x20;
	s5 =	sadd.s32 s5, s4  }
0xf3: {  	s21 =	sand.u32 $0x400, s14;
	s31 =	sadd.s32 s8, s5;
	v5 =	vld [tilespmem:s16+$0x0];
	s6 =	sand.u32 $0x60, s15  }
0xf4: {  	s8 =	sadd.s32 s21, s29;
	s21 =	sadd.s32 s21, s4;
	s16 =	sor.u32 $0x10, s6  }
.LBB2_7:
0xf5: {  	s7 =	sadd.s32 $0x2, s7  }
0xf6: {  	s12 =	sadd.s32 s6, s8;
	s8 =	sadd.s32 s16, s8;
	[tilespmem:s31+$0x0] =	vst.add.f32.msk $0xffff, v4;
	p1 =	slt.u32 s7, $0xE  }
.Ltmp10:
0xf7: {  	s0 =	sadd.s32 s0, s5;
	v4 =	vld [tilespmem:s8+$0x0];
	(pc) =	sbr.rel @p1 .LBB2_7-.Ltmp10, $4  }
0xf8: {  	s5 =	smov.u32 s21;
	[tilespmem:s0+$0x0] =	vst.add.f32.msk $0xffff, v5;
	s0 =	smov.u32 s6  }
0xf9: {  	s14 =	sadd.s32 $0x100, s14;
	s15 =	sadd.s32 $0x20, s15;
	v5 =	vld [tilespmem:s12+$0x0]  }
0xfa: {  	s31 =	sadd.s32 s16, s5;
	s6 =	sand.u32 $0x60, s15;
	s12 =	sand.u32 $0x400, s14  }
0xfb: {  	s16 =	sor.u32 $0x10, s6;
	s8 =	sadd.s32 s12, s29;
	s21 =	sadd.s32 s12, s4  }
0xfc: {  	(v2sf) =	vpush v3, $0x1;
	_ =	sdelay $0xd  }
0xfd: {  	s14 =	sadd.s32 s6, s8  }
0xfe: {  	s7 =	sadd.s32 s16, s8;
	v7 =	vld [tilespmem:s14+$0x0];
	s4 =	spop (v2sf)  }
0xff: {  	v6 =	vld [tilespmem:s7+$0x0];
	s12 =	sshrl.u32 s4, $0x3  }
0x100: {  	s5 =	sadd.s32 s0, s5;
	s7 =	sadd.s32 s6, s21;
	s15 =	smul.u32 $0x3000, s12  }
0x101: {  	[tilespmem:s31+$0x0] =	vst.add.f32.msk $0xffff, v4;
	s8 =	sshll.u32 s4, $0x7;
	s12 =	sadd.s32 s16, s21;
	s21 =	simm.s32 $0x0  }
0x102: {  	[tilespmem:s5+$0x0] =	vst.add.f32.msk $0xffff, v5;
	s0 =	sand.u32 $0x380, s8;
	s14 =	sand.u32 $0x400, s21;
	s4 =	sshra.s32 s15, $0x2  }
0x103: {  	[tilespmem:s7+$0x0] =	vst.add.f32.msk $0xffff, v7;
	s15 =	sadd.s32 s30, s2;
	s2 =	sand.u32 $0x60, s21;
	s16 =	sor.u32 s0, s4  }
0x104: {  	[tilespmem:s12+$0x0] =	vst.add.f32.msk $0xffff, v6;
	s12 =	sor.u32 $0x10, s2;
	s5 =	sadd.s32 $0xA100, s16;
	s16 =	sadd.s32 s14, s29  }
0x105: {  	[tilespmem:s15+$0xA900] =	vst.add.f32.msk $0xffff, v2;
	s15 =	simm.s32 $0x100;
	s8 =	sadd.s32 s12, s16  }
0x106: {  	s30 =	sand.u32 $0x400, s15;
	v4 =	vld [tilespmem:s8+$0x80]  }
0x107: {  	s6 =	sadd.s32 s14, s5;
	s21 =	sadd.s32 s2, s16;
	s16 =	simm.s32 $0x20  }
0x108: {  	s14 =	simm.s32 $0x2;
	s7 =	sand.u32 $0x60, s16;
	s31 =	sadd.s32 s12, s6;
	v5 =	vld [tilespmem:s21+$0x80]  }
0x109: {  	s8 =	sadd.s32 s30, s29;
	s30 =	sadd.s32 s30, s5;
	s21 =	sor.u32 $0x10, s7  }
.LBB2_9:
0x10a: {  	s14 =	sadd.s32 $0x2, s14  }
0x10b: {  	s12 =	sadd.s32 s7, s8;
	s8 =	sadd.s32 s21, s8;
	[tilespmem:s31+$0x0] =	vst.add.f32.msk $0xffff, v4;
	p1 =	slt.u32 s14, $0xE  }
.Ltmp11:
0x10c: {  	s2 =	sadd.s32 s2, s6;
	v4 =	vld [tilespmem:s8+$0x80];
	(pc) =	sbr.rel @p1 .LBB2_9-.Ltmp11, $4  }
0x10d: {  	s6 =	smov.u32 s30;
	[tilespmem:s2+$0x0] =	vst.add.f32.msk $0xffff, v5;
	s2 =	smov.u32 s7  }
0x10e: {  	s15 =	sadd.s32 $0x100, s15;
	s16 =	sadd.s32 $0x20, s16;
	v5 =	vld [tilespmem:s12+$0x80]  }
0x10f: {  	s31 =	sadd.s32 s21, s6;
	s7 =	sand.u32 $0x60, s16;
	s12 =	sand.u32 $0x400, s15  }
0x110: {  	s21 =	sor.u32 $0x10, s7;
	s8 =	sadd.s32 s12, s29;
	s30 =	sadd.s32 s12, s5  }
0x111: {  	(v2sf) =	vpush v3, $0x2;
	_ =	sdelay $0xe  }
0x112: {  	s12 =	sadd.s32 s21, s8;
	s5 =	spop (v2sf)  }
0x113: {  	s16 =	sadd.s32 s7, s8;
	v6 =	vld [tilespmem:s12+$0x80];
	s14 =	sshrl.u32 s5, $0x3  }
0x114: {  	v7 =	vld [tilespmem:s16+$0x80];
	s14 =	smul.u32 $0x3000, s14  }
0x115: {  	s6 =	sadd.s32 s2, s6;
	s7 =	sadd.s32 s7, s30;
	s15 =	sshll.u32 s5, $0x7  }
0x116: {  	[tilespmem:s31+$0x0] =	vst.add.f32.msk $0xffff, v4;
	s16 =	sadd.s32 s21, s30;
	s2 =	sand.u32 $0x380, s15;
	s5 =	sshra.s32 s14, $0x2  }
0x117: {  	s21 =	simm.s32 $0x0;
	[tilespmem:s6+$0x0] =	vst.add.f32.msk $0xffff, v5;
	s15 =	sadd.s32 s0, s4;
	s12 =	sor.u32 s2, s5  }
0x118: {  	[tilespmem:s16+$0x0] =	vst.add.f32.msk $0xffff, v6;
	s0 =	sand.u32 $0x60, s21;
	s4 =	sadd.s32 $0xA100, s12;
	s12 =	sand.u32 $0x400, s21  }
0x119: {  	[tilespmem:s7+$0x0] =	vst.add.f32.msk $0xffff, v7;
	s16 =	sadd.s32 s12, s29;
	s6 =	sadd.s32 s12, s4;
	s12 =	sor.u32 $0x10, s0  }
0x11a: {  	[tilespmem:s15+$0xA900] =	vst.add.f32.msk $0xffff, v2;
	s8 =	sadd.s32 s12, s16  }
0x11b: {  	s15 =	simm.s32 $0x100;
	v4 =	vld [tilespmem:s8+$0x100]  }
0x11c: {  	s14 =	simm.s32 $0x2;
	s21 =	sadd.s32 s0, s16;
	s16 =	simm.s32 $0x20  }
0x11d: {  	s30 =	sand.u32 $0x400, s15;
	s31 =	sadd.s32 s12, s6;
	s7 =	sand.u32 $0x60, s16;
	v5 =	vld [tilespmem:s21+$0x100]  }
0x11e: {  	s8 =	sadd.s32 s30, s29;
	s30 =	sadd.s32 s30, s4;
	s21 =	sor.u32 $0x10, s7  }
.LBB2_11:
0x11f: {  	s14 =	sadd.s32 $0x2, s14  }
0x120: {  	s12 =	sadd.s32 s7, s8;
	s8 =	sadd.s32 s21, s8;
	[tilespmem:s31+$0x0] =	vst.add.f32.msk $0xffff, v4;
	p1 =	slt.u32 s14, $0xE  }
.Ltmp12:
0x121: {  	s0 =	sadd.s32 s0, s6;
	v4 =	vld [tilespmem:s8+$0x100];
	(pc) =	sbr.rel @p1 .LBB2_11-.Ltmp12, $4  }
0x122: {  	s6 =	smov.u32 s30;
	[tilespmem:s0+$0x0] =	vst.add.f32.msk $0xffff, v5;
	s0 =	smov.u32 s7  }
0x123: {  	s15 =	sadd.s32 $0x100, s15;
	s16 =	sadd.s32 $0x20, s16;
	v5 =	vld [tilespmem:s12+$0x100]  }
0x124: {  	s31 =	sadd.s32 s21, s6;
	s7 =	sand.u32 $0x60, s16;
	s12 =	sand.u32 $0x400, s15  }
0x125: {  	s21 =	sor.u32 $0x10, s7;
	s8 =	sadd.s32 s12, s29;
	s30 =	sadd.s32 s12, s4  }
0x126: {  	(v2sf) =	vpush v3, $0x3;
	_ =	sdelay $0xe  }
0x127: {  	s12 =	sadd.s32 s21, s8;
	s4 =	spop (v2sf)  }
0x128: {  	s16 =	sadd.s32 s7, s8;
	v6 =	vld [tilespmem:s12+$0x100];
	s14 =	sshrl.u32 s4, $0x3  }
0x129: {  	v7 =	vld [tilespmem:s16+$0x100];
	s14 =	smul.u32 $0x3000, s14  }
0x12a: {  	s6 =	sadd.s32 s0, s6;
	s7 =	sadd.s32 s7, s30;
	s15 =	sshll.u32 s4, $0x7  }
0x12b: {  	[tilespmem:s31+$0x0] =	vst.add.f32.msk $0xffff, v4;
	s16 =	sadd.s32 s21, s30;
	s0 =	sand.u32 $0x380, s15;
	s4 =	sshra.s32 s14, $0x2  }
0x12c: {  	s21 =	simm.s32 $0x0;
	[tilespmem:s6+$0x0] =	vst.add.f32.msk $0xffff, v5;
	s15 =	sadd.s32 s2, s5;
	s12 =	sor.u32 s0, s4  }
0x12d: {  	[tilespmem:s16+$0x0] =	vst.add.f32.msk $0xffff, v6;
	s2 =	sand.u32 $0x60, s21;
	s5 =	sadd.s32 $0xA100, s12;
	s12 =	sand.u32 $0x400, s21  }
0x12e: {  	[tilespmem:s7+$0x0] =	vst.add.f32.msk $0xffff, v7;
	s16 =	sadd.s32 s12, s29;
	s6 =	sadd.s32 s12, s5;
	s12 =	sor.u32 $0x10, s2  }
0x12f: {  	[tilespmem:s15+$0xA900] =	vst.add.f32.msk $0xffff, v2;
	s8 =	sadd.s32 s12, s16  }
0x130: {  	s15 =	simm.s32 $0x100;
	v4 =	vld [tilespmem:s8+$0x180]  }
0x131: {  	s14 =	simm.s32 $0x2;
	s21 =	sadd.s32 s2, s16;
	s16 =	simm.s32 $0x20  }
0x132: {  	s30 =	sand.u32 $0x400, s15;
	s31 =	sadd.s32 s12, s6;
	s7 =	sand.u32 $0x60, s16;
	v5 =	vld [tilespmem:s21+$0x180]  }
0x133: {  	s8 =	sadd.s32 s30, s29;
	s30 =	sadd.s32 s30, s5;
	s21 =	sor.u32 $0x10, s7  }
.LBB2_13:
0x134: {  	s14 =	sadd.s32 $0x2, s14  }
0x135: {  	s12 =	sadd.s32 s7, s8;
	s8 =	sadd.s32 s21, s8;
	[tilespmem:s31+$0x0] =	vst.add.f32.msk $0xffff, v4;
	p1 =	slt.u32 s14, $0xE  }
.Ltmp13:
0x136: {  	s2 =	sadd.s32 s2, s6;
	v4 =	vld [tilespmem:s8+$0x180];
	(pc) =	sbr.rel @p1 .LBB2_13-.Ltmp13, $4  }
0x137: {  	s6 =	smov.u32 s30;
	[tilespmem:s2+$0x0] =	vst.add.f32.msk $0xffff, v5;
	s2 =	smov.u32 s7  }
0x138: {  	s15 =	sadd.s32 $0x100, s15;
	s16 =	sadd.s32 $0x20, s16;
	v5 =	vld [tilespmem:s12+$0x180]  }
0x139: {  	s31 =	sadd.s32 s21, s6;
	s7 =	sand.u32 $0x60, s16;
	s12 =	sand.u32 $0x400, s15  }
0x13a: {  	s21 =	sor.u32 $0x10, s7;
	s8 =	sadd.s32 s12, s29;
	s30 =	sadd.s32 s12, s5  }
0x13b: {  	(v2sf) =	vpush v3, $0x4;
	_ =	sdelay $0xe  }
0x13c: {  	s12 =	sadd.s32 s21, s8;
	s5 =	spop (v2sf)  }
0x13d: {  	s16 =	sadd.s32 s7, s8;
	v6 =	vld [tilespmem:s12+$0x180];
	s14 =	sshrl.u32 s5, $0x3  }
0x13e: {  	v7 =	vld [tilespmem:s16+$0x180];
	s14 =	smul.u32 $0x3000, s14  }
0x13f: {  	s6 =	sadd.s32 s2, s6;
	s7 =	sadd.s32 s7, s30;
	s15 =	sshll.u32 s5, $0x7  }
0x140: {  	[tilespmem:s31+$0x0] =	vst.add.f32.msk $0xffff, v4;
	s16 =	sadd.s32 s21, s30;
	s2 =	sand.u32 $0x380, s15;
	s5 =	sshra.s32 s14, $0x2  }
0x141: {  	s21 =	simm.s32 $0x0;
	[tilespmem:s6+$0x0] =	vst.add.f32.msk $0xffff, v5;
	s15 =	sadd.s32 s0, s4;
	s12 =	sor.u32 s2, s5  }
0x142: {  	[tilespmem:s16+$0x0] =	vst.add.f32.msk $0xffff, v6;
	s0 =	sand.u32 $0x60, s21;
	s4 =	sadd.s32 $0xA100, s12;
	s12 =	sand.u32 $0x400, s21  }
0x143: {  	[tilespmem:s7+$0x0] =	vst.add.f32.msk $0xffff, v7;
	s16 =	sadd.s32 s12, s29;
	s6 =	sadd.s32 s12, s4;
	s12 =	sor.u32 $0x10, s0  }
0x144: {  	[tilespmem:s15+$0xA900] =	vst.add.f32.msk $0xffff, v2;
	s8 =	sadd.s32 s12, s16  }
0x145: {  	s15 =	simm.s32 $0x100;
	v4 =	vld [tilespmem:s8+$0x200]  }
0x146: {  	s14 =	simm.s32 $0x2;
	s21 =	sadd.s32 s0, s16;
	s16 =	simm.s32 $0x20  }
0x147: {  	s30 =	sand.u32 $0x400, s15;
	s31 =	sadd.s32 s12, s6;
	s7 =	sand.u32 $0x60, s16;
	v5 =	vld [tilespmem:s21+$0x200]  }
0x148: {  	s8 =	sadd.s32 s30, s29;
	s30 =	sadd.s32 s30, s4;
	s21 =	sor.u32 $0x10, s7  }
.LBB2_15:
0x149: {  	s14 =	sadd.s32 $0x2, s14  }
0x14a: {  	s12 =	sadd.s32 s7, s8;
	s8 =	sadd.s32 s21, s8;
	[tilespmem:s31+$0x0] =	vst.add.f32.msk $0xffff, v4;
	p1 =	slt.u32 s14, $0xE  }
.Ltmp14:
0x14b: {  	s0 =	sadd.s32 s0, s6;
	v4 =	vld [tilespmem:s8+$0x200];
	(pc) =	sbr.rel @p1 .LBB2_15-.Ltmp14, $4  }
0x14c: {  	s6 =	smov.u32 s30;
	[tilespmem:s0+$0x0] =	vst.add.f32.msk $0xffff, v5;
	s0 =	smov.u32 s7  }
0x14d: {  	s15 =	sadd.s32 $0x100, s15;
	s16 =	sadd.s32 $0x20, s16;
	v5 =	vld [tilespmem:s12+$0x200]  }
0x14e: {  	s31 =	sadd.s32 s21, s6;
	s7 =	sand.u32 $0x60, s16;
	s12 =	sand.u32 $0x400, s15  }
0x14f: {  	s21 =	sor.u32 $0x10, s7;
	s8 =	sadd.s32 s12, s29;
	s30 =	sadd.s32 s12, s4  }
0x150: {  	(v2sf) =	vpush v3, $0x5;
	_ =	sdelay $0xe  }
0x151: {  	s12 =	sadd.s32 s21, s8;
	s4 =	spop (v2sf)  }
0x152: {  	s16 =	sadd.s32 s7, s8;
	v6 =	vld [tilespmem:s12+$0x200];
	s14 =	sshrl.u32 s4, $0x3  }
0x153: {  	v7 =	vld [tilespmem:s16+$0x200];
	s14 =	smul.u32 $0x3000, s14  }
0x154: {  	s6 =	sadd.s32 s0, s6;
	s7 =	sadd.s32 s7, s30;
	s15 =	sshll.u32 s4, $0x7  }
0x155: {  	[tilespmem:s31+$0x0] =	vst.add.f32.msk $0xffff, v4;
	s16 =	sadd.s32 s21, s30;
	s0 =	sand.u32 $0x380, s15;
	s4 =	sshra.s32 s14, $0x2  }
0x156: {  	s21 =	simm.s32 $0x0;
	[tilespmem:s6+$0x0] =	vst.add.f32.msk $0xffff, v5;
	s15 =	sadd.s32 s2, s5;
	s12 =	sor.u32 s0, s4  }
0x157: {  	[tilespmem:s16+$0x0] =	vst.add.f32.msk $0xffff, v6;
	s2 =	sand.u32 $0x60, s21;
	s5 =	sadd.s32 $0xA100, s12;
	s12 =	sand.u32 $0x400, s21  }
0x158: {  	[tilespmem:s7+$0x0] =	vst.add.f32.msk $0xffff, v7;
	s16 =	sadd.s32 s12, s29;
	s6 =	sadd.s32 s12, s5;
	s12 =	sor.u32 $0x10, s2  }
0x159: {  	[tilespmem:s15+$0xA900] =	vst.add.f32.msk $0xffff, v2;
	s8 =	sadd.s32 s12, s16  }
0x15a: {  	s15 =	simm.s32 $0x100;
	v4 =	vld [tilespmem:s8+$0x280]  }
0x15b: {  	s14 =	simm.s32 $0x2;
	s21 =	sadd.s32 s2, s16;
	s16 =	simm.s32 $0x20  }
0x15c: {  	s30 =	sand.u32 $0x400, s15;
	s31 =	sadd.s32 s12, s6;
	s7 =	sand.u32 $0x60, s16;
	v5 =	vld [tilespmem:s21+$0x280]  }
0x15d: {  	s8 =	sadd.s32 s30, s29;
	s30 =	sadd.s32 s30, s5;
	s21 =	sor.u32 $0x10, s7  }
.LBB2_17:
0x15e: {  	s14 =	sadd.s32 $0x2, s14  }
0x15f: {  	s12 =	sadd.s32 s7, s8;
	s8 =	sadd.s32 s21, s8;
	[tilespmem:s31+$0x0] =	vst.add.f32.msk $0xffff, v4;
	p1 =	slt.u32 s14, $0xE  }
.Ltmp15:
0x160: {  	s2 =	sadd.s32 s2, s6;
	v4 =	vld [tilespmem:s8+$0x280];
	(pc) =	sbr.rel @p1 .LBB2_17-.Ltmp15, $4  }
0x161: {  	s6 =	smov.u32 s30;
	[tilespmem:s2+$0x0] =	vst.add.f32.msk $0xffff, v5;
	s2 =	smov.u32 s7  }
0x162: {  	s15 =	sadd.s32 $0x100, s15;
	s16 =	sadd.s32 $0x20, s16;
	v5 =	vld [tilespmem:s12+$0x280]  }
0x163: {  	s31 =	sadd.s32 s21, s6;
	s7 =	sand.u32 $0x60, s16;
	s12 =	sand.u32 $0x400, s15  }
0x164: {  	s21 =	sor.u32 $0x10, s7;
	s8 =	sadd.s32 s12, s29;
	s30 =	sadd.s32 s12, s5  }
0x165: {  	(v2sf) =	vpush v3, $0x6;
	_ =	sdelay $0xe  }
0x166: {  	s12 =	sadd.s32 s21, s8;
	s5 =	spop (v2sf)  }
0x167: {  	s16 =	sadd.s32 s7, s8;
	v6 =	vld [tilespmem:s12+$0x280];
	s14 =	sshrl.u32 s5, $0x3  }
0x168: {  	v7 =	vld [tilespmem:s16+$0x280];
	s14 =	smul.u32 $0x3000, s14  }
0x169: {  	s6 =	sadd.s32 s2, s6;
	s7 =	sadd.s32 s7, s30;
	s15 =	sshll.u32 s5, $0x7  }
0x16a: {  	[tilespmem:s31+$0x0] =	vst.add.f32.msk $0xffff, v4;
	s16 =	sadd.s32 s21, s30;
	s2 =	sand.u32 $0x380, s15;
	s5 =	sshra.s32 s14, $0x2  }
0x16b: {  	s21 =	simm.s32 $0x0;
	[tilespmem:s6+$0x0] =	vst.add.f32.msk $0xffff, v5;
	s15 =	sadd.s32 s0, s4;
	s12 =	sor.u32 s2, s5  }
0x16c: {  	[tilespmem:s16+$0x0] =	vst.add.f32.msk $0xffff, v6;
	s0 =	sand.u32 $0x60, s21;
	s4 =	sadd.s32 $0xA100, s12;
	s12 =	sand.u32 $0x400, s21  }
0x16d: {  	[tilespmem:s7+$0x0] =	vst.add.f32.msk $0xffff, v7;
	s16 =	sadd.s32 s12, s29;
	s6 =	sadd.s32 s12, s4;
	s12 =	sor.u32 $0x10, s0  }
0x16e: {  	[tilespmem:s15+$0xA900] =	vst.add.f32.msk $0xffff, v2;
	s8 =	sadd.s32 s12, s16  }
0x16f: {  	s15 =	simm.s32 $0x100;
	v4 =	vld [tilespmem:s8+$0x300]  }
0x170: {  	s14 =	simm.s32 $0x2;
	s21 =	sadd.s32 s0, s16;
	s16 =	simm.s32 $0x20  }
0x171: {  	s30 =	sand.u32 $0x400, s15;
	s31 =	sadd.s32 s12, s6;
	s7 =	sand.u32 $0x60, s16;
	v5 =	vld [tilespmem:s21+$0x300]  }
0x172: {  	s8 =	sadd.s32 s30, s29;
	s30 =	sadd.s32 s30, s4;
	s21 =	sor.u32 $0x10, s7  }
.LBB2_19:
0x173: {  	s14 =	sadd.s32 $0x2, s14  }
0x174: {  	s12 =	sadd.s32 s7, s8;
	s8 =	sadd.s32 s21, s8;
	[tilespmem:s31+$0x0] =	vst.add.f32.msk $0xffff, v4;
	p1 =	slt.u32 s14, $0xE  }
.Ltmp16:
0x175: {  	s0 =	sadd.s32 s0, s6;
	v4 =	vld [tilespmem:s8+$0x300];
	(pc) =	sbr.rel @p1 .LBB2_19-.Ltmp16, $4  }
0x176: {  	s6 =	smov.u32 s30;
	[tilespmem:s0+$0x0] =	vst.add.f32.msk $0xffff, v5;
	s0 =	smov.u32 s7  }
0x177: {  	s15 =	sadd.s32 $0x100, s15;
	s16 =	sadd.s32 $0x20, s16;
	v5 =	vld [tilespmem:s12+$0x300]  }
0x178: {  	s31 =	sadd.s32 s21, s6;
	s7 =	sand.u32 $0x60, s16;
	s12 =	sand.u32 $0x400, s15  }
0x179: {  	s21 =	sor.u32 $0x10, s7;
	s8 =	sadd.s32 s12, s29;
	s30 =	sadd.s32 s12, s4  }
0x17a: {  	(v2sf) =	vpush v3, $0x7;
	_ =	sdelay $0xe  }
0x17b: {  	s12 =	sadd.s32 s21, s8;
	s4 =	spop (v2sf)  }
0x17c: {  	s16 =	sadd.s32 s7, s8;
	v6 =	vld [tilespmem:s12+$0x300];
	s14 =	sshrl.u32 s4, $0x3  }
0x17d: {  	v7 =	vld [tilespmem:s16+$0x300];
	s14 =	smul.u32 $0x3000, s14  }
0x17e: {  	s6 =	sadd.s32 s0, s6;
	s7 =	sadd.s32 s7, s30;
	s15 =	sshll.u32 s4, $0x7  }
0x17f: {  	[tilespmem:s31+$0x0] =	vst.add.f32.msk $0xffff, v4;
	s16 =	sadd.s32 s21, s30;
	s0 =	sand.u32 $0x380, s15;
	s4 =	sshra.s32 s14, $0x2  }
0x180: {  	s21 =	simm.s32 $0x0;
	[tilespmem:s6+$0x0] =	vst.add.f32.msk $0xffff, v5;
	s15 =	sadd.s32 s2, s5;
	s12 =	sor.u32 s0, s4  }
0x181: {  	[tilespmem:s16+$0x0] =	vst.add.f32.msk $0xffff, v6;
	s2 =	sand.u32 $0x60, s21;
	s5 =	sadd.s32 $0xA100, s12;
	s12 =	sand.u32 $0x400, s21  }
0x182: {  	[tilespmem:s7+$0x0] =	vst.add.f32.msk $0xffff, v7;
	s16 =	sadd.s32 s12, s29;
	s6 =	sadd.s32 s12, s5;
	s12 =	sor.u32 $0x10, s2  }
0x183: {  	[tilespmem:s15+$0xA900] =	vst.add.f32.msk $0xffff, v2;
	s8 =	sadd.s32 s12, s16  }
0x184: {  	s15 =	simm.s32 $0x100;
	v4 =	vld [tilespmem:s8+$0x380]  }
0x185: {  	s14 =	simm.s32 $0x2;
	s21 =	sadd.s32 s2, s16;
	s16 =	simm.s32 $0x20  }
0x186: {  	s30 =	sand.u32 $0x400, s15;
	s31 =	sadd.s32 s12, s6;
	s7 =	sand.u32 $0x60, s16;
	v5 =	vld [tilespmem:s21+$0x380]  }
0x187: {  	s8 =	sadd.s32 s30, s29;
	s30 =	sadd.s32 s30, s5;
	s21 =	sor.u32 $0x10, s7  }
.LBB2_21:
0x188: {  	s14 =	sadd.s32 $0x2, s14  }
0x189: {  	s12 =	sadd.s32 s7, s8;
	s8 =	sadd.s32 s21, s8;
	[tilespmem:s31+$0x0] =	vst.add.f32.msk $0xffff, v4;
	p1 =	slt.u32 s14, $0xE  }
.Ltmp17:
0x18a: {  	s2 =	sadd.s32 s2, s6;
	v4 =	vld [tilespmem:s8+$0x380];
	(pc) =	sbr.rel @p1 .LBB2_21-.Ltmp17, $4  }
0x18b: {  	s6 =	smov.u32 s30;
	[tilespmem:s2+$0x0] =	vst.add.f32.msk $0xffff, v5;
	s2 =	smov.u32 s7  }
0x18c: {  	s15 =	sadd.s32 $0x100, s15;
	s16 =	sadd.s32 $0x20, s16;
	v5 =	vld [tilespmem:s12+$0x380]  }
0x18d: {  	s31 =	sadd.s32 s21, s6;
	s7 =	sand.u32 $0x60, s16;
	s12 =	sand.u32 $0x400, s15  }
0x18e: {  	s21 =	sor.u32 $0x10, s7;
	s8 =	sadd.s32 s12, s29;
	s30 =	sadd.s32 s12, s5  }
0x18f: {  	(v2sf) =	vpush v3, $0x8;
	_ =	sdelay $0xe  }
0x190: {  	s12 =	sadd.s32 s21, s8;
	s5 =	spop (v2sf)  }
0x191: {  	s16 =	sadd.s32 s7, s8;
	v6 =	vld [tilespmem:s12+$0x380];
	s14 =	sshrl.u32 s5, $0x3  }
0x192: {  	v7 =	vld [tilespmem:s16+$0x380];
	s14 =	smul.u32 $0x3000, s14  }
0x193: {  	s6 =	sadd.s32 s2, s6;
	[tilespmem:s31+$0x0] =	vst.add.f32.msk $0xffff, v4;
	s31 =	simm.s32 $0x0;
	s15 =	sshll.u32 s5, $0x7  }
0x194: {  	s16 =	sadd.s32 s21, s30;
	s2 =	sand.u32 $0x380, s15;
	s5 =	sshra.s32 s14, $0x2  }
0x195: {  	s21 =	sadd.s32 s7, s30;
	[tilespmem:s6+$0x0] =	vst.add.f32.msk $0xffff, v5;
	s15 =	sadd.s32 s0, s4;
	s12 =	sor.u32 s2, s5  }
0x196: {  	[tilespmem:s16+$0x0] =	vst.add.f32.msk $0xffff, v6;
	s0 =	sand.u32 $0x60, s31;
	s4 =	sadd.s32 $0xA100, s12;
	s12 =	sand.u32 $0x400, s31  }
0x197: {  	[tilespmem:s21+$0x0] =	vst.add.f32.msk $0xffff, v7;
	s16 =	sadd.s32 s12, s26;
	s6 =	sadd.s32 s12, s4;
	s12 =	sor.u32 $0x10, s0  }
0x198: {  	[tilespmem:s15+$0xA900] =	vst.add.f32.msk $0xffff, v2;
	s31 =	sadd.s32 s12, s16  }
0x199: {  	s15 =	simm.s32 $0x100;
	v4 =	vld [tilespmem:s31+$0x0]  }
0x19a: {  	s29 =	sand.u32 $0x400, s15;
	s21 =	sadd.s32 s0, s16;
	s16 =	simm.s32 $0x20  }
0x19b: {  	s14 =	simm.s32 $0x2;
	s8 =	sadd.s32 s29, s26;
	s7 =	sand.u32 $0x60, s16;
	v5 =	vld [tilespmem:s21+$0x0]  }
0x19c: {  	s29 =	sadd.s32 s29, s4;
	s30 =	sadd.s32 s12, s6;
	s21 =	sor.u32 $0x10, s7  }
.LBB2_23:
0x19d: {  	s14 =	sadd.s32 $0x2, s14  }
0x19e: {  	s12 =	sadd.s32 s7, s8;
	s8 =	sadd.s32 s21, s8;
	[tilespmem:s30+$0x0] =	vst.add.f32.msk $0xffff, v4;
	p1 =	slt.u32 s14, $0xE  }
.Ltmp18:
0x19f: {  	s0 =	sadd.s32 s0, s6;
	v4 =	vld [tilespmem:s8+$0x0];
	(pc) =	sbr.rel @p1 .LBB2_23-.Ltmp18, $4  }
0x1a0: {  	s6 =	smov.u32 s29;
	[tilespmem:s0+$0x0] =	vst.add.f32.msk $0xffff, v5;
	s0 =	smov.u32 s7  }
0x1a1: {  	s15 =	sadd.s32 $0x100, s15;
	s16 =	sadd.s32 $0x20, s16;
	v5 =	vld [tilespmem:s12+$0x0]  }
0x1a2: {  	s30 =	sadd.s32 s21, s6;
	s7 =	sand.u32 $0x60, s16;
	s12 =	sand.u32 $0x400, s15  }
0x1a3: {  	s21 =	sor.u32 $0x10, s7;
	s8 =	sadd.s32 s12, s26;
	s29 =	sadd.s32 s12, s4  }
0x1a4: {  	(v2sf) =	vpush v3, $0x9;
	_ =	sdelay $0xe  }
0x1a5: {  	s12 =	sadd.s32 s21, s8;
	s4 =	spop (v2sf)  }
0x1a6: {  	s31 =	sadd.s32 s7, s8;
	v6 =	vld [tilespmem:s12+$0x0];
	s14 =	sshrl.u32 s4, $0x3  }
0x1a7: {  	v7 =	vld [tilespmem:s31+$0x0];
	s14 =	smul.u32 $0x3000, s14  }
0x1a8: {  	s6 =	sadd.s32 s0, s6;
	s16 =	sadd.s32 s21, s29;
	s15 =	sshll.u32 s4, $0x7  }
0x1a9: {  	[tilespmem:s30+$0x0] =	vst.add.f32.msk $0xffff, v4;
	s21 =	sadd.s32 s7, s29;
	s0 =	sand.u32 $0x380, s15;
	s4 =	sshra.s32 s14, $0x2  }
0x1aa: {  	s31 =	simm.s32 $0x0;
	[tilespmem:s6+$0x0] =	vst.add.f32.msk $0xffff, v5;
	s15 =	sadd.s32 s2, s5;
	s12 =	sor.u32 s0, s4  }
0x1ab: {  	[tilespmem:s16+$0x0] =	vst.add.f32.msk $0xffff, v6;
	s2 =	sand.u32 $0x60, s31;
	s5 =	sadd.s32 $0xA100, s12;
	s12 =	sand.u32 $0x400, s31  }
0x1ac: {  	[tilespmem:s21+$0x0] =	vst.add.f32.msk $0xffff, v7;
	s16 =	sadd.s32 s12, s26;
	s6 =	sadd.s32 s12, s5;
	s12 =	sor.u32 $0x10, s2  }
0x1ad: {  	[tilespmem:s15+$0xA900] =	vst.add.f32.msk $0xffff, v2;
	s31 =	sadd.s32 s12, s16  }
0x1ae: {  	s15 =	simm.s32 $0x100;
	v4 =	vld [tilespmem:s31+$0x80]  }
0x1af: {  	s29 =	sand.u32 $0x400, s15;
	s21 =	sadd.s32 s2, s16;
	s16 =	simm.s32 $0x20  }
0x1b0: {  	s14 =	simm.s32 $0x2;
	s8 =	sadd.s32 s29, s26;
	s7 =	sand.u32 $0x60, s16;
	v5 =	vld [tilespmem:s21+$0x80]  }
0x1b1: {  	s29 =	sadd.s32 s29, s5;
	s30 =	sadd.s32 s12, s6;
	s21 =	sor.u32 $0x10, s7  }
.LBB2_25:
0x1b2: {  	s14 =	sadd.s32 $0x2, s14  }
0x1b3: {  	s12 =	sadd.s32 s7, s8;
	s8 =	sadd.s32 s21, s8;
	[tilespmem:s30+$0x0] =	vst.add.f32.msk $0xffff, v4;
	p1 =	slt.u32 s14, $0xE  }
.Ltmp19:
0x1b4: {  	s2 =	sadd.s32 s2, s6;
	v4 =	vld [tilespmem:s8+$0x80];
	(pc) =	sbr.rel @p1 .LBB2_25-.Ltmp19, $4  }
0x1b5: {  	s6 =	smov.u32 s29;
	[tilespmem:s2+$0x0] =	vst.add.f32.msk $0xffff, v5;
	s2 =	smov.u32 s7  }
0x1b6: {  	s15 =	sadd.s32 $0x100, s15;
	s16 =	sadd.s32 $0x20, s16;
	v5 =	vld [tilespmem:s12+$0x80]  }
0x1b7: {  	s30 =	sadd.s32 s21, s6;
	s7 =	sand.u32 $0x60, s16;
	s12 =	sand.u32 $0x400, s15  }
0x1b8: {  	s21 =	sor.u32 $0x10, s7;
	s8 =	sadd.s32 s12, s26;
	s29 =	sadd.s32 s12, s5  }
0x1b9: {  	(v2sf) =	vpush v3, $0xA;
	_ =	sdelay $0xe  }
0x1ba: {  	s12 =	sadd.s32 s21, s8;
	s5 =	spop (v2sf)  }
0x1bb: {  	s31 =	sadd.s32 s7, s8;
	v6 =	vld [tilespmem:s12+$0x80];
	s14 =	sshrl.u32 s5, $0x3  }
0x1bc: {  	v7 =	vld [tilespmem:s31+$0x80];
	s14 =	smul.u32 $0x3000, s14  }
0x1bd: {  	s6 =	sadd.s32 s2, s6;
	s16 =	sadd.s32 s21, s29;
	s15 =	sshll.u32 s5, $0x7  }
0x1be: {  	[tilespmem:s30+$0x0] =	vst.add.f32.msk $0xffff, v4;
	s21 =	sadd.s32 s7, s29;
	s2 =	sand.u32 $0x380, s15;
	s5 =	sshra.s32 s14, $0x2  }
0x1bf: {  	s31 =	simm.s32 $0x0;
	[tilespmem:s6+$0x0] =	vst.add.f32.msk $0xffff, v5;
	s15 =	sadd.s32 s0, s4;
	s12 =	sor.u32 s2, s5  }
0x1c0: {  	[tilespmem:s16+$0x0] =	vst.add.f32.msk $0xffff, v6;
	s0 =	sand.u32 $0x60, s31;
	s4 =	sadd.s32 $0xA100, s12;
	s12 =	sand.u32 $0x400, s31  }
0x1c1: {  	[tilespmem:s21+$0x0] =	vst.add.f32.msk $0xffff, v7;
	s16 =	sadd.s32 s12, s26;
	s6 =	sadd.s32 s12, s4;
	s12 =	sor.u32 $0x10, s0  }
0x1c2: {  	[tilespmem:s15+$0xA900] =	vst.add.f32.msk $0xffff, v2;
	s31 =	sadd.s32 s12, s16  }
0x1c3: {  	s15 =	simm.s32 $0x100;
	v4 =	vld [tilespmem:s31+$0x100]  }
0x1c4: {  	s29 =	sand.u32 $0x400, s15;
	s21 =	sadd.s32 s0, s16;
	s16 =	simm.s32 $0x20  }
0x1c5: {  	s14 =	simm.s32 $0x2;
	s8 =	sadd.s32 s29, s26;
	s7 =	sand.u32 $0x60, s16;
	v5 =	vld [tilespmem:s21+$0x100]  }
0x1c6: {  	s29 =	sadd.s32 s29, s4;
	s30 =	sadd.s32 s12, s6;
	s21 =	sor.u32 $0x10, s7  }
.LBB2_27:
0x1c7: {  	s14 =	sadd.s32 $0x2, s14  }
0x1c8: {  	s12 =	sadd.s32 s7, s8;
	s8 =	sadd.s32 s21, s8;
	[tilespmem:s30+$0x0] =	vst.add.f32.msk $0xffff, v4;
	p1 =	slt.u32 s14, $0xE  }
.Ltmp20:
0x1c9: {  	s0 =	sadd.s32 s0, s6;
	v4 =	vld [tilespmem:s8+$0x100];
	(pc) =	sbr.rel @p1 .LBB2_27-.Ltmp20, $4  }
0x1ca: {  	s6 =	smov.u32 s29;
	[tilespmem:s0+$0x0] =	vst.add.f32.msk $0xffff, v5;
	s0 =	smov.u32 s7  }
0x1cb: {  	s15 =	sadd.s32 $0x100, s15;
	s16 =	sadd.s32 $0x20, s16;
	v5 =	vld [tilespmem:s12+$0x100]  }
0x1cc: {  	s30 =	sadd.s32 s21, s6;
	s7 =	sand.u32 $0x60, s16;
	s12 =	sand.u32 $0x400, s15  }
0x1cd: {  	s21 =	sor.u32 $0x10, s7;
	s8 =	sadd.s32 s12, s26;
	s29 =	sadd.s32 s12, s4  }
0x1ce: {  	(v2sf) =	vpush v3, $0xB;
	_ =	sdelay $0xe  }
0x1cf: {  	s12 =	sadd.s32 s21, s8;
	s4 =	spop (v2sf)  }
0x1d0: {  	s31 =	sadd.s32 s7, s8;
	v6 =	vld [tilespmem:s12+$0x100];
	s14 =	sshrl.u32 s4, $0x3  }
0x1d1: {  	v7 =	vld [tilespmem:s31+$0x100];
	s14 =	smul.u32 $0x3000, s14  }
0x1d2: {  	s6 =	sadd.s32 s0, s6;
	s16 =	sadd.s32 s21, s29;
	s15 =	sshll.u32 s4, $0x7  }
0x1d3: {  	[tilespmem:s30+$0x0] =	vst.add.f32.msk $0xffff, v4;
	s21 =	sadd.s32 s7, s29;
	s0 =	sand.u32 $0x380, s15;
	s4 =	sshra.s32 s14, $0x2  }
0x1d4: {  	s31 =	simm.s32 $0x0;
	[tilespmem:s6+$0x0] =	vst.add.f32.msk $0xffff, v5;
	s15 =	sadd.s32 s2, s5;
	s12 =	sor.u32 s0, s4  }
0x1d5: {  	[tilespmem:s16+$0x0] =	vst.add.f32.msk $0xffff, v6;
	s2 =	sand.u32 $0x60, s31;
	s5 =	sadd.s32 $0xA100, s12;
	s12 =	sand.u32 $0x400, s31  }
0x1d6: {  	[tilespmem:s21+$0x0] =	vst.add.f32.msk $0xffff, v7;
	s16 =	sadd.s32 s12, s26;
	s6 =	sadd.s32 s12, s5;
	s12 =	sor.u32 $0x10, s2  }
0x1d7: {  	[tilespmem:s15+$0xA900] =	vst.add.f32.msk $0xffff, v2;
	s31 =	sadd.s32 s12, s16  }
0x1d8: {  	s15 =	simm.s32 $0x100;
	v4 =	vld [tilespmem:s31+$0x180]  }
0x1d9: {  	s29 =	sand.u32 $0x400, s15;
	s21 =	sadd.s32 s2, s16;
	s16 =	simm.s32 $0x20  }
0x1da: {  	s14 =	simm.s32 $0x2;
	s8 =	sadd.s32 s29, s26;
	s7 =	sand.u32 $0x60, s16;
	v5 =	vld [tilespmem:s21+$0x180]  }
0x1db: {  	s29 =	sadd.s32 s29, s5;
	s30 =	sadd.s32 s12, s6;
	s21 =	sor.u32 $0x10, s7  }
.LBB2_29:
0x1dc: {  	s14 =	sadd.s32 $0x2, s14  }
0x1dd: {  	s12 =	sadd.s32 s7, s8;
	s8 =	sadd.s32 s21, s8;
	[tilespmem:s30+$0x0] =	vst.add.f32.msk $0xffff, v4;
	p1 =	slt.u32 s14, $0xE  }
.Ltmp21:
0x1de: {  	s2 =	sadd.s32 s2, s6;
	v4 =	vld [tilespmem:s8+$0x180];
	(pc) =	sbr.rel @p1 .LBB2_29-.Ltmp21, $4  }
0x1df: {  	s6 =	smov.u32 s29;
	[tilespmem:s2+$0x0] =	vst.add.f32.msk $0xffff, v5;
	s2 =	smov.u32 s7  }
0x1e0: {  	s15 =	sadd.s32 $0x100, s15;
	s16 =	sadd.s32 $0x20, s16;
	v5 =	vld [tilespmem:s12+$0x180]  }
0x1e1: {  	s30 =	sadd.s32 s21, s6;
	s7 =	sand.u32 $0x60, s16;
	s12 =	sand.u32 $0x400, s15  }
0x1e2: {  	s21 =	sor.u32 $0x10, s7;
	s8 =	sadd.s32 s12, s26;
	s29 =	sadd.s32 s12, s5  }
0x1e3: {  	(v2sf) =	vpush v3, $0xC;
	_ =	sdelay $0xe  }
0x1e4: {  	s12 =	sadd.s32 s21, s8;
	s5 =	spop (v2sf)  }
0x1e5: {  	s31 =	sadd.s32 s7, s8;
	v6 =	vld [tilespmem:s12+$0x180];
	s14 =	sshrl.u32 s5, $0x3  }
0x1e6: {  	v7 =	vld [tilespmem:s31+$0x180];
	s14 =	smul.u32 $0x3000, s14  }
0x1e7: {  	s6 =	sadd.s32 s2, s6;
	s16 =	sadd.s32 s21, s29;
	s15 =	sshll.u32 s5, $0x7  }
0x1e8: {  	[tilespmem:s30+$0x0] =	vst.add.f32.msk $0xffff, v4;
	s21 =	sadd.s32 s7, s29;
	s2 =	sand.u32 $0x380, s15;
	s5 =	sshra.s32 s14, $0x2  }
0x1e9: {  	s31 =	simm.s32 $0x0;
	[tilespmem:s6+$0x0] =	vst.add.f32.msk $0xffff, v5;
	s15 =	sadd.s32 s0, s4;
	s12 =	sor.u32 s2, s5  }
0x1ea: {  	[tilespmem:s16+$0x0] =	vst.add.f32.msk $0xffff, v6;
	s0 =	sand.u32 $0x60, s31;
	s4 =	sadd.s32 $0xA100, s12;
	s12 =	sand.u32 $0x400, s31  }
0x1eb: {  	[tilespmem:s21+$0x0] =	vst.add.f32.msk $0xffff, v7;
	s16 =	sadd.s32 s12, s26;
	s6 =	sadd.s32 s12, s4;
	s12 =	sor.u32 $0x10, s0  }
0x1ec: {  	[tilespmem:s15+$0xA900] =	vst.add.f32.msk $0xffff, v2;
	s31 =	sadd.s32 s12, s16  }
0x1ed: {  	s15 =	simm.s32 $0x100;
	v4 =	vld [tilespmem:s31+$0x200]  }
0x1ee: {  	s29 =	sand.u32 $0x400, s15;
	s21 =	sadd.s32 s0, s16;
	s16 =	simm.s32 $0x20  }
0x1ef: {  	s14 =	simm.s32 $0x2;
	s8 =	sadd.s32 s29, s26;
	s7 =	sand.u32 $0x60, s16;
	v5 =	vld [tilespmem:s21+$0x200]  }
0x1f0: {  	s29 =	sadd.s32 s29, s4;
	s30 =	sadd.s32 s12, s6;
	s21 =	sor.u32 $0x10, s7  }
.LBB2_31:
0x1f1: {  	s14 =	sadd.s32 $0x2, s14  }
0x1f2: {  	s12 =	sadd.s32 s7, s8;
	s8 =	sadd.s32 s21, s8;
	[tilespmem:s30+$0x0] =	vst.add.f32.msk $0xffff, v4;
	p1 =	slt.u32 s14, $0xE  }
.Ltmp22:
0x1f3: {  	s0 =	sadd.s32 s0, s6;
	v4 =	vld [tilespmem:s8+$0x200];
	(pc) =	sbr.rel @p1 .LBB2_31-.Ltmp22, $4  }
0x1f4: {  	s6 =	smov.u32 s29;
	[tilespmem:s0+$0x0] =	vst.add.f32.msk $0xffff, v5;
	s0 =	smov.u32 s7  }
0x1f5: {  	s15 =	sadd.s32 $0x100, s15;
	s16 =	sadd.s32 $0x20, s16;
	v5 =	vld [tilespmem:s12+$0x200]  }
0x1f6: {  	s30 =	sadd.s32 s21, s6;
	s7 =	sand.u32 $0x60, s16;
	s12 =	sand.u32 $0x400, s15  }
0x1f7: {  	s21 =	sor.u32 $0x10, s7;
	s8 =	sadd.s32 s12, s26;
	s29 =	sadd.s32 s12, s4  }
0x1f8: {  	(v2sf) =	vpush v3, $0xD;
	_ =	sdelay $0xe  }
0x1f9: {  	s12 =	sadd.s32 s21, s8;
	s4 =	spop (v2sf)  }
0x1fa: {  	s31 =	sadd.s32 s7, s8;
	v6 =	vld [tilespmem:s12+$0x200];
	s14 =	sshrl.u32 s4, $0x3  }
0x1fb: {  	v7 =	vld [tilespmem:s31+$0x200];
	s14 =	smul.u32 $0x3000, s14  }
0x1fc: {  	s6 =	sadd.s32 s0, s6;
	s16 =	sadd.s32 s21, s29;
	s15 =	sshll.u32 s4, $0x7  }
0x1fd: {  	[tilespmem:s30+$0x0] =	vst.add.f32.msk $0xffff, v4;
	s21 =	sadd.s32 s7, s29;
	s0 =	sand.u32 $0x380, s15;
	s4 =	sshra.s32 s14, $0x2  }
0x1fe: {  	s31 =	simm.s32 $0x0;
	[tilespmem:s6+$0x0] =	vst.add.f32.msk $0xffff, v5;
	s15 =	sadd.s32 s2, s5;
	s12 =	sor.u32 s0, s4  }
0x1ff: {  	[tilespmem:s16+$0x0] =	vst.add.f32.msk $0xffff, v6;
	s2 =	sand.u32 $0x60, s31;
	s5 =	sadd.s32 $0xA100, s12;
	s12 =	sand.u32 $0x400, s31  }
0x200: {  	[tilespmem:s21+$0x0] =	vst.add.f32.msk $0xffff, v7;
	s16 =	sadd.s32 s12, s26;
	s6 =	sadd.s32 s12, s5;
	s12 =	sor.u32 $0x10, s2  }
0x201: {  	[tilespmem:s15+$0xA900] =	vst.add.f32.msk $0xffff, v2;
	s31 =	sadd.s32 s12, s16  }
0x202: {  	s15 =	simm.s32 $0x100;
	v4 =	vld [tilespmem:s31+$0x280]  }
0x203: {  	s29 =	sand.u32 $0x400, s15;
	s21 =	sadd.s32 s2, s16;
	s16 =	simm.s32 $0x20  }
0x204: {  	s14 =	simm.s32 $0x2;
	s8 =	sadd.s32 s29, s26;
	s7 =	sand.u32 $0x60, s16;
	v5 =	vld [tilespmem:s21+$0x280]  }
0x205: {  	s29 =	sadd.s32 s29, s5;
	s30 =	sadd.s32 s12, s6;
	s21 =	sor.u32 $0x10, s7  }
.LBB2_33:
0x206: {  	s14 =	sadd.s32 $0x2, s14  }
0x207: {  	s12 =	sadd.s32 s7, s8;
	s8 =	sadd.s32 s21, s8;
	[tilespmem:s30+$0x0] =	vst.add.f32.msk $0xffff, v4;
	p1 =	slt.u32 s14, $0xE  }
.Ltmp23:
0x208: {  	s2 =	sadd.s32 s2, s6;
	v4 =	vld [tilespmem:s8+$0x280];
	(pc) =	sbr.rel @p1 .LBB2_33-.Ltmp23, $4  }
0x209: {  	s6 =	smov.u32 s29;
	[tilespmem:s2+$0x0] =	vst.add.f32.msk $0xffff, v5;
	s2 =	smov.u32 s7  }
0x20a: {  	s15 =	sadd.s32 $0x100, s15;
	s16 =	sadd.s32 $0x20, s16;
	v5 =	vld [tilespmem:s12+$0x280]  }
0x20b: {  	s30 =	sadd.s32 s21, s6;
	s7 =	sand.u32 $0x60, s16;
	s12 =	sand.u32 $0x400, s15  }
0x20c: {  	s21 =	sor.u32 $0x10, s7;
	s8 =	sadd.s32 s12, s26;
	s29 =	sadd.s32 s12, s5  }
0x20d: {  	(v2sf) =	vpush v3, $0xE;
	_ =	sdelay $0xe  }
0x20e: {  	s12 =	sadd.s32 s21, s8;
	s5 =	spop (v2sf)  }
0x20f: {  	s31 =	sadd.s32 s7, s8;
	v3 =	vld [tilespmem:s12+$0x280];
	s14 =	sshrl.u32 s5, $0x3  }
0x210: {  	v6 =	vld [tilespmem:s31+$0x280];
	s14 =	smul.u32 $0x3000, s14  }
0x211: {  	s6 =	sadd.s32 s2, s6;
	s16 =	sadd.s32 s21, s29;
	s15 =	sshll.u32 s5, $0x7  }
0x212: {  	[tilespmem:s30+$0x0] =	vst.add.f32.msk $0xffff, v4;
	s21 =	sadd.s32 s7, s29;
	s2 =	sand.u32 $0x380, s15;
	s5 =	sshra.s32 s14, $0x2  }
0x213: {  	s31 =	simm.s32 $0x0;
	[tilespmem:s6+$0x0] =	vst.add.f32.msk $0xffff, v5;
	s15 =	sadd.s32 s0, s4;
	s12 =	sor.u32 s2, s5  }
0x214: {  	[tilespmem:s16+$0x0] =	vst.add.f32.msk $0xffff, v3;
	s0 =	sand.u32 $0x60, s31;
	s4 =	sadd.s32 $0xA100, s12;
	s12 =	sand.u32 $0x400, s31  }
0x215: {  	[tilespmem:s21+$0x0] =	vst.add.f32.msk $0xffff, v6;
	s21 =	sor.u32 $0x10, s0;
	s16 =	sadd.s32 s12, s26  }
0x216: {  	[tilespmem:s15+$0xA900] =	vst.add.f32.msk $0xffff, v2;
	s8 =	sadd.s32 s21, s16  }
0x217: {  	s7 =	simm.s32 $0x2;
	s15 =	simm.s32 $0x100;
	v3 =	vld [tilespmem:s8+$0x300]  }
0x218: {  	s6 =	sadd.s32 s12, s4;
	s31 =	sadd.s32 s0, s16;
	s16 =	simm.s32 $0x20  }
0x219: {  	s29 =	sand.u32 $0x400, s15;
	s30 =	sadd.s32 s21, s6;
	s14 =	sand.u32 $0x60, s16;
	v4 =	vld [tilespmem:s31+$0x300]  }
0x21a: {  	s8 =	sadd.s32 s29, s26;
	s29 =	sadd.s32 s29, s4;
	s21 =	sor.u32 $0x10, s14  }
.LBB2_35:
0x21b: {  	s7 =	sadd.s32 $0x2, s7  }
0x21c: {  	s12 =	sadd.s32 s14, s8;
	s8 =	sadd.s32 s21, s8;
	[tilespmem:s30+$0x0] =	vst.add.f32.msk $0xffff, v3;
	p1 =	slt.u32 s7, $0xE  }
.Ltmp24:
0x21d: {  	s0 =	sadd.s32 s0, s6;
	v3 =	vld [tilespmem:s8+$0x300];
	(pc) =	sbr.rel @p1 .LBB2_35-.Ltmp24, $4  }
0x21e: {  	s6 =	smov.u32 s29;
	[tilespmem:s0+$0x0] =	vst.add.f32.msk $0xffff, v4;
	s0 =	smov.u32 s14  }
0x21f: {  	s15 =	sadd.s32 $0x100, s15;
	s16 =	sadd.s32 $0x20, s16;
	v4 =	vld [tilespmem:s12+$0x300]  }
0x220: {  	s30 =	sadd.s32 s21, s6;
	s14 =	sand.u32 $0x60, s16;
	s12 =	sand.u32 $0x400, s15  }
0x221: {  	s21 =	sor.u32 $0x10, s14;
	s8 =	sadd.s32 s12, s26;
	s29 =	sadd.s32 s12, s4  }
0x222: {  	s4 =	sadd.s32 s21, s8  }
0x223: {  	s7 =	sshrl.u32 s28, $0x3;
	s12 =	sadd.s32 s14, s8;
	v5 =	vld [tilespmem:s4+$0x300]  }
0x224: {  	s15 =	smul.u32 $0x3000, s7;
	v6 =	vld [tilespmem:s12+$0x300]  }
0x225: {  	s6 =	sadd.s32 s0, s6;
	s16 =	sshll.u32 s28, $0x7;
	s21 =	sadd.s32 s21, s29  }
0x226: {  	[tilespmem:s30+$0x0] =	vst.add.f32.msk $0xffff, v3;
	s30 =	sadd.s32 s14, s29;
	s0 =	sand.u32 $0x380, s16;
	s4 =	sshra.s32 s15, $0x2  }
0x227: {  	s31 =	simm.s32 $0x0;
	[tilespmem:s6+$0x0] =	vst.add.f32.msk $0xffff, v4;
	s15 =	sadd.s32 s2, s5;
	s12 =	sor.u32 s0, s4  }
0x228: {  	s2 =	sand.u32 $0x60, s31;
	s5 =	sadd.s32 $0xA100, s12;
	s12 =	sand.u32 $0x400, s31;
	[tilespmem:s21+$0x0] =	vst.add.f32.msk $0xffff, v5  }
0x229: {  	s16 =	sadd.s32 s12, s26;
	[tilespmem:s30+$0x0] =	vst.add.f32.msk $0xffff, v6;
	s21 =	sor.u32 $0x10, s2  }
0x22a: {  	s6 =	sadd.s32 s12, s5;
	[tilespmem:s15+$0xA900] =	vst.add.f32.msk $0xffff, v2;
	s12 =	sadd.s32 s21, s16  }
0x22b: {  	s7 =	simm.s32 $0x2;
	v3 =	vld [tilespmem:s12+$0x380]  }
0x22c: {  	s30 =	sadd.s32 s2, s16;
	s15 =	simm.s32 $0x100;
	s16 =	simm.s32 $0x20  }
0x22d: {  	s29 =	sadd.s32 s21, s6;
	s14 =	sand.u32 $0x60, s16;
	s31 =	sand.u32 $0x400, s15;
	v4 =	vld [tilespmem:s30+$0x380]  }
0x22e: {  	s8 =	sadd.s32 s31, s26;
	s28 =	sadd.s32 s31, s5;
	s21 =	sor.u32 $0x10, s14  }
.LBB2_37:
0x22f: {  	s7 =	sadd.s32 $0x2, s7  }
0x230: {  	s12 =	sadd.s32 s14, s8;
	s8 =	sadd.s32 s21, s8;
	[tilespmem:s29+$0x0] =	vst.add.f32.msk $0xffff, v3;
	p1 =	slt.u32 s7, $0xE  }
.Ltmp25:
0x231: {  	s2 =	sadd.s32 s2, s6;
	v3 =	vld [tilespmem:s8+$0x380];
	(pc) =	sbr.rel @p1 .LBB2_37-.Ltmp25, $4  }
0x232: {  	s6 =	smov.u32 s28;
	[tilespmem:s2+$0x0] =	vst.add.f32.msk $0xffff, v4;
	s2 =	smov.u32 s14  }
0x233: {  	s15 =	sadd.s32 $0x100, s15;
	s16 =	sadd.s32 $0x20, s16;
	v4 =	vld [tilespmem:s12+$0x380]  }
0x234: {  	s29 =	sadd.s32 s21, s6;
	s14 =	sand.u32 $0x60, s16;
	s12 =	sand.u32 $0x400, s15  }
0x235: {  	s21 =	sor.u32 $0x10, s14;
	s8 =	sadd.s32 s12, s26;
	s28 =	sadd.s32 s12, s5  }
0x236: {  	s5 =	sadd.s32 s21, s8  }
0x237: {  	s7 =	sadd.s32 s14, s8;
	v5 =	vld [tilespmem:s5+$0x380]  }
0x238: {  	v6 =	vld [tilespmem:s7+$0x380];
	_ =	sdelay $0x1  }
.Ltmp26:
0x239: {  	[tilespmem:s29+$0x0] =	vst.add.f32.msk $0xffff, v3;
	s2 =	sadd.s32 s2, s6;
	(pc) =	sbr.rel .LBB2_42-.Ltmp26, $4  }
0x23a: {  	s30 =	sadd.s32 s21, s28;
	[tilespmem:s2+$0x0] =	vst.add.f32.msk $0xffff, v4  }
0x23b: {  	s31 =	sadd.s32 s14, s28;
	[tilespmem:s30+$0x0] =	vst.add.f32.msk $0xffff, v5  }
0x23c: {  	s0 =	sadd.s32 s0, s4;
	[tilespmem:s31+$0x0] =	vst.add.f32.msk $0xffff, v6  }
0x23d: {  	[tilespmem:s0+$0xA900] =	vst.add.f32.msk $0xffff, v2  }
.LBB2_43:
0x23e: {  	s0 =	sadd.s32 s9, s24  }
0x23f: {  	p1 =	sgt.u32 s0, $0x7C  }
0x240: {  	s2 =	smul.u32 @!p1 $0xA00, s0;
	_ =	sdelay $0x1  }
0x241: {  	s4 =	simm.s32 @!p1 $0x0;
	s0 =	smul.u32 @!p1 $0xA, s0;
	s2 =	sadd.s32 @!p1 s1, s2  }
0x242: {  	[tilespmem:s4], [sflag:$0x1] =	stream.linear.gather @!p1 [hbm4b:s2+s4], $0x5000, $0x38;
	[tilespmem:$0x10100] =	vst v63  }
0x243: {  	s0 =	sadd.s32 @!p1 s3, s0;
	s2 =	simm.s32 @!p1 $0xA000  }
0x244: {  	[tilespmem:s2], [sflag:$0x3] =	stream.linear.gather @!p1 [hbm4b:s0+s4], $0x50, $0x38;
	[tilespmem:$0x10100] =	vst v63  }
0x245: {  	p1 =	sge.u32 s24, s11  }
.Ltmp27:
0x246: {  	_ = 	snop;
	(pc) =	sbr.rel @p1 .LBB2_83-.Ltmp27, $1  }
0x247: {  	_ =	sdelay $0x3  }
0x248: {  	_ =	swait.ge [sflag:s19], $0x5000  }
.Ltmp28:
0x249: {  	[sflag:s19] =	ssyncset.done $0x0;
	(pc) =	sbr.rel .LBB2_45-.Ltmp28, $4  }
0x24a: {  	[sflag:s19] =	ssyncadd.s32 $0xFFFFB000  }
0x24b: {  	_ =	swait.ge [sflag:s20], $0x50  }
0x24c: {  	[sflag:s20] =	ssyncset.done $0x0  }
0x24d: {  	s25 =	simm.s32 $0x0;
	[sflag:s20] =	ssyncadd.s32 $0xFFFFFFB0  }
.LBB2_81:
0x24e: {  	v11 =	vld [tilespmem:s14+$0x300]  }
0x24f: {  	v12 =	vld [tilespmem:s14+$0x380];
	_ =	sdelay $0x3  }
0x250: {  	v4 =	vadd.f32 v5, v4  }
0x251: {  	v62 =	vadd.f32 v9, v7;
	v63 =	vadd.f32 v12, v11;
	_ =	sdelay $0x1  }
0x252: {  	v4 =	vadd.f32 v4, v8;
	v5 =	vadd.f32 v63, v62;
	_ =	sdelay $0x1  }
0x253: {  	v6 =	vadd.f32 v10, v6;
	v4 =	vadd.f32 v5, v4;
	_ =	sdelay $0x1  }
0x254: {  	v4 =	vadd.f32 v4, v6  }
0x255: {  	[tilespmem:s2+$0x0] =	vst.add.f32.msk $0xffff, v3  }
0x256: {  	s0 =	sadd.s32 s30, s28;
	[tilespmem:s7+$0x0] =	vst.add.f32.msk $0xffff, v4  }
0x257: {  	[tilespmem:s0+$0xA900] =	vst.add.f32.msk $0xffff, v1  }
.LBB2_82:
0x258: {  	s25 =	sadd.s32 $0x1, s25  }
0x259: {  	p1 =	sne.s32 s25, $0x5  }
.Ltmp29:
0x25a: {  	_ = 	snop;
	(pc) =	sbr.rel @!p1 .LBB2_83-.Ltmp29, $1  }
0x25b: {  	_ =	sdelay $0x3  }
.LBB2_45:
0x25c: {  	s0 =	sshll.u32 s25, $0x4  }
0x25d: {  	s0 =	sand.u32 $0x3FFFFFF0, s0  }
0x25e: {  	v3 =	vld [tilespmem:s0+$0xA080];
	_ =	sdelay $0x4  }
0x25f: {  	(v2sf) =	vpush v3, $0x0  }
0x260: {  	(v2sf) =	vpush v3, $0xF;
	_ =	sdelay $0xd  }
0x261: {  	s31 =	spop (v2sf)  }
0x262: {  	s28 =	spop (v2sf)  }
0x263: {  	p1 =	seq.s32 s31, s28  }
.Ltmp30:
0x264: {  	_ = 	snop;
	(pc) =	sbr.rel @!p1 .LBB2_46-.Ltmp30, $4  }
0x265: {  	s2 =	sshll.u32 s25, $0xE  }
0x266: {  	s2 =	sshra.s32 s2, $0x2  }
0x267: {  	s29 =	sadd.s32 $0x5000, s2;
	s4 =	sshrl.u32 s31, $0x3;
	s0 =	sshll.u32 s31, $0x7  }
0x268: {  	s26 =	sadd.s32 $0x5800, s2;
	s30 =	sand.u32 $0x380, s0;
	s0 =	smul.u32 $0x3000, s4  }
0x269: {  	s4 =	simm.s32 $0x0  }
0x26a: {  	s2 =	sand.u32 $0x60, s4;
	s4 =	sand.u32 $0x400, s4  }
0x26b: {  	s5 =	sadd.s32 s4, s29;
	s6 =	sor.u32 $0x10, s2  }
0x26c: {  	s7 =	sadd.s32 s6, s5  }
0x26d: {  	v3 =	vld [tilespmem:s7+$0x0]  }
0x26e: {  	v4 =	vld [tilespmem:s7+$0x80]  }
0x26f: {  	v5 =	vld [tilespmem:s7+$0x100]  }
0x270: {  	v6 =	vld [tilespmem:s7+$0x180]  }
0x271: {  	v7 =	vld [tilespmem:s7+$0x200]  }
0x272: {  	v8 =	vld [tilespmem:s7+$0x280]  }
0x273: {  	s8 =	sadd.s32 s4, s26;
	v9 =	vld [tilespmem:s7+$0x300]  }
0x274: {  	s21 =	sadd.s32 s6, s8;
	v10 =	vld [tilespmem:s7+$0x380]  }
0x275: {  	v11 =	vld [tilespmem:s21+$0x0]  }
0x276: {  	v12 =	vld [tilespmem:s21+$0x80]  }
0x277: {  	v13 =	vld [tilespmem:s21+$0x100]  }
0x278: {  	v14 =	vld [tilespmem:s21+$0x180]  }
0x279: {  	v15 =	vld [tilespmem:s21+$0x200]  }
0x27a: {  	v16 =	vld [tilespmem:s21+$0x280]  }
0x27b: {  	v17 =	vld [tilespmem:s21+$0x300]  }
0x27c: {  	s5 =	sadd.s32 s2, s5;
	v18 =	vld [tilespmem:s21+$0x380]  }
0x27d: {  	v19 =	vld [tilespmem:s5+$0x0]  }
0x27e: {  	v20 =	vld [tilespmem:s5+$0x80]  }
0x27f: {  	s12 =	sadd.s32 s2, s8;
	v38 =	vld [tilespmem:s5+$0x280]  }
0x280: {  	v39 =	vld [tilespmem:s12+$0x0]  }
0x281: {  	v40 =	vld [tilespmem:s12+$0x280];
	v3 =	vadd.f32 v4, v3;
	v4 =	vadd.f32 v6, v5  }
0x282: {  	v41 =	vld [tilespmem:s12+$0x300];
	v6 =	vadd.f32 v8, v7;
	v7 =	vadd.f32 v10, v9  }
0x283: {  	v42 =	vld [tilespmem:s12+$0x380];
	v9 =	vadd.f32 v12, v11;
	v10 =	vadd.f32 v14, v13  }
0x284: {  	v5 =	vld [tilespmem:s5+$0x100];
	v36 =	vadd.f32 v16, v15;
	v37 =	vadd.f32 v18, v17  }
0x285: {  	v8 =	vld [tilespmem:s5+$0x180];
	v3 =	vadd.f32 v4, v3;
	v4 =	vadd.f32 v7, v6  }
0x286: {  	v11 =	vld [tilespmem:s5+$0x200];
	v7 =	vadd.f32 v10, v9;
	v9 =	vadd.f32 v37, v36  }
0x287: {  	s28 =	sshra.s32 s0, $0x2;
	v6 =	vld [tilespmem:s5+$0x300]  }
0x288: {  	s0 =	sor.u32 s30, s28;
	v10 =	vld [tilespmem:s5+$0x380];
	v3 =	vadd.f32 v4, v3;
	v4 =	vadd.f32 v9, v7  }
0x289: {  	s31 =	sadd.s32 $0xA100, s0;
	v7 =	vld [tilespmem:s12+$0x80]  }
0x28a: {  	s16 =	simm.s32 $0x100;
	s0 =	sadd.s32 s4, s31;
	v9 =	vld [tilespmem:s12+$0x100];
	v3 =	vadd.f32 v4, v3  }
0x28b: {  	s21 =	simm.s32 $0x20;
	s4 =	sadd.s32 s6, s0;
	s5 =	sand.u32 $0x400, s16;
	v4 =	vld [tilespmem:s12+$0x180]  }
0x28c: {  	s14 =	sadd.s32 s5, s29;
	[tilespmem:s4+$0x0] =	vst.add.f32.msk $0xffff, v3;
	s4 =	sand.u32 $0x60, s21  }
0x28d: {  	v3 =	vld [tilespmem:s12+$0x200];
	s15 =	sor.u32 $0x10, s4;
	s8 =	sadd.s32 s4, s14  }
0x28e: {  	s16 =	sadd.s32 s15, s14;
	v46 =	vld [tilespmem:s8+$0x0]  }
0x28f: {  	v43 =	vld [tilespmem:s16+$0x0]  }
0x290: {  	v44 =	vld [tilespmem:s16+$0x80]  }
0x291: {  	v21 =	vld [tilespmem:s16+$0x100]  }
0x292: {  	v22 =	vld [tilespmem:s16+$0x180]  }
0x293: {  	v23 =	vld [tilespmem:s16+$0x200]  }
0x294: {  	v24 =	vld [tilespmem:s16+$0x280]  }
0x295: {  	s12 =	sadd.s32 s5, s26;
	v25 =	vld [tilespmem:s16+$0x300]  }
0x296: {  	s21 =	sadd.s32 s15, s12;
	v26 =	vld [tilespmem:s16+$0x380]  }
0x297: {  	v27 =	vld [tilespmem:s21+$0x0]  }
0x298: {  	v28 =	vld [tilespmem:s21+$0x80]  }
0x299: {  	v29 =	vld [tilespmem:s21+$0x100]  }
0x29a: {  	v19 =	vadd.f32 v20, v19;
	v5 =	vadd.f32 v8, v5;
	v30 =	vld [tilespmem:s21+$0x180]  }
0x29b: {  	v11 =	vadd.f32 v38, v11;
	v8 =	vld [tilespmem:s21+$0x200]  }
0x29c: {  	v6 =	vadd.f32 v10, v6;
	v5 =	vadd.f32 v5, v19;
	v10 =	vld [tilespmem:s21+$0x280]  }
0x29d: {  	v7 =	vadd.f32 v7, v39;
	v45 =	vld [tilespmem:s21+$0x300];
	v4 =	vadd.f32 v4, v9  }
0x29e: {  	v6 =	vadd.f32 v6, v11;
	v11 =	vadd.f32 v42, v41;
	v9 =	vld [tilespmem:s21+$0x380]  }
0x29f: {  	v49 =	vld [tilespmem:s8+$0x80];
	v3 =	vadd.f32 v40, v3;
	v4 =	vadd.f32 v4, v7  }
0x2a0: {  	v52 =	vld [tilespmem:s8+$0x100];
	v47 =	vadd.f32 v44, v43;
	v48 =	vadd.f32 v22, v21  }
0x2a1: {  	v57 =	vld [tilespmem:s8+$0x280];
	v50 =	vadd.f32 v24, v23;
	v51 =	vadd.f32 v26, v25  }
0x2a2: {  	v59 =	vld [tilespmem:s8+$0x300];
	v53 =	vadd.f32 v28, v27;
	v54 =	vadd.f32 v30, v29  }
0x2a3: {  	v7 =	vld [tilespmem:s8+$0x380];
	v8 =	vadd.f32 v10, v8;
	v9 =	vadd.f32 v9, v45  }
0x2a4: {  	v10 =	vld [tilespmem:s8+$0x200];
	v56 =	vadd.f32 v48, v47;
	v58 =	vadd.f32 v51, v50  }
0x2a5: {  	v55 =	vld [tilespmem:s8+$0x180];
	s14 =	sadd.s32 s4, s12;
	v60 =	vadd.f32 v54, v53;
	v8 =	vadd.f32 v9, v8  }
0x2a6: {  	v6 =	vadd.f32 v6, v5;
	v61 =	vld [tilespmem:s14+$0x80];
	v3 =	vadd.f32 v11, v3  }
0x2a7: {  	v9 =	vld [tilespmem:s14+$0x0];
	v11 =	vadd.f32 v58, v56;
	v8 =	vadd.f32 v8, v60  }
0x2a8: {  	v5 =	vld [tilespmem:s14+$0x180];
	v3 =	vadd.f32 v3, v4;
	v63 =	vadd.f32 v7, v59  }
0x2a9: {  	s6 =	sadd.s32 s5, s31;
	v4 =	vld [tilespmem:s14+$0x100];
	v10 =	vadd.f32 v57, v10;
	v8 =	vadd.f32 v8, v11  }
0x2aa: {  	s5 =	sadd.s32 s15, s6;
	v62 =	vadd.f32 v55, v52;
	v7 =	vld [tilespmem:s14+$0x200];
	v11 =	vadd.f32 v49, v46  }
0x2ab: {  	s2 =	sadd.s32 s2, s0;
	s0 =	simm.s32 $0x2;
	v3 =	vadd.f32 v3, v6;
	v10 =	vadd.f32 v63, v10;
	[tilespmem:s5+$0x0] =	vst.add.f32.msk $0xffff, v8  }
0x2ac: {  	s7 =	sadd.s32 s4, s6;
	s15 =	simm.s32 $0x200;
	s16 =	simm.s32 $0x40;
	v6 =	vadd.f32 v62, v11;
	v8 =	vadd.f32 v61, v9;
	v9 =	vld [tilespmem:s14+$0x280]  }
.LBB2_80:
0x2ad: {  	s21 =	sand.u32 $0x60, s16;
	s5 =	sand.u32 $0x400, s15;
	v11 =	vld [tilespmem:s14+$0x300]  }
0x2ae: {  	v4 =	vadd.f32 v5, v4;
	v6 =	vadd.f32 v10, v6;
	s8 =	sadd.s32 s5, s29;
	s4 =	sor.u32 $0x10, s21;
	v5 =	vld [tilespmem:s14+$0x380]  }
0x2af: {  	s6 =	sadd.s32 s21, s8;
	s8 =	sadd.s32 s4, s8;
	[tilespmem:s2+$0x0] =	vst.add.f32.msk $0xffff, v3;
	s2 =	smov.u32 s7  }
0x2b0: {  	v3 =	vadd.f32 v4, v8;
	v10 =	vld [tilespmem:s8+$0x0]  }
0x2b1: {  	v7 =	vadd.f32 v9, v7;
	v4 =	vld [tilespmem:s8+$0x80]  }
0x2b2: {  	v8 =	vld [tilespmem:s8+$0x100]  }
0x2b3: {  	v9 =	vld [tilespmem:s8+$0x180];
	v5 =	vadd.f32 v5, v11  }
0x2b4: {  	v11 =	vld [tilespmem:s8+$0x200]  }
0x2b5: {  	v12 =	vld [tilespmem:s8+$0x280];
	v5 =	vadd.f32 v5, v7  }
0x2b6: {  	s7 =	sadd.s32 s5, s26;
	v7 =	vld [tilespmem:s8+$0x300]  }
0x2b7: {  	s14 =	sadd.s32 s21, s7;
	s7 =	sadd.s32 s4, s7;
	v13 =	vld [tilespmem:s8+$0x380];
	v3 =	vadd.f32 v5, v3  }
0x2b8: {  	v5 =	vld [tilespmem:s7+$0x0]  }
0x2b9: {  	v14 =	vld [tilespmem:s7+$0x80];
	v3 =	vadd.f32 v3, v6  }
0x2ba: {  	v6 =	vld [tilespmem:s7+$0x100]  }
0x2bb: {  	v15 =	vld [tilespmem:s7+$0x180]  }
0x2bc: {  	s0 =	sadd.s32 $0x2, s0;
	v16 =	vld [tilespmem:s7+$0x200]  }
0x2bd: {  	p1 =	slt.u32 s0, $0xE;
	v17 =	vld [tilespmem:s7+$0x280]  }
0x2be: {  	v18 =	vld [tilespmem:s7+$0x300]  }
0x2bf: {  	v19 =	vld [tilespmem:s7+$0x380]  }
0x2c0: {  	v20 =	vld [tilespmem:s6+$0x0]  }
0x2c1: {  	v4 =	vadd.f32 v4, v10;
	v8 =	vadd.f32 v9, v8;
	v21 =	vld [tilespmem:s6+$0x80]  }
0x2c2: {  	v10 =	vadd.f32 v12, v11;
	v7 =	vadd.f32 v13, v7;
	v9 =	vld [tilespmem:s6+$0x100]  }
0x2c3: {  	v5 =	vadd.f32 v14, v5;
	v6 =	vadd.f32 v15, v6;
	v11 =	vld [tilespmem:s6+$0x180]  }
0x2c4: {  	v13 =	vadd.f32 v17, v16;
	v12 =	vld [tilespmem:s6+$0x200];
	v14 =	vadd.f32 v19, v18  }
0x2c5: {  	v4 =	vadd.f32 v8, v4;
	v7 =	vadd.f32 v7, v10;
	v15 =	vld [tilespmem:s6+$0x280]  }
0x2c6: {  	v5 =	vadd.f32 v6, v5;
	v8 =	vld [tilespmem:s6+$0x300];
	v6 =	vadd.f32 v14, v13  }
0x2c7: {  	v10 =	vadd.f32 v21, v20;
	v13 =	vld [tilespmem:s6+$0x380]  }
0x2c8: {  	v7 =	vadd.f32 v7, v4;
	v14 =	vld [tilespmem:s14+$0x0];
	v5 =	vadd.f32 v6, v5  }
0x2c9: {  	v6 =	vadd.f32 v11, v9;
	v9 =	vld [tilespmem:s14+$0x80]  }
.Ltmp31:
0x2ca: {  	s5 =	sadd.s32 s5, s31;
	v11 =	vadd.f32 v15, v12;
	v4 =	vld [tilespmem:s14+$0x100];
	v7 =	vadd.f32 v5, v7;
	(pc) =	sbr.rel @p1 .LBB2_80-.Ltmp31, $4  }
0x2cb: {  	s4 =	sadd.s32 s4, s5;
	s7 =	sadd.s32 s21, s5;
	v6 =	vadd.f32 v6, v10;
	v5 =	vld [tilespmem:s14+$0x180]  }
0x2cc: {  	v10 =	vadd.f32 v13, v8;
	[tilespmem:s4+$0x0] =	vst.add.f32.msk $0xffff, v7  }
0x2cd: {  	v7 =	vld [tilespmem:s14+$0x200]  }
0x2ce: {  	s15 =	sadd.s32 $0x100, s15;
	s16 =	sadd.s32 $0x20, s16;
	v8 =	vadd.f32 v9, v14;
	v9 =	vld [tilespmem:s14+$0x280];
	v10 =	vadd.f32 v10, v11  }
.Ltmp32:
0x2cf: {  	_ = 	snop;
	(pc) =	sbr.rel .LBB2_81-.Ltmp32, $1  }
0x2d0: {  	_ =	sdelay $0x3  }
.LBB2_46:
0x2d1: {  	_ = 	snop  }
0x2d2: {  	s2 =	sshra.s32 s0, $0x2  }
0x2d3: {  	s21 =	simm.s32 $0x0;
	s0 =	sor.u32 s30, s2  }
0x2d4: {  	s5 =	sand.u32 $0x400, s21;
	s4 =	sadd.s32 $0xA100, s0;
	s0 =	sand.u32 $0x60, s21  }
0x2d5: {  	s6 =	sadd.s32 s5, s29;
	s8 =	sor.u32 $0x10, s0  }
0x2d6: {  	s12 =	sadd.s32 s0, s6;
	s6 =	sadd.s32 s8, s6  }
0x2d7: {  	s14 =	simm.s32 $0x100;
	v4 =	vld [tilespmem:s6+$0x0]  }
0x2d8: {  	s7 =	simm.s32 $0x2;
	s15 =	simm.s32 $0x20;
	s16 =	sand.u32 $0x400, s14  }
0x2d9: {  	s5 =	sadd.s32 s5, s4;
	s21 =	sadd.s32 s16, s4;
	v5 =	vld [tilespmem:s12+$0x0];
	s6 =	sand.u32 $0x60, s15  }
0x2da: {  	s31 =	sadd.s32 s8, s5;
	s8 =	sadd.s32 s16, s29;
	s16 =	sor.u32 $0x10, s6  }
.LBB2_47:
0x2db: {  	s7 =	sadd.s32 $0x2, s7  }
0x2dc: {  	s12 =	sadd.s32 s6, s8;
	s8 =	sadd.s32 s16, s8;
	[tilespmem:s31+$0x0] =	vst.add.f32.msk $0xffff, v4;
	p1 =	slt.u32 s7, $0xE  }
.Ltmp33:
0x2dd: {  	s0 =	sadd.s32 s0, s5;
	v4 =	vld [tilespmem:s8+$0x0];
	(pc) =	sbr.rel @p1 .LBB2_47-.Ltmp33, $4  }
0x2de: {  	s5 =	smov.u32 s21;
	[tilespmem:s0+$0x0] =	vst.add.f32.msk $0xffff, v5;
	s0 =	smov.u32 s6  }
0x2df: {  	s14 =	sadd.s32 $0x100, s14;
	s15 =	sadd.s32 $0x20, s15;
	v5 =	vld [tilespmem:s12+$0x0]  }
0x2e0: {  	s31 =	sadd.s32 s16, s5;
	s6 =	sand.u32 $0x60, s15;
	s12 =	sand.u32 $0x400, s14  }
0x2e1: {  	s16 =	sor.u32 $0x10, s6;
	s8 =	sadd.s32 s12, s29;
	s21 =	sadd.s32 s12, s4  }
0x2e2: {  	(v2sf) =	vpush v3, $0x1;
	_ =	sdelay $0xd  }
0x2e3: {  	s14 =	sadd.s32 s6, s8  }
0x2e4: {  	s7 =	sadd.s32 s16, s8;
	v7 =	vld [tilespmem:s14+$0x0];
	s4 =	spop (v2sf)  }
0x2e5: {  	v6 =	vld [tilespmem:s7+$0x0];
	s12 =	sshrl.u32 s4, $0x3  }
0x2e6: {  	s5 =	sadd.s32 s0, s5;
	s7 =	sadd.s32 s6, s21;
	s15 =	smul.u32 $0x3000, s12  }
0x2e7: {  	[tilespmem:s31+$0x0] =	vst.add.f32.msk $0xffff, v4;
	s8 =	sshll.u32 s4, $0x7;
	s12 =	sadd.s32 s16, s21;
	s21 =	simm.s32 $0x0  }
0x2e8: {  	[tilespmem:s5+$0x0] =	vst.add.f32.msk $0xffff, v5;
	s0 =	sand.u32 $0x380, s8;
	s14 =	sand.u32 $0x400, s21;
	s4 =	sshra.s32 s15, $0x2  }
0x2e9: {  	[tilespmem:s7+$0x0] =	vst.add.f32.msk $0xffff, v7;
	s15 =	sadd.s32 s30, s2;
	s2 =	sand.u32 $0x60, s21;
	s16 =	sor.u32 s0, s4  }
0x2ea: {  	[tilespmem:s12+$0x0] =	vst.add.f32.msk $0xffff, v6;
	s12 =	sor.u32 $0x10, s2;
	s5 =	sadd.s32 $0xA100, s16;
	s16 =	sadd.s32 s14, s29  }
0x2eb: {  	[tilespmem:s15+$0xA900] =	vst.add.f32.msk $0xffff, v2;
	s15 =	simm.s32 $0x100;
	s8 =	sadd.s32 s12, s16  }
0x2ec: {  	s30 =	sand.u32 $0x400, s15;
	v4 =	vld [tilespmem:s8+$0x80]  }
0x2ed: {  	s6 =	sadd.s32 s14, s5;
	s21 =	sadd.s32 s2, s16;
	s16 =	simm.s32 $0x20  }
0x2ee: {  	s14 =	simm.s32 $0x2;
	s7 =	sand.u32 $0x60, s16;
	s31 =	sadd.s32 s12, s6;
	v5 =	vld [tilespmem:s21+$0x80]  }
0x2ef: {  	s8 =	sadd.s32 s30, s29;
	s30 =	sadd.s32 s30, s5;
	s21 =	sor.u32 $0x10, s7  }
.LBB2_49:
0x2f0: {  	s14 =	sadd.s32 $0x2, s14  }
0x2f1: {  	s12 =	sadd.s32 s7, s8;
	s8 =	sadd.s32 s21, s8;
	[tilespmem:s31+$0x0] =	vst.add.f32.msk $0xffff, v4;
	p1 =	slt.u32 s14, $0xE  }
.Ltmp34:
0x2f2: {  	s2 =	sadd.s32 s2, s6;
	v4 =	vld [tilespmem:s8+$0x80];
	(pc) =	sbr.rel @p1 .LBB2_49-.Ltmp34, $4  }
0x2f3: {  	s6 =	smov.u32 s30;
	[tilespmem:s2+$0x0] =	vst.add.f32.msk $0xffff, v5;
	s2 =	smov.u32 s7  }
0x2f4: {  	s15 =	sadd.s32 $0x100, s15;
	s16 =	sadd.s32 $0x20, s16;
	v5 =	vld [tilespmem:s12+$0x80]  }
0x2f5: {  	s31 =	sadd.s32 s21, s6;
	s7 =	sand.u32 $0x60, s16;
	s12 =	sand.u32 $0x400, s15  }
0x2f6: {  	s21 =	sor.u32 $0x10, s7;
	s8 =	sadd.s32 s12, s29;
	s30 =	sadd.s32 s12, s5  }
0x2f7: {  	(v2sf) =	vpush v3, $0x2;
	_ =	sdelay $0xe  }
0x2f8: {  	s12 =	sadd.s32 s21, s8;
	s5 =	spop (v2sf)  }
0x2f9: {  	s16 =	sadd.s32 s7, s8;
	v6 =	vld [tilespmem:s12+$0x80];
	s14 =	sshrl.u32 s5, $0x3  }
0x2fa: {  	v7 =	vld [tilespmem:s16+$0x80];
	s14 =	smul.u32 $0x3000, s14  }
0x2fb: {  	s6 =	sadd.s32 s2, s6;
	s7 =	sadd.s32 s7, s30;
	s15 =	sshll.u32 s5, $0x7  }
0x2fc: {  	[tilespmem:s31+$0x0] =	vst.add.f32.msk $0xffff, v4;
	s16 =	sadd.s32 s21, s30;
	s2 =	sand.u32 $0x380, s15;
	s5 =	sshra.s32 s14, $0x2  }
0x2fd: {  	s21 =	simm.s32 $0x0;
	[tilespmem:s6+$0x0] =	vst.add.f32.msk $0xffff, v5;
	s15 =	sadd.s32 s0, s4;
	s12 =	sor.u32 s2, s5  }
0x2fe: {  	[tilespmem:s16+$0x0] =	vst.add.f32.msk $0xffff, v6;
	s0 =	sand.u32 $0x60, s21;
	s4 =	sadd.s32 $0xA100, s12;
	s12 =	sand.u32 $0x400, s21  }
0x2ff: {  	[tilespmem:s7+$0x0] =	vst.add.f32.msk $0xffff, v7;
	s16 =	sadd.s32 s12, s29;
	s6 =	sadd.s32 s12, s4;
	s12 =	sor.u32 $0x10, s0  }
0x300: {  	[tilespmem:s15+$0xA900] =	vst.add.f32.msk $0xffff, v2;
	s8 =	sadd.s32 s12, s16  }
0x301: {  	s15 =	simm.s32 $0x100;
	v4 =	vld [tilespmem:s8+$0x100]  }
0x302: {  	s14 =	simm.s32 $0x2;
	s21 =	sadd.s32 s0, s16;
	s16 =	simm.s32 $0x20  }
0x303: {  	s30 =	sand.u32 $0x400, s15;
	s31 =	sadd.s32 s12, s6;
	s7 =	sand.u32 $0x60, s16;
	v5 =	vld [tilespmem:s21+$0x100]  }
0x304: {  	s8 =	sadd.s32 s30, s29;
	s30 =	sadd.s32 s30, s4;
	s21 =	sor.u32 $0x10, s7  }
.LBB2_51:
0x305: {  	s14 =	sadd.s32 $0x2, s14  }
0x306: {  	s12 =	sadd.s32 s7, s8;
	s8 =	sadd.s32 s21, s8;
	[tilespmem:s31+$0x0] =	vst.add.f32.msk $0xffff, v4;
	p1 =	slt.u32 s14, $0xE  }
.Ltmp35:
0x307: {  	s0 =	sadd.s32 s0, s6;
	v4 =	vld [tilespmem:s8+$0x100];
	(pc) =	sbr.rel @p1 .LBB2_51-.Ltmp35, $4  }
0x308: {  	s6 =	smov.u32 s30;
	[tilespmem:s0+$0x0] =	vst.add.f32.msk $0xffff, v5;
	s0 =	smov.u32 s7  }
0x309: {  	s15 =	sadd.s32 $0x100, s15;
	s16 =	sadd.s32 $0x20, s16;
	v5 =	vld [tilespmem:s12+$0x100]  }
0x30a: {  	s31 =	sadd.s32 s21, s6;
	s7 =	sand.u32 $0x60, s16;
	s12 =	sand.u32 $0x400, s15  }
0x30b: {  	s21 =	sor.u32 $0x10, s7;
	s8 =	sadd.s32 s12, s29;
	s30 =	sadd.s32 s12, s4  }
0x30c: {  	(v2sf) =	vpush v3, $0x3;
	_ =	sdelay $0xe  }
0x30d: {  	s12 =	sadd.s32 s21, s8;
	s4 =	spop (v2sf)  }
0x30e: {  	s16 =	sadd.s32 s7, s8;
	v6 =	vld [tilespmem:s12+$0x100];
	s14 =	sshrl.u32 s4, $0x3  }
0x30f: {  	v7 =	vld [tilespmem:s16+$0x100];
	s14 =	smul.u32 $0x3000, s14  }
0x310: {  	s6 =	sadd.s32 s0, s6;
	s7 =	sadd.s32 s7, s30;
	s15 =	sshll.u32 s4, $0x7  }
0x311: {  	[tilespmem:s31+$0x0] =	vst.add.f32.msk $0xffff, v4;
	s16 =	sadd.s32 s21, s30;
	s0 =	sand.u32 $0x380, s15;
	s4 =	sshra.s32 s14, $0x2  }
0x312: {  	s21 =	simm.s32 $0x0;
	[tilespmem:s6+$0x0] =	vst.add.f32.msk $0xffff, v5;
	s15 =	sadd.s32 s2, s5;
	s12 =	sor.u32 s0, s4  }
0x313: {  	[tilespmem:s16+$0x0] =	vst.add.f32.msk $0xffff, v6;
	s2 =	sand.u32 $0x60, s21;
	s5 =	sadd.s32 $0xA100, s12;
	s12 =	sand.u32 $0x400, s21  }
0x314: {  	[tilespmem:s7+$0x0] =	vst.add.f32.msk $0xffff, v7;
	s16 =	sadd.s32 s12, s29;
	s6 =	sadd.s32 s12, s5;
	s12 =	sor.u32 $0x10, s2  }
0x315: {  	[tilespmem:s15+$0xA900] =	vst.add.f32.msk $0xffff, v2;
	s8 =	sadd.s32 s12, s16  }
0x316: {  	s15 =	simm.s32 $0x100;
	v4 =	vld [tilespmem:s8+$0x180]  }
0x317: {  	s14 =	simm.s32 $0x2;
	s21 =	sadd.s32 s2, s16;
	s16 =	simm.s32 $0x20  }
0x318: {  	s30 =	sand.u32 $0x400, s15;
	s31 =	sadd.s32 s12, s6;
	s7 =	sand.u32 $0x60, s16;
	v5 =	vld [tilespmem:s21+$0x180]  }
0x319: {  	s8 =	sadd.s32 s30, s29;
	s30 =	sadd.s32 s30, s5;
	s21 =	sor.u32 $0x10, s7  }
.LBB2_53:
0x31a: {  	s14 =	sadd.s32 $0x2, s14  }
0x31b: {  	s12 =	sadd.s32 s7, s8;
	s8 =	sadd.s32 s21, s8;
	[tilespmem:s31+$0x0] =	vst.add.f32.msk $0xffff, v4;
	p1 =	slt.u32 s14, $0xE  }
.Ltmp36:
0x31c: {  	s2 =	sadd.s32 s2, s6;
	v4 =	vld [tilespmem:s8+$0x180];
	(pc) =	sbr.rel @p1 .LBB2_53-.Ltmp36, $4  }
0x31d: {  	s6 =	smov.u32 s30;
	[tilespmem:s2+$0x0] =	vst.add.f32.msk $0xffff, v5;
	s2 =	smov.u32 s7  }
0x31e: {  	s15 =	sadd.s32 $0x100, s15;
	s16 =	sadd.s32 $0x20, s16;
	v5 =	vld [tilespmem:s12+$0x180]  }
0x31f: {  	s31 =	sadd.s32 s21, s6;
	s7 =	sand.u32 $0x60, s16;
	s12 =	sand.u32 $0x400, s15  }
0x320: {  	s21 =	sor.u32 $0x10, s7;
	s8 =	sadd.s32 s12, s29;
	s30 =	sadd.s32 s12, s5  }
0x321: {  	(v2sf) =	vpush v3, $0x4;
	_ =	sdelay $0xe  }
0x322: {  	s12 =	sadd.s32 s21, s8;
	s5 =	spop (v2sf)  }
0x323: {  	s16 =	sadd.s32 s7, s8;
	v6 =	vld [tilespmem:s12+$0x180];
	s14 =	sshrl.u32 s5, $0x3  }
0x324: {  	v7 =	vld [tilespmem:s16+$0x180];
	s14 =	smul.u32 $0x3000, s14  }
0x325: {  	s6 =	sadd.s32 s2, s6;
	s7 =	sadd.s32 s7, s30;
	s15 =	sshll.u32 s5, $0x7  }
0x326: {  	[tilespmem:s31+$0x0] =	vst.add.f32.msk $0xffff, v4;
	s16 =	sadd.s32 s21, s30;
	s2 =	sand.u32 $0x380, s15;
	s5 =	sshra.s32 s14, $0x2  }
0x327: {  	s21 =	simm.s32 $0x0;
	[tilespmem:s6+$0x0] =	vst.add.f32.msk $0xffff, v5;
	s15 =	sadd.s32 s0, s4;
	s12 =	sor.u32 s2, s5  }
0x328: {  	[tilespmem:s16+$0x0] =	vst.add.f32.msk $0xffff, v6;
	s0 =	sand.u32 $0x60, s21;
	s4 =	sadd.s32 $0xA100, s12;
	s12 =	sand.u32 $0x400, s21  }
0x329: {  	[tilespmem:s7+$0x0] =	vst.add.f32.msk $0xffff, v7;
	s16 =	sadd.s32 s12, s29;
	s6 =	sadd.s32 s12, s4;
	s12 =	sor.u32 $0x10, s0  }
0x32a: {  	[tilespmem:s15+$0xA900] =	vst.add.f32.msk $0xffff, v2;
	s8 =	sadd.s32 s12, s16  }
0x32b: {  	s15 =	simm.s32 $0x100;
	v4 =	vld [tilespmem:s8+$0x200]  }
0x32c: {  	s14 =	simm.s32 $0x2;
	s21 =	sadd.s32 s0, s16;
	s16 =	simm.s32 $0x20  }
0x32d: {  	s30 =	sand.u32 $0x400, s15;
	s31 =	sadd.s32 s12, s6;
	s7 =	sand.u32 $0x60, s16;
	v5 =	vld [tilespmem:s21+$0x200]  }
0x32e: {  	s8 =	sadd.s32 s30, s29;
	s30 =	sadd.s32 s30, s4;
	s21 =	sor.u32 $0x10, s7  }
.LBB2_55:
0x32f: {  	s14 =	sadd.s32 $0x2, s14  }
0x330: {  	s12 =	sadd.s32 s7, s8;
	s8 =	sadd.s32 s21, s8;
	[tilespmem:s31+$0x0] =	vst.add.f32.msk $0xffff, v4;
	p1 =	slt.u32 s14, $0xE  }
.Ltmp37:
0x331: {  	s0 =	sadd.s32 s0, s6;
	v4 =	vld [tilespmem:s8+$0x200];
	(pc) =	sbr.rel @p1 .LBB2_55-.Ltmp37, $4  }
0x332: {  	s6 =	smov.u32 s30;
	[tilespmem:s0+$0x0] =	vst.add.f32.msk $0xffff, v5;
	s0 =	smov.u32 s7  }
0x333: {  	s15 =	sadd.s32 $0x100, s15;
	s16 =	sadd.s32 $0x20, s16;
	v5 =	vld [tilespmem:s12+$0x200]  }
0x334: {  	s31 =	sadd.s32 s21, s6;
	s7 =	sand.u32 $0x60, s16;
	s12 =	sand.u32 $0x400, s15  }
0x335: {  	s21 =	sor.u32 $0x10, s7;
	s8 =	sadd.s32 s12, s29;
	s30 =	sadd.s32 s12, s4  }
0x336: {  	(v2sf) =	vpush v3, $0x5;
	_ =	sdelay $0xe  }
0x337: {  	s12 =	sadd.s32 s21, s8;
	s4 =	spop (v2sf)  }
0x338: {  	s16 =	sadd.s32 s7, s8;
	v6 =	vld [tilespmem:s12+$0x200];
	s14 =	sshrl.u32 s4, $0x3  }
0x339: {  	v7 =	vld [tilespmem:s16+$0x200];
	s14 =	smul.u32 $0x3000, s14  }
0x33a: {  	s6 =	sadd.s32 s0, s6;
	s7 =	sadd.s32 s7, s30;
	s15 =	sshll.u32 s4, $0x7  }
0x33b: {  	[tilespmem:s31+$0x0] =	vst.add.f32.msk $0xffff, v4;
	s16 =	sadd.s32 s21, s30;
	s0 =	sand.u32 $0x380, s15;
	s4 =	sshra.s32 s14, $0x2  }
0x33c: {  	s21 =	simm.s32 $0x0;
	[tilespmem:s6+$0x0] =	vst.add.f32.msk $0xffff, v5;
	s15 =	sadd.s32 s2, s5;
	s12 =	sor.u32 s0, s4  }
0x33d: {  	[tilespmem:s16+$0x0] =	vst.add.f32.msk $0xffff, v6;
	s2 =	sand.u32 $0x60, s21;
	s5 =	sadd.s32 $0xA100, s12;
	s12 =	sand.u32 $0x400, s21  }
0x33e: {  	[tilespmem:s7+$0x0] =	vst.add.f32.msk $0xffff, v7;
	s16 =	sadd.s32 s12, s29;
	s6 =	sadd.s32 s12, s5;
	s12 =	sor.u32 $0x10, s2  }
0x33f: {  	[tilespmem:s15+$0xA900] =	vst.add.f32.msk $0xffff, v2;
	s8 =	sadd.s32 s12, s16  }
0x340: {  	s15 =	simm.s32 $0x100;
	v4 =	vld [tilespmem:s8+$0x280]  }
0x341: {  	s14 =	simm.s32 $0x2;
	s21 =	sadd.s32 s2, s16;
	s16 =	simm.s32 $0x20  }
0x342: {  	s30 =	sand.u32 $0x400, s15;
	s31 =	sadd.s32 s12, s6;
	s7 =	sand.u32 $0x60, s16;
	v5 =	vld [tilespmem:s21+$0x280]  }
0x343: {  	s8 =	sadd.s32 s30, s29;
	s30 =	sadd.s32 s30, s5;
	s21 =	sor.u32 $0x10, s7  }
.LBB2_57:
0x344: {  	s14 =	sadd.s32 $0x2, s14  }
0x345: {  	s12 =	sadd.s32 s7, s8;
	s8 =	sadd.s32 s21, s8;
	[tilespmem:s31+$0x0] =	vst.add.f32.msk $0xffff, v4;
	p1 =	slt.u32 s14, $0xE  }
.Ltmp38:
0x346: {  	s2 =	sadd.s32 s2, s6;
	v4 =	vld [tilespmem:s8+$0x280];
	(pc) =	sbr.rel @p1 .LBB2_57-.Ltmp38, $4  }
0x347: {  	s6 =	smov.u32 s30;
	[tilespmem:s2+$0x0] =	vst.add.f32.msk $0xffff, v5;
	s2 =	smov.u32 s7  }
0x348: {  	s15 =	sadd.s32 $0x100, s15;
	s16 =	sadd.s32 $0x20, s16;
	v5 =	vld [tilespmem:s12+$0x280]  }
0x349: {  	s31 =	sadd.s32 s21, s6;
	s7 =	sand.u32 $0x60, s16;
	s12 =	sand.u32 $0x400, s15  }
0x34a: {  	s21 =	sor.u32 $0x10, s7;
	s8 =	sadd.s32 s12, s29;
	s30 =	sadd.s32 s12, s5  }
0x34b: {  	(v2sf) =	vpush v3, $0x6;
	_ =	sdelay $0xe  }
0x34c: {  	s12 =	sadd.s32 s21, s8;
	s5 =	spop (v2sf)  }
0x34d: {  	s16 =	sadd.s32 s7, s8;
	v6 =	vld [tilespmem:s12+$0x280];
	s14 =	sshrl.u32 s5, $0x3  }
0x34e: {  	v7 =	vld [tilespmem:s16+$0x280];
	s14 =	smul.u32 $0x3000, s14  }
0x34f: {  	s6 =	sadd.s32 s2, s6;
	s7 =	sadd.s32 s7, s30;
	s15 =	sshll.u32 s5, $0x7  }
0x350: {  	[tilespmem:s31+$0x0] =	vst.add.f32.msk $0xffff, v4;
	s16 =	sadd.s32 s21, s30;
	s2 =	sand.u32 $0x380, s15;
	s5 =	sshra.s32 s14, $0x2  }
0x351: {  	s21 =	simm.s32 $0x0;
	[tilespmem:s6+$0x0] =	vst.add.f32.msk $0xffff, v5;
	s15 =	sadd.s32 s0, s4;
	s12 =	sor.u32 s2, s5  }
0x352: {  	[tilespmem:s16+$0x0] =	vst.add.f32.msk $0xffff, v6;
	s0 =	sand.u32 $0x60, s21;
	s4 =	sadd.s32 $0xA100, s12;
	s12 =	sand.u32 $0x400, s21  }
0x353: {  	[tilespmem:s7+$0x0] =	vst.add.f32.msk $0xffff, v7;
	s16 =	sadd.s32 s12, s29;
	s6 =	sadd.s32 s12, s4;
	s12 =	sor.u32 $0x10, s0  }
0x354: {  	[tilespmem:s15+$0xA900] =	vst.add.f32.msk $0xffff, v2;
	s8 =	sadd.s32 s12, s16  }
0x355: {  	s15 =	simm.s32 $0x100;
	v4 =	vld [tilespmem:s8+$0x300]  }
0x356: {  	s14 =	simm.s32 $0x2;
	s21 =	sadd.s32 s0, s16;
	s16 =	simm.s32 $0x20  }
0x357: {  	s30 =	sand.u32 $0x400, s15;
	s31 =	sadd.s32 s12, s6;
	s7 =	sand.u32 $0x60, s16;
	v5 =	vld [tilespmem:s21+$0x300]  }
0x358: {  	s8 =	sadd.s32 s30, s29;
	s30 =	sadd.s32 s30, s4;
	s21 =	sor.u32 $0x10, s7  }
.LBB2_59:
0x359: {  	s14 =	sadd.s32 $0x2, s14  }
0x35a: {  	s12 =	sadd.s32 s7, s8;
	s8 =	sadd.s32 s21, s8;
	[tilespmem:s31+$0x0] =	vst.add.f32.msk $0xffff, v4;
	p1 =	slt.u32 s14, $0xE  }
.Ltmp39:
0x35b: {  	s0 =	sadd.s32 s0, s6;
	v4 =	vld [tilespmem:s8+$0x300];
	(pc) =	sbr.rel @p1 .LBB2_59-.Ltmp39, $4  }
0x35c: {  	s6 =	smov.u32 s30;
	[tilespmem:s0+$0x0] =	vst.add.f32.msk $0xffff, v5;
	s0 =	smov.u32 s7  }
0x35d: {  	s15 =	sadd.s32 $0x100, s15;
	s16 =	sadd.s32 $0x20, s16;
	v5 =	vld [tilespmem:s12+$0x300]  }
0x35e: {  	s31 =	sadd.s32 s21, s6;
	s7 =	sand.u32 $0x60, s16;
	s12 =	sand.u32 $0x400, s15  }
0x35f: {  	s21 =	sor.u32 $0x10, s7;
	s8 =	sadd.s32 s12, s29;
	s30 =	sadd.s32 s12, s4  }
0x360: {  	(v2sf) =	vpush v3, $0x7;
	_ =	sdelay $0xe  }
0x361: {  	s12 =	sadd.s32 s21, s8;
	s4 =	spop (v2sf)  }
0x362: {  	s16 =	sadd.s32 s7, s8;
	v6 =	vld [tilespmem:s12+$0x300];
	s14 =	sshrl.u32 s4, $0x3  }
0x363: {  	v7 =	vld [tilespmem:s16+$0x300];
	s14 =	smul.u32 $0x3000, s14  }
0x364: {  	s6 =	sadd.s32 s0, s6;
	s7 =	sadd.s32 s7, s30;
	s15 =	sshll.u32 s4, $0x7  }
0x365: {  	[tilespmem:s31+$0x0] =	vst.add.f32.msk $0xffff, v4;
	s16 =	sadd.s32 s21, s30;
	s0 =	sand.u32 $0x380, s15;
	s4 =	sshra.s32 s14, $0x2  }
0x366: {  	s21 =	simm.s32 $0x0;
	[tilespmem:s6+$0x0] =	vst.add.f32.msk $0xffff, v5;
	s15 =	sadd.s32 s2, s5;
	s12 =	sor.u32 s0, s4  }
0x367: {  	[tilespmem:s16+$0x0] =	vst.add.f32.msk $0xffff, v6;
	s2 =	sand.u32 $0x60, s21;
	s5 =	sadd.s32 $0xA100, s12;
	s12 =	sand.u32 $0x400, s21  }
0x368: {  	[tilespmem:s7+$0x0] =	vst.add.f32.msk $0xffff, v7;
	s16 =	sadd.s32 s12, s29;
	s6 =	sadd.s32 s12, s5;
	s12 =	sor.u32 $0x10, s2  }
0x369: {  	[tilespmem:s15+$0xA900] =	vst.add.f32.msk $0xffff, v2;
	s8 =	sadd.s32 s12, s16  }
0x36a: {  	s15 =	simm.s32 $0x100;
	v4 =	vld [tilespmem:s8+$0x380]  }
0x36b: {  	s14 =	simm.s32 $0x2;
	s21 =	sadd.s32 s2, s16;
	s16 =	simm.s32 $0x20  }
0x36c: {  	s30 =	sand.u32 $0x400, s15;
	s31 =	sadd.s32 s12, s6;
	s7 =	sand.u32 $0x60, s16;
	v5 =	vld [tilespmem:s21+$0x380]  }
0x36d: {  	s8 =	sadd.s32 s30, s29;
	s30 =	sadd.s32 s30, s5;
	s21 =	sor.u32 $0x10, s7  }
.LBB2_61:
0x36e: {  	s14 =	sadd.s32 $0x2, s14  }
0x36f: {  	s12 =	sadd.s32 s7, s8;
	s8 =	sadd.s32 s21, s8;
	[tilespmem:s31+$0x0] =	vst.add.f32.msk $0xffff, v4;
	p1 =	slt.u32 s14, $0xE  }
.Ltmp40:
0x370: {  	s2 =	sadd.s32 s2, s6;
	v4 =	vld [tilespmem:s8+$0x380];
	(pc) =	sbr.rel @p1 .LBB2_61-.Ltmp40, $4  }
0x371: {  	s6 =	smov.u32 s30;
	[tilespmem:s2+$0x0] =	vst.add.f32.msk $0xffff, v5;
	s2 =	smov.u32 s7  }
0x372: {  	s15 =	sadd.s32 $0x100, s15;
	s16 =	sadd.s32 $0x20, s16;
	v5 =	vld [tilespmem:s12+$0x380]  }
0x373: {  	s31 =	sadd.s32 s21, s6;
	s7 =	sand.u32 $0x60, s16;
	s12 =	sand.u32 $0x400, s15  }
0x374: {  	s21 =	sor.u32 $0x10, s7;
	s8 =	sadd.s32 s12, s29;
	s30 =	sadd.s32 s12, s5  }
0x375: {  	(v2sf) =	vpush v3, $0x8;
	_ =	sdelay $0xe  }
0x376: {  	s12 =	sadd.s32 s21, s8;
	s5 =	spop (v2sf)  }
0x377: {  	s16 =	sadd.s32 s7, s8;
	v6 =	vld [tilespmem:s12+$0x380];
	s14 =	sshrl.u32 s5, $0x3  }
0x378: {  	v7 =	vld [tilespmem:s16+$0x380];
	s14 =	smul.u32 $0x3000, s14  }
0x379: {  	s6 =	sadd.s32 s2, s6;
	[tilespmem:s31+$0x0] =	vst.add.f32.msk $0xffff, v4;
	s31 =	simm.s32 $0x0;
	s15 =	sshll.u32 s5, $0x7  }
0x37a: {  	s16 =	sadd.s32 s21, s30;
	s2 =	sand.u32 $0x380, s15;
	s5 =	sshra.s32 s14, $0x2  }
0x37b: {  	s21 =	sadd.s32 s7, s30;
	[tilespmem:s6+$0x0] =	vst.add.f32.msk $0xffff, v5;
	s15 =	sadd.s32 s0, s4;
	s12 =	sor.u32 s2, s5  }
0x37c: {  	[tilespmem:s16+$0x0] =	vst.add.f32.msk $0xffff, v6;
	s0 =	sand.u32 $0x60, s31;
	s4 =	sadd.s32 $0xA100, s12;
	s12 =	sand.u32 $0x400, s31  }
0x37d: {  	[tilespmem:s21+$0x0] =	vst.add.f32.msk $0xffff, v7;
	s16 =	sadd.s32 s12, s26;
	s6 =	sadd.s32 s12, s4;
	s12 =	sor.u32 $0x10, s0  }
0x37e: {  	[tilespmem:s15+$0xA900] =	vst.add.f32.msk $0xffff, v2;
	s31 =	sadd.s32 s12, s16  }
0x37f: {  	s15 =	simm.s32 $0x100;
	v4 =	vld [tilespmem:s31+$0x0]  }
0x380: {  	s29 =	sand.u32 $0x400, s15;
	s21 =	sadd.s32 s0, s16;
	s16 =	simm.s32 $0x20  }
0x381: {  	s14 =	simm.s32 $0x2;
	s8 =	sadd.s32 s29, s26;
	s7 =	sand.u32 $0x60, s16;
	v5 =	vld [tilespmem:s21+$0x0]  }
0x382: {  	s29 =	sadd.s32 s29, s4;
	s30 =	sadd.s32 s12, s6;
	s21 =	sor.u32 $0x10, s7  }
.LBB2_63:
0x383: {  	s14 =	sadd.s32 $0x2, s14  }
0x384: {  	s12 =	sadd.s32 s7, s8;
	s8 =	sadd.s32 s21, s8;
	[tilespmem:s30+$0x0] =	vst.add.f32.msk $0xffff, v4;
	p1 =	slt.u32 s14, $0xE  }
.Ltmp41:
0x385: {  	s0 =	sadd.s32 s0, s6;
	v4 =	vld [tilespmem:s8+$0x0];
	(pc) =	sbr.rel @p1 .LBB2_63-.Ltmp41, $4  }
0x386: {  	s6 =	smov.u32 s29;
	[tilespmem:s0+$0x0] =	vst.add.f32.msk $0xffff, v5;
	s0 =	smov.u32 s7  }
0x387: {  	s15 =	sadd.s32 $0x100, s15;
	s16 =	sadd.s32 $0x20, s16;
	v5 =	vld [tilespmem:s12+$0x0]  }
0x388: {  	s30 =	sadd.s32 s21, s6;
	s7 =	sand.u32 $0x60, s16;
	s12 =	sand.u32 $0x400, s15  }
0x389: {  	s21 =	sor.u32 $0x10, s7;
	s8 =	sadd.s32 s12, s26;
	s29 =	sadd.s32 s12, s4  }
0x38a: {  	(v2sf) =	vpush v3, $0x9;
	_ =	sdelay $0xe  }
0x38b: {  	s12 =	sadd.s32 s21, s8;
	s4 =	spop (v2sf)  }
0x38c: {  	s31 =	sadd.s32 s7, s8;
	v6 =	vld [tilespmem:s12+$0x0];
	s14 =	sshrl.u32 s4, $0x3  }
0x38d: {  	v7 =	vld [tilespmem:s31+$0x0];
	s14 =	smul.u32 $0x3000, s14  }
0x38e: {  	s6 =	sadd.s32 s0, s6;
	s16 =	sadd.s32 s21, s29;
	s15 =	sshll.u32 s4, $0x7  }
0x38f: {  	[tilespmem:s30+$0x0] =	vst.add.f32.msk $0xffff, v4;
	s21 =	sadd.s32 s7, s29;
	s0 =	sand.u32 $0x380, s15;
	s4 =	sshra.s32 s14, $0x2  }
0x390: {  	s31 =	simm.s32 $0x0;
	[tilespmem:s6+$0x0] =	vst.add.f32.msk $0xffff, v5;
	s15 =	sadd.s32 s2, s5;
	s12 =	sor.u32 s0, s4  }
0x391: {  	[tilespmem:s16+$0x0] =	vst.add.f32.msk $0xffff, v6;
	s2 =	sand.u32 $0x60, s31;
	s5 =	sadd.s32 $0xA100, s12;
	s12 =	sand.u32 $0x400, s31  }
0x392: {  	[tilespmem:s21+$0x0] =	vst.add.f32.msk $0xffff, v7;
	s16 =	sadd.s32 s12, s26;
	s6 =	sadd.s32 s12, s5;
	s12 =	sor.u32 $0x10, s2  }
0x393: {  	[tilespmem:s15+$0xA900] =	vst.add.f32.msk $0xffff, v2;
	s31 =	sadd.s32 s12, s16  }
0x394: {  	s15 =	simm.s32 $0x100;
	v4 =	vld [tilespmem:s31+$0x80]  }
0x395: {  	s29 =	sand.u32 $0x400, s15;
	s21 =	sadd.s32 s2, s16;
	s16 =	simm.s32 $0x20  }
0x396: {  	s14 =	simm.s32 $0x2;
	s8 =	sadd.s32 s29, s26;
	s7 =	sand.u32 $0x60, s16;
	v5 =	vld [tilespmem:s21+$0x80]  }
0x397: {  	s29 =	sadd.s32 s29, s5;
	s30 =	sadd.s32 s12, s6;
	s21 =	sor.u32 $0x10, s7  }
.LBB2_65:
0x398: {  	s14 =	sadd.s32 $0x2, s14  }
0x399: {  	s12 =	sadd.s32 s7, s8;
	s8 =	sadd.s32 s21, s8;
	[tilespmem:s30+$0x0] =	vst.add.f32.msk $0xffff, v4;
	p1 =	slt.u32 s14, $0xE  }
.Ltmp42:
0x39a: {  	s2 =	sadd.s32 s2, s6;
	v4 =	vld [tilespmem:s8+$0x80];
	(pc) =	sbr.rel @p1 .LBB2_65-.Ltmp42, $4  }
0x39b: {  	s6 =	smov.u32 s29;
	[tilespmem:s2+$0x0] =	vst.add.f32.msk $0xffff, v5;
	s2 =	smov.u32 s7  }
0x39c: {  	s15 =	sadd.s32 $0x100, s15;
	s16 =	sadd.s32 $0x20, s16;
	v5 =	vld [tilespmem:s12+$0x80]  }
0x39d: {  	s30 =	sadd.s32 s21, s6;
	s7 =	sand.u32 $0x60, s16;
	s12 =	sand.u32 $0x400, s15  }
0x39e: {  	s21 =	sor.u32 $0x10, s7;
	s8 =	sadd.s32 s12, s26;
	s29 =	sadd.s32 s12, s5  }
0x39f: {  	(v2sf) =	vpush v3, $0xA;
	_ =	sdelay $0xe  }
0x3a0: {  	s12 =	sadd.s32 s21, s8;
	s5 =	spop (v2sf)  }
0x3a1: {  	s31 =	sadd.s32 s7, s8;
	v6 =	vld [tilespmem:s12+$0x80];
	s14 =	sshrl.u32 s5, $0x3  }
0x3a2: {  	v7 =	vld [tilespmem:s31+$0x80];
	s14 =	smul.u32 $0x3000, s14  }
0x3a3: {  	s6 =	sadd.s32 s2, s6;
	s16 =	sadd.s32 s21, s29;
	s15 =	sshll.u32 s5, $0x7  }
0x3a4: {  	[tilespmem:s30+$0x0] =	vst.add.f32.msk $0xffff, v4;
	s21 =	sadd.s32 s7, s29;
	s2 =	sand.u32 $0x380, s15;
	s5 =	sshra.s32 s14, $0x2  }
0x3a5: {  	s31 =	simm.s32 $0x0;
	[tilespmem:s6+$0x0] =	vst.add.f32.msk $0xffff, v5;
	s15 =	sadd.s32 s0, s4;
	s12 =	sor.u32 s2, s5  }
0x3a6: {  	[tilespmem:s16+$0x0] =	vst.add.f32.msk $0xffff, v6;
	s0 =	sand.u32 $0x60, s31;
	s4 =	sadd.s32 $0xA100, s12;
	s12 =	sand.u32 $0x400, s31  }
0x3a7: {  	[tilespmem:s21+$0x0] =	vst.add.f32.msk $0xffff, v7;
	s16 =	sadd.s32 s12, s26;
	s6 =	sadd.s32 s12, s4;
	s12 =	sor.u32 $0x10, s0  }
0x3a8: {  	[tilespmem:s15+$0xA900] =	vst.add.f32.msk $0xffff, v2;
	s31 =	sadd.s32 s12, s16  }
0x3a9: {  	s15 =	simm.s32 $0x100;
	v4 =	vld [tilespmem:s31+$0x100]  }
0x3aa: {  	s29 =	sand.u32 $0x400, s15;
	s21 =	sadd.s32 s0, s16;
	s16 =	simm.s32 $0x20  }
0x3ab: {  	s14 =	simm.s32 $0x2;
	s8 =	sadd.s32 s29, s26;
	s7 =	sand.u32 $0x60, s16;
	v5 =	vld [tilespmem:s21+$0x100]  }
0x3ac: {  	s29 =	sadd.s32 s29, s4;
	s30 =	sadd.s32 s12, s6;
	s21 =	sor.u32 $0x10, s7  }
.LBB2_67:
0x3ad: {  	s14 =	sadd.s32 $0x2, s14  }
0x3ae: {  	s12 =	sadd.s32 s7, s8;
	s8 =	sadd.s32 s21, s8;
	[tilespmem:s30+$0x0] =	vst.add.f32.msk $0xffff, v4;
	p1 =	slt.u32 s14, $0xE  }
.Ltmp43:
0x3af: {  	s0 =	sadd.s32 s0, s6;
	v4 =	vld [tilespmem:s8+$0x100];
	(pc) =	sbr.rel @p1 .LBB2_67-.Ltmp43, $4  }
0x3b0: {  	s6 =	smov.u32 s29;
	[tilespmem:s0+$0x0] =	vst.add.f32.msk $0xffff, v5;
	s0 =	smov.u32 s7  }
0x3b1: {  	s15 =	sadd.s32 $0x100, s15;
	s16 =	sadd.s32 $0x20, s16;
	v5 =	vld [tilespmem:s12+$0x100]  }
0x3b2: {  	s30 =	sadd.s32 s21, s6;
	s7 =	sand.u32 $0x60, s16;
	s12 =	sand.u32 $0x400, s15  }
0x3b3: {  	s21 =	sor.u32 $0x10, s7;
	s8 =	sadd.s32 s12, s26;
	s29 =	sadd.s32 s12, s4  }
0x3b4: {  	(v2sf) =	vpush v3, $0xB;
	_ =	sdelay $0xe  }
0x3b5: {  	s12 =	sadd.s32 s21, s8;
	s4 =	spop (v2sf)  }
0x3b6: {  	s31 =	sadd.s32 s7, s8;
	v6 =	vld [tilespmem:s12+$0x100];
	s14 =	sshrl.u32 s4, $0x3  }
0x3b7: {  	v7 =	vld [tilespmem:s31+$0x100];
	s14 =	smul.u32 $0x3000, s14  }
0x3b8: {  	s6 =	sadd.s32 s0, s6;
	s16 =	sadd.s32 s21, s29;
	s15 =	sshll.u32 s4, $0x7  }
0x3b9: {  	[tilespmem:s30+$0x0] =	vst.add.f32.msk $0xffff, v4;
	s21 =	sadd.s32 s7, s29;
	s0 =	sand.u32 $0x380, s15;
	s4 =	sshra.s32 s14, $0x2  }
0x3ba: {  	s31 =	simm.s32 $0x0;
	[tilespmem:s6+$0x0] =	vst.add.f32.msk $0xffff, v5;
	s15 =	sadd.s32 s2, s5;
	s12 =	sor.u32 s0, s4  }
0x3bb: {  	[tilespmem:s16+$0x0] =	vst.add.f32.msk $0xffff, v6;
	s2 =	sand.u32 $0x60, s31;
	s5 =	sadd.s32 $0xA100, s12;
	s12 =	sand.u32 $0x400, s31  }
0x3bc: {  	[tilespmem:s21+$0x0] =	vst.add.f32.msk $0xffff, v7;
	s16 =	sadd.s32 s12, s26;
	s6 =	sadd.s32 s12, s5;
	s12 =	sor.u32 $0x10, s2  }
0x3bd: {  	[tilespmem:s15+$0xA900] =	vst.add.f32.msk $0xffff, v2;
	s31 =	sadd.s32 s12, s16  }
0x3be: {  	s15 =	simm.s32 $0x100;
	v4 =	vld [tilespmem:s31+$0x180]  }
0x3bf: {  	s29 =	sand.u32 $0x400, s15;
	s21 =	sadd.s32 s2, s16;
	s16 =	simm.s32 $0x20  }
0x3c0: {  	s14 =	simm.s32 $0x2;
	s8 =	sadd.s32 s29, s26;
	s7 =	sand.u32 $0x60, s16;
	v5 =	vld [tilespmem:s21+$0x180]  }
0x3c1: {  	s29 =	sadd.s32 s29, s5;
	s30 =	sadd.s32 s12, s6;
	s21 =	sor.u32 $0x10, s7  }
.LBB2_69:
0x3c2: {  	s14 =	sadd.s32 $0x2, s14  }
0x3c3: {  	s12 =	sadd.s32 s7, s8;
	s8 =	sadd.s32 s21, s8;
	[tilespmem:s30+$0x0] =	vst.add.f32.msk $0xffff, v4;
	p1 =	slt.u32 s14, $0xE  }
.Ltmp44:
0x3c4: {  	s2 =	sadd.s32 s2, s6;
	v4 =	vld [tilespmem:s8+$0x180];
	(pc) =	sbr.rel @p1 .LBB2_69-.Ltmp44, $4  }
0x3c5: {  	s6 =	smov.u32 s29;
	[tilespmem:s2+$0x0] =	vst.add.f32.msk $0xffff, v5;
	s2 =	smov.u32 s7  }
0x3c6: {  	s15 =	sadd.s32 $0x100, s15;
	s16 =	sadd.s32 $0x20, s16;
	v5 =	vld [tilespmem:s12+$0x180]  }
0x3c7: {  	s30 =	sadd.s32 s21, s6;
	s7 =	sand.u32 $0x60, s16;
	s12 =	sand.u32 $0x400, s15  }
0x3c8: {  	s21 =	sor.u32 $0x10, s7;
	s8 =	sadd.s32 s12, s26;
	s29 =	sadd.s32 s12, s5  }
0x3c9: {  	(v2sf) =	vpush v3, $0xC;
	_ =	sdelay $0xe  }
0x3ca: {  	s12 =	sadd.s32 s21, s8;
	s5 =	spop (v2sf)  }
0x3cb: {  	s31 =	sadd.s32 s7, s8;
	v6 =	vld [tilespmem:s12+$0x180];
	s14 =	sshrl.u32 s5, $0x3  }
0x3cc: {  	v7 =	vld [tilespmem:s31+$0x180];
	s14 =	smul.u32 $0x3000, s14  }
0x3cd: {  	s6 =	sadd.s32 s2, s6;
	s16 =	sadd.s32 s21, s29;
	s15 =	sshll.u32 s5, $0x7  }
0x3ce: {  	[tilespmem:s30+$0x0] =	vst.add.f32.msk $0xffff, v4;
	s21 =	sadd.s32 s7, s29;
	s2 =	sand.u32 $0x380, s15;
	s5 =	sshra.s32 s14, $0x2  }
0x3cf: {  	s31 =	simm.s32 $0x0;
	[tilespmem:s6+$0x0] =	vst.add.f32.msk $0xffff, v5;
	s15 =	sadd.s32 s0, s4;
	s12 =	sor.u32 s2, s5  }
0x3d0: {  	[tilespmem:s16+$0x0] =	vst.add.f32.msk $0xffff, v6;
	s0 =	sand.u32 $0x60, s31;
	s4 =	sadd.s32 $0xA100, s12;
	s12 =	sand.u32 $0x400, s31  }
0x3d1: {  	[tilespmem:s21+$0x0] =	vst.add.f32.msk $0xffff, v7;
	s16 =	sadd.s32 s12, s26;
	s6 =	sadd.s32 s12, s4;
	s12 =	sor.u32 $0x10, s0  }
0x3d2: {  	[tilespmem:s15+$0xA900] =	vst.add.f32.msk $0xffff, v2;
	s31 =	sadd.s32 s12, s16  }
0x3d3: {  	s15 =	simm.s32 $0x100;
	v4 =	vld [tilespmem:s31+$0x200]  }
0x3d4: {  	s29 =	sand.u32 $0x400, s15;
	s21 =	sadd.s32 s0, s16;
	s16 =	simm.s32 $0x20  }
0x3d5: {  	s14 =	simm.s32 $0x2;
	s8 =	sadd.s32 s29, s26;
	s7 =	sand.u32 $0x60, s16;
	v5 =	vld [tilespmem:s21+$0x200]  }
0x3d6: {  	s29 =	sadd.s32 s29, s4;
	s30 =	sadd.s32 s12, s6;
	s21 =	sor.u32 $0x10, s7  }
.LBB2_71:
0x3d7: {  	s14 =	sadd.s32 $0x2, s14  }
0x3d8: {  	s12 =	sadd.s32 s7, s8;
	s8 =	sadd.s32 s21, s8;
	[tilespmem:s30+$0x0] =	vst.add.f32.msk $0xffff, v4;
	p1 =	slt.u32 s14, $0xE  }
.Ltmp45:
0x3d9: {  	s0 =	sadd.s32 s0, s6;
	v4 =	vld [tilespmem:s8+$0x200];
	(pc) =	sbr.rel @p1 .LBB2_71-.Ltmp45, $4  }
0x3da: {  	s6 =	smov.u32 s29;
	[tilespmem:s0+$0x0] =	vst.add.f32.msk $0xffff, v5;
	s0 =	smov.u32 s7  }
0x3db: {  	s15 =	sadd.s32 $0x100, s15;
	s16 =	sadd.s32 $0x20, s16;
	v5 =	vld [tilespmem:s12+$0x200]  }
0x3dc: {  	s30 =	sadd.s32 s21, s6;
	s7 =	sand.u32 $0x60, s16;
	s12 =	sand.u32 $0x400, s15  }
0x3dd: {  	s21 =	sor.u32 $0x10, s7;
	s8 =	sadd.s32 s12, s26;
	s29 =	sadd.s32 s12, s4  }
0x3de: {  	(v2sf) =	vpush v3, $0xD;
	_ =	sdelay $0xe  }
0x3df: {  	s12 =	sadd.s32 s21, s8;
	s4 =	spop (v2sf)  }
0x3e0: {  	s31 =	sadd.s32 s7, s8;
	v6 =	vld [tilespmem:s12+$0x200];
	s14 =	sshrl.u32 s4, $0x3  }
0x3e1: {  	v7 =	vld [tilespmem:s31+$0x200];
	s14 =	smul.u32 $0x3000, s14  }
0x3e2: {  	s6 =	sadd.s32 s0, s6;
	s16 =	sadd.s32 s21, s29;
	s15 =	sshll.u32 s4, $0x7  }
0x3e3: {  	[tilespmem:s30+$0x0] =	vst.add.f32.msk $0xffff, v4;
	s21 =	sadd.s32 s7, s29;
	s0 =	sand.u32 $0x380, s15;
	s4 =	sshra.s32 s14, $0x2  }
0x3e4: {  	s31 =	simm.s32 $0x0;
	[tilespmem:s6+$0x0] =	vst.add.f32.msk $0xffff, v5;
	s15 =	sadd.s32 s2, s5;
	s12 =	sor.u32 s0, s4  }
0x3e5: {  	[tilespmem:s16+$0x0] =	vst.add.f32.msk $0xffff, v6;
	s2 =	sand.u32 $0x60, s31;
	s5 =	sadd.s32 $0xA100, s12;
	s12 =	sand.u32 $0x400, s31  }
0x3e6: {  	[tilespmem:s21+$0x0] =	vst.add.f32.msk $0xffff, v7;
	s16 =	sadd.s32 s12, s26;
	s6 =	sadd.s32 s12, s5;
	s12 =	sor.u32 $0x10, s2  }
0x3e7: {  	[tilespmem:s15+$0xA900] =	vst.add.f32.msk $0xffff, v2;
	s31 =	sadd.s32 s12, s16  }
0x3e8: {  	s15 =	simm.s32 $0x100;
	v4 =	vld [tilespmem:s31+$0x280]  }
0x3e9: {  	s29 =	sand.u32 $0x400, s15;
	s21 =	sadd.s32 s2, s16;
	s16 =	simm.s32 $0x20  }
0x3ea: {  	s14 =	simm.s32 $0x2;
	s8 =	sadd.s32 s29, s26;
	s7 =	sand.u32 $0x60, s16;
	v5 =	vld [tilespmem:s21+$0x280]  }
0x3eb: {  	s29 =	sadd.s32 s29, s5;
	s30 =	sadd.s32 s12, s6;
	s21 =	sor.u32 $0x10, s7  }
.LBB2_73:
0x3ec: {  	s14 =	sadd.s32 $0x2, s14  }
0x3ed: {  	s12 =	sadd.s32 s7, s8;
	s8 =	sadd.s32 s21, s8;
	[tilespmem:s30+$0x0] =	vst.add.f32.msk $0xffff, v4;
	p1 =	slt.u32 s14, $0xE  }
.Ltmp46:
0x3ee: {  	s2 =	sadd.s32 s2, s6;
	v4 =	vld [tilespmem:s8+$0x280];
	(pc) =	sbr.rel @p1 .LBB2_73-.Ltmp46, $4  }
0x3ef: {  	s6 =	smov.u32 s29;
	[tilespmem:s2+$0x0] =	vst.add.f32.msk $0xffff, v5;
	s2 =	smov.u32 s7  }
0x3f0: {  	s15 =	sadd.s32 $0x100, s15;
	s16 =	sadd.s32 $0x20, s16;
	v5 =	vld [tilespmem:s12+$0x280]  }
0x3f1: {  	s30 =	sadd.s32 s21, s6;
	s7 =	sand.u32 $0x60, s16;
	s12 =	sand.u32 $0x400, s15  }
0x3f2: {  	s21 =	sor.u32 $0x10, s7;
	s8 =	sadd.s32 s12, s26;
	s29 =	sadd.s32 s12, s5  }
0x3f3: {  	(v2sf) =	vpush v3, $0xE;
	_ =	sdelay $0xe  }
0x3f4: {  	s12 =	sadd.s32 s21, s8;
	s5 =	spop (v2sf)  }
0x3f5: {  	s31 =	sadd.s32 s7, s8;
	v3 =	vld [tilespmem:s12+$0x280];
	s14 =	sshrl.u32 s5, $0x3  }
0x3f6: {  	v6 =	vld [tilespmem:s31+$0x280];
	s14 =	smul.u32 $0x3000, s14  }
0x3f7: {  	s6 =	sadd.s32 s2, s6;
	s16 =	sadd.s32 s21, s29;
	s15 =	sshll.u32 s5, $0x7  }
0x3f8: {  	[tilespmem:s30+$0x0] =	vst.add.f32.msk $0xffff, v4;
	s21 =	sadd.s32 s7, s29;
	s2 =	sand.u32 $0x380, s15;
	s5 =	sshra.s32 s14, $0x2  }
0x3f9: {  	s31 =	simm.s32 $0x0;
	[tilespmem:s6+$0x0] =	vst.add.f32.msk $0xffff, v5;
	s15 =	sadd.s32 s0, s4;
	s12 =	sor.u32 s2, s5  }
0x3fa: {  	[tilespmem:s16+$0x0] =	vst.add.f32.msk $0xffff, v3;
	s0 =	sand.u32 $0x60, s31;
	s4 =	sadd.s32 $0xA100, s12;
	s12 =	sand.u32 $0x400, s31  }
0x3fb: {  	[tilespmem:s21+$0x0] =	vst.add.f32.msk $0xffff, v6;
	s21 =	sor.u32 $0x10, s0;
	s16 =	sadd.s32 s12, s26  }
0x3fc: {  	[tilespmem:s15+$0xA900] =	vst.add.f32.msk $0xffff, v2;
	s8 =	sadd.s32 s21, s16  }
0x3fd: {  	s7 =	simm.s32 $0x2;
	s15 =	simm.s32 $0x100;
	v3 =	vld [tilespmem:s8+$0x300]  }
0x3fe: {  	s6 =	sadd.s32 s12, s4;
	s31 =	sadd.s32 s0, s16;
	s16 =	simm.s32 $0x20  }
0x3ff: {  	s29 =	sand.u32 $0x400, s15;
	s30 =	sadd.s32 s21, s6;
	s14 =	sand.u32 $0x60, s16;
	v4 =	vld [tilespmem:s31+$0x300]  }
0x400: {  	s8 =	sadd.s32 s29, s26;
	s29 =	sadd.s32 s29, s4;
	s21 =	sor.u32 $0x10, s14  }
.LBB2_75:
0x401: {  	s7 =	sadd.s32 $0x2, s7  }
0x402: {  	s12 =	sadd.s32 s14, s8;
	s8 =	sadd.s32 s21, s8;
	[tilespmem:s30+$0x0] =	vst.add.f32.msk $0xffff, v3;
	p1 =	slt.u32 s7, $0xE  }
.Ltmp47:
0x403: {  	s0 =	sadd.s32 s0, s6;
	v3 =	vld [tilespmem:s8+$0x300];
	(pc) =	sbr.rel @p1 .LBB2_75-.Ltmp47, $4  }
0x404: {  	s6 =	smov.u32 s29;
	[tilespmem:s0+$0x0] =	vst.add.f32.msk $0xffff, v4;
	s0 =	smov.u32 s14  }
0x405: {  	s15 =	sadd.s32 $0x100, s15;
	s16 =	sadd.s32 $0x20, s16;
	v4 =	vld [tilespmem:s12+$0x300]  }
0x406: {  	s30 =	sadd.s32 s21, s6;
	s14 =	sand.u32 $0x60, s16;
	s12 =	sand.u32 $0x400, s15  }
0x407: {  	s21 =	sor.u32 $0x10, s14;
	s8 =	sadd.s32 s12, s26;
	s29 =	sadd.s32 s12, s4  }
0x408: {  	s4 =	sadd.s32 s21, s8  }
0x409: {  	s7 =	sshrl.u32 s28, $0x3;
	s12 =	sadd.s32 s14, s8;
	v5 =	vld [tilespmem:s4+$0x300]  }
0x40a: {  	s15 =	smul.u32 $0x3000, s7;
	v6 =	vld [tilespmem:s12+$0x300]  }
0x40b: {  	s6 =	sadd.s32 s0, s6;
	s16 =	sshll.u32 s28, $0x7;
	s21 =	sadd.s32 s21, s29  }
0x40c: {  	[tilespmem:s30+$0x0] =	vst.add.f32.msk $0xffff, v3;
	s30 =	sadd.s32 s14, s29;
	s0 =	sand.u32 $0x380, s16;
	s4 =	sshra.s32 s15, $0x2  }
0x40d: {  	s31 =	simm.s32 $0x0;
	[tilespmem:s6+$0x0] =	vst.add.f32.msk $0xffff, v4;
	s15 =	sadd.s32 s2, s5;
	s12 =	sor.u32 s0, s4  }
0x40e: {  	s2 =	sand.u32 $0x60, s31;
	s5 =	sadd.s32 $0xA100, s12;
	s12 =	sand.u32 $0x400, s31;
	[tilespmem:s21+$0x0] =	vst.add.f32.msk $0xffff, v5  }
0x40f: {  	s16 =	sadd.s32 s12, s26;
	[tilespmem:s30+$0x0] =	vst.add.f32.msk $0xffff, v6;
	s21 =	sor.u32 $0x10, s2  }
0x410: {  	s6 =	sadd.s32 s12, s5;
	[tilespmem:s15+$0xA900] =	vst.add.f32.msk $0xffff, v2;
	s12 =	sadd.s32 s21, s16  }
0x411: {  	s7 =	simm.s32 $0x2;
	v3 =	vld [tilespmem:s12+$0x380]  }
0x412: {  	s30 =	sadd.s32 s2, s16;
	s15 =	simm.s32 $0x100;
	s16 =	simm.s32 $0x20  }
0x413: {  	s29 =	sadd.s32 s21, s6;
	s14 =	sand.u32 $0x60, s16;
	s31 =	sand.u32 $0x400, s15;
	v4 =	vld [tilespmem:s30+$0x380]  }
0x414: {  	s8 =	sadd.s32 s31, s26;
	s28 =	sadd.s32 s31, s5;
	s21 =	sor.u32 $0x10, s14  }
.LBB2_77:
0x415: {  	s7 =	sadd.s32 $0x2, s7  }
0x416: {  	s12 =	sadd.s32 s14, s8;
	s8 =	sadd.s32 s21, s8;
	[tilespmem:s29+$0x0] =	vst.add.f32.msk $0xffff, v3;
	p1 =	slt.u32 s7, $0xE  }
.Ltmp48:
0x417: {  	s2 =	sadd.s32 s2, s6;
	v3 =	vld [tilespmem:s8+$0x380];
	(pc) =	sbr.rel @p1 .LBB2_77-.Ltmp48, $4  }
0x418: {  	s6 =	smov.u32 s28;
	[tilespmem:s2+$0x0] =	vst.add.f32.msk $0xffff, v4;
	s2 =	smov.u32 s14  }
0x419: {  	s15 =	sadd.s32 $0x100, s15;
	s16 =	sadd.s32 $0x20, s16;
	v4 =	vld [tilespmem:s12+$0x380]  }
0x41a: {  	s29 =	sadd.s32 s21, s6;
	s14 =	sand.u32 $0x60, s16;
	s12 =	sand.u32 $0x400, s15  }
0x41b: {  	s21 =	sor.u32 $0x10, s14;
	s8 =	sadd.s32 s12, s26;
	s28 =	sadd.s32 s12, s5  }
0x41c: {  	s5 =	sadd.s32 s21, s8  }
0x41d: {  	s7 =	sadd.s32 s14, s8;
	v5 =	vld [tilespmem:s5+$0x380]  }
0x41e: {  	v6 =	vld [tilespmem:s7+$0x380];
	_ =	sdelay $0x1  }
.Ltmp49:
0x41f: {  	[tilespmem:s29+$0x0] =	vst.add.f32.msk $0xffff, v3;
	s2 =	sadd.s32 s2, s6;
	(pc) =	sbr.rel .LBB2_82-.Ltmp49, $4  }
0x420: {  	s30 =	sadd.s32 s21, s28;
	[tilespmem:s2+$0x0] =	vst.add.f32.msk $0xffff, v4  }
0x421: {  	s31 =	sadd.s32 s14, s28;
	[tilespmem:s30+$0x0] =	vst.add.f32.msk $0xffff, v5  }
0x422: {  	s0 =	sadd.s32 s0, s4;
	[tilespmem:s31+$0x0] =	vst.add.f32.msk $0xffff, v6  }
0x423: {  	[tilespmem:s0+$0xA900] =	vst.add.f32.msk $0xffff, v2  }
.LBB2_85:
0x424: {  	_ =	sfence.sel $0x180000  }
0x425: {  	[bflag:$0x0] =	sbarrier.arrive $0xFFFF  }
0x426: {  	_ =	strace $0x90000047  }
0x427: {  	s0 =	stileid.u32;
	[bflag:$0x2] =	sbarrier.arrive $0xFFFF  }
0x428: {  	p0 =	sne.s32 s0, $0x0;
	s0 =	rddreg [dreg:$0x3]  }
0x429: {  	s0 =	sadd.s32 @!p0 $0x100000, s0  }
0x42a: {  	[sflag:s0] =	ssyncadd.tile.s32 @!p0 $0x1;
	_ =	shalt  }
.Lfunc_end2:
_tile_overlayer_lowered:
.L_overlay_start_2:
0x42b: {  	(tag) =	ssettag $0x2  }
0x42c: {  	s0 =	rddreg [dreg:$0x0];
	s2 =	stileid.u32  }
0x42d: {  	s1 =	rddreg [dreg:$0x1];
	p0 =	sne.s32 s2, $0x0  }
0x42e: {  	s3 =	rddreg [dreg:$0x2];
	[bflag:$0x3] =	sbarrier.arrive $0xFFFF;
	s2 =	simm.s32 @!p0 $0x1C05  }
0x42f: {  	[timem:s3], [sflag:s2] =	dma.local @!p0 [hbm:s0], s1  }
0x430: {  	s0 =	simm.s32 @!p0 $0x5  }
0x431: {  	_ =	swait.ge @!p0 [sflag:s0], s1  }
0x432: {  	s1 =	ssub.s32 @!p0 $0x0, s1;
	[sflag:s0] =	ssyncset.done @!p0 $0x0  }
0x433: {  	[sflag:s0] =	ssyncadd.s32 @!p0 s1  }
0x434: {  	[bflag:$0x3] =	sbarrier.arrive $0xFFFF  }
0x435: {  	_ =	shalt  }

</sc_bundles>
